<compile_context>
chip_gen: v7x
topology: tpu7x:2x2x1
jax: 0.10.2.dev20260603
libtpu: 0.0.44.dev20260713+nightly
codegen_flags: <defaults>
</compile_context>

<pallas_src>
import functools

import jax
import jax.numpy as jnp
from jax import lax
from jax.experimental import pallas as pl
from jax.experimental.pallas import tpu as pltpu
from jax.experimental.pallas import tpu_sc as plsc

_S = 32.0
_M = 0.5
_LOG2E = 1.4426950408889634
_LN2 = 0.6931471805599453


def _sc_gather_body(x_hbm, lab_hbm, out_hbm, lab_v, chunk_v, *, rpw):
    wid = lax.axis_index("s") * 2 + lax.axis_index("c")
    base = wid * rpw
    pltpu.sync_copy(lab_hbm.at[pl.ds(base, rpw)], lab_v)
    for h in range(rpw // 16):
        labs = lab_v[pl.ds(h * 16, 16)]
        for j in range(16):
            row = base + h * 16 + j
            lab_j = labs[j]
            start = (lab_j // 16) * 16
            pltpu.sync_copy(x_hbm.at[row, pl.ds(start, 16)], chunk_v)
            pltpu.sync_copy(chunk_v, out_hbm.at[row])


def _sc_gather(input, labels):
    b, _ = input.shape
    rpw = b // 32
    mesh = plsc.VectorSubcoreMesh(core_axis_name="c", subcore_axis_name="s")
    return pl.kernel(
        functools.partial(_sc_gather_body, rpw=rpw),
        out_type=jax.ShapeDtypeStruct((b, 16), jnp.float32),
        mesh=mesh,
        scratch_types=[
            pltpu.VMEM((rpw,), jnp.int32),
            pltpu.VMEM((16,), jnp.float32),
        ],
    )(input, labels)


def _loss_kernel(lab_ref, xl_ref, x_ref, out_ref, m_ref, s_ref, *, cb, c_total,
                 b_total, s_scale, margin):
    c = pl.program_id(0)
    nc = pl.num_programs(0)
    c1 = s_scale * _LOG2E
    dm = s_scale * margin * _LOG2E

    @pl.when(c == 0)
    def _init():
        m_ref[...] = jnp.full_like(m_ref, -jnp.inf)
        s_ref[...] = jnp.zeros_like(s_ref)

    def update(mask_pad):
        z = x_ref[...] * c1
        if mask_pad:
            cols = c * cb + jax.lax.broadcasted_iota(jnp.int32, z.shape, 1)
            z = jnp.where(cols < c_total, z, -jnp.inf)
        m_prev = m_ref[...]
        m_new = jnp.maximum(m_prev, jnp.max(z, axis=1, keepdims=True))
        s_ref[...] = s_ref[...] * jnp.exp2(m_prev - m_new) + jnp.sum(
            jnp.exp2(z - m_new), axis=1, keepdims=True)
        m_ref[...] = m_new

    @pl.when(c < nc - 1)
    def _main():
        update(False)

    @pl.when(c == nc - 1)
    def _tail():
        update(True)
        lab = lab_ref[0, 0, :][:, None]
        off = lab - (lab // 16) * 16
        sub = jax.lax.broadcasted_iota(jnp.int32, (xl_ref.shape[0], 16), 1)
        xl = jnp.sum(jnp.where(sub == off, xl_ref[...], 0.0), axis=1,
                     keepdims=True)
        zl = xl * c1
        m = m_ref[...]
        s = s_ref[...] - jnp.exp2(zl - m) + jnp.exp2(zl - dm - m)
        lse2 = m + jnp.log2(s)
        out_ref[0, 0] = _LN2 * jnp.sum(lse2 - (zl - dm)) / b_total


def kernel(input, labels):
    b, c_total = input.shape
    cb = 2048
    nc = pl.cdiv(c_total, cb)

    lab32 = labels.astype(jnp.int32)
    xlc = _sc_gather(input, lab32)
    lab3 = lab32.reshape(1, 1, b)

    out = pl.pallas_call(
        functools.partial(_loss_kernel, cb=cb, c_total=c_total, b_total=b,
                          s_scale=_S, margin=_M),
        grid=(nc,),
        in_specs=[
            pl.BlockSpec((1, 1, b), lambda c: (0, 0, 0)),
            pl.BlockSpec((b, 16), lambda c: (0, 0)),
            pl.BlockSpec((b, cb), lambda c: (0, c)),
        ],
        out_specs=pl.BlockSpec((1, 1), lambda c: (0, 0),
                               memory_space=pltpu.SMEM),
        out_shape=jax.ShapeDtypeStruct((1, 1), jnp.float32),
        scratch_shapes=[
            pltpu.VMEM((b, 1), jnp.float32),
            pltpu.VMEM((b, 1), jnp.float32),
        ],
        compiler_params=pltpu.CompilerParams(
            dimension_semantics=("arbitrary",)),
    )(lab3, xlc, input)
    return out[0, 0]

# --- scband reference (transcript-rebuilt; emitter-appended) ---
"""Pipeline reference for scband-cos-face-loss-28132035788978 (READ-ONLY COPY).

The authoritative reference and input builder live on the scoring server;
editing this copy changes nothing except your own understanding.
"""

import jax, jax.numpy as jnp
import numpy as np

S = 32.0
M = 0.5
B = 1024
C = 100000

def setup_inputs(seed: int = 0) -> dict:
    key = jax.random.key(seed)
    k1, k2 = jax.random.split(key)
    inp = jax.random.normal(k1, (B, C), dtype=jnp.float32)
    labels = jax.random.randint(k2, (B,), 0, C, dtype=jnp.int64 if jax.config.jax_enable_x64 else jnp.int32)
    return {"input": inp, "labels": labels}

def reference(input, labels):
    # one_hot scatter: subtract margin m at the label positions
    rows = jnp.arange(input.shape[0])
    one_hot = jnp.zeros(input.shape, dtype=input.dtype).at[rows, labels].set(1.0)
    logits = (input - one_hot * M) * S
    # cross entropy with integer labels (mean reduction, matching F.cross_entropy)
    lse = jax.scipy.special.logsumexp(logits, axis=1)
    tgt = jnp.take_along_axis(logits, labels[:, None], axis=1)[:, 0]
    loss = jnp.mean(lse - tgt)
    return loss

if __name__ == "__main__":
    import jax
    _d = setup_inputs()
    print(jax.jit(kernel)(*tuple(_d.values())))

</pallas_src>

<mosaic_0001>
#map = affine_map<(d0, d1) -> (0, 0)>
#map1 = affine_map<(d0, d1) -> (0)>
module attributes {stable_mosaic.version = 14 : i64} {
  func.func @_sc_gather_body(%arg0: i32, %arg1: i32, %arg2: memref<1024x100000xf32, #tpu.memory_space<hbm>>, %arg3: memref<1024xi32, #tpu.memory_space<hbm>>, %arg4: memref<1024x16xf32, #tpu.memory_space<hbm>>, %arg5: memref<32xi32, #tpu.memory_space<vmem>>, %arg6: memref<16xf32, #tpu.memory_space<vmem>>) attributes {dimension_semantics = [#tpu.dimension_semantics<core_parallel>, #tpu.dimension_semantics<subcore_parallel>], iteration_bounds = array<i64: 2, 16>, scalar_prefetch = 0 : i64, scratch_operands = 2 : i64, tpu.core_type = #tpu.core_type<sc_vector_subcore>, window_params = [{transform_indices = #map}, {transform_indices = #map1}, {transform_indices = #map}]} {
    %mul3A = arith.constant 2 : i32
    %mul3A_0 = arith.muli %arg1, %mul3A : i32
    %add3A = arith.addi %mul3A_0, %arg0 : i32
    %mul3A_1 = arith.constant 32 : i32
    %mul3A_2 = arith.muli %add3A, %mul3A_1 : i32
    "tpu.region"() ({
      %run_scoped3A = tpu.sem_alloc : memref<!tpu.dma_semaphore, #tpu.memory_space<semaphore_mem>>
      %dma_start3A = tpu.memref_slice %arg3[%mul3A_2] : memref<1024xi32, #tpu.memory_space<hbm>> -> memref<32xi32, #tpu.memory_space<hbm>>
      %dma_start3A_1022 = tpu.memref_slice %arg3[%mul3A_2] : memref<1024xi32, #tpu.memory_space<hbm>> -> memref<32xi32, #tpu.memory_space<hbm>>
      tpu.enqueue_dma source(%dma_start3A_1022 : memref<32xi32, #tpu.memory_space<hbm>>) target(%arg5 : memref<32xi32, #tpu.memory_space<vmem>>) target_semaphore(%run_scoped3A : memref<!tpu.dma_semaphore, #tpu.memory_space<semaphore_mem>>)
      %dma_wait3A = tpu.memref_slice %arg3[%mul3A_2] : memref<1024xi32, #tpu.memory_space<hbm>> -> memref<32xi32, #tpu.memory_space<hbm>>
      %dma_wait3A_1023 = tpu.memref_slice %arg3[%mul3A_2] : memref<1024xi32, #tpu.memory_space<hbm>> -> memref<32xi32, #tpu.memory_space<hbm>>
      tpu.wait_dma2 semaphore(%run_scoped3A : memref<!tpu.dma_semaphore, #tpu.memory_space<semaphore_mem>>) src(%dma_wait3A_1023 : memref<32xi32, #tpu.memory_space<hbm>>) dst(%arg5 : memref<32xi32, #tpu.memory_space<vmem>>)
      tpu.yield
    }) : () -> ()
    %get3A = arith.constant 0 : index
    %get3A_3 = tpu.vector_load %arg5[%get3A] {strides = array<i32>} : memref<32xi32, #tpu.memory_space<vmem>>, vector<16xi32>,
    %get3A_4 = vector.shape_cast %get3A_3 : vector<16xi32> to vector<16xi32>
    %add3A_5 = arith.constant 0 : i32
    %add3A_6 = arith.addi %mul3A_2, %add3A_5 : i32
    %add3A_7 = arith.constant 0 : i32
    %add3A_8 = arith.addi %add3A_6, %add3A_7 : i32
    %slice3A = vector.extract_strided_slice %get3A_4 {offsets = [0], sizes = [1], strides = [1]} : vector<16xi32> to vector<1xi32>
    %squeeze3A = vector.extract %slice3A[0] : i32 from vector<1xi32>
    %jit3A = arith.constant 16 : i32
    %div3A = arith.divsi %squeeze3A, %jit3A : i32
    %sign3A = arith.constant 0 : i32
    %sign3A_9 = arith.cmpi sgt, %squeeze3A, %sign3A : i32
    %sign3A_10 = arith.extui %sign3A_9 : i1 to i32
    %sign3A_11 = arith.constant 0 : i32
    %sign3A_12 = arith.cmpi slt, %squeeze3A, %sign3A_11 : i32
    %sign3A_13 = arith.extui %sign3A_12 : i1 to i32
    %sign3A_14 = arith.subi %sign3A_10, %sign3A_13 : i32
    %sign3A_15 = arith.constant 0 : i32
    %sign3A_16 = arith.cmpi sgt, %jit3A, %sign3A_15 : i32
    %sign3A_17 = arith.extui %sign3A_16 : i1 to i32
    %sign3A_18 = arith.constant 0 : i32
    %sign3A_19 = arith.cmpi slt, %jit3A, %sign3A_18 : i32
    %sign3A_20 = arith.extui %sign3A_19 : i1 to i32
    %sign3A_21 = arith.subi %sign3A_17, %sign3A_20 : i32
    %ne3A = arith.cmpi ne, %sign3A_14, %sign3A_21 : i32
    %rem3A = arith.remsi %squeeze3A, %jit3A : i32
    %ne3A_22 = arith.constant 0 : i32
    %ne3A_23 = arith.cmpi ne, %rem3A, %ne3A_22 : i32
    %and3A = arith.andi %ne3A, %ne3A_23 : i1
    %sub3A = arith.constant 1 : i32
    %sub3A_24 = arith.subi %div3A, %sub3A : i32
    %select_n3A = arith.select %and3A, %sub3A_24, %div3A : i32
    %mul3A_25 = arith.constant 16 : i32
    %mul3A_26 = arith.muli %select_n3A, %mul3A_25 : i32
    "tpu.region"() ({
      %run_scoped3A = tpu.sem_alloc : memref<!tpu.dma_semaphore, #tpu.memory_space<semaphore_mem>>
      %dma_start3A = tpu.memref_slice %arg2[%add3A_8, %mul3A_26] : memref<1024x100000xf32, #tpu.memory_space<hbm>> -> memref<1x16xf32, #tpu.memory_space<hbm>>
      %dma_start3A_1022 = tpu.memref_squeeze %dma_start3A : memref<1x16xf32, #tpu.memory_space<hbm>> -> memref<16xf32, #tpu.memory_space<hbm>>
      %dma_start3A_1023 = tpu.memref_slice %arg2[%add3A_8, %mul3A_26] : memref<1024x100000xf32, #tpu.memory_space<hbm>> -> memref<1x16xf32, #tpu.memory_space<hbm>>
      %dma_start3A_1024 = tpu.memref_squeeze %dma_start3A_1023 : memref<1x16xf32, #tpu.memory_space<hbm>> -> memref<16xf32, #tpu.memory_space<hbm>>
      tpu.enqueue_dma source(%dma_start3A_1024 : memref<16xf32, #tpu.memory_space<hbm>>) target(%arg6 : memref<16xf32, #tpu.memory_space<vmem>>) target_semaphore(%run_scoped3A : memref<!tpu.dma_semaphore, #tpu.memory_space<semaphore_mem>>)
      %dma_wait3A = tpu.memref_slice %arg2[%add3A_8, %mul3A_26] : memref<1024x100000xf32, #tpu.memory_space<hbm>> -> memref<1x16xf32, #tpu.memory_space<hbm>>
      %dma_wait3A_1025 = tpu.memref_squeeze %dma_wait3A : memref<1x16xf32, #tpu.memory_space<hbm>> -> memref<16xf32, #tpu.memory_space<hbm>>
      %dma_wait3A_1026 = tpu.memref_slice %arg2[%add3A_8, %mul3A_26] : memref<1024x100000xf32, #tpu.memory_space<hbm>> -> memref<1x16xf32, #tpu.memory_space<hbm>>
      %dma_wait3A_1027 = tpu.memref_squeeze %dma_wait3A_1026 : memref<1x16xf32, #tpu.memory_space<hbm>> -> memref<16xf32, #tpu.memory_space<hbm>>
      tpu.wait_dma2 semaphore(%run_scoped3A : memref<!tpu.dma_semaphore, #tpu.memory_space<semaphore_mem>>) src(%dma_wait3A_1027 : memref<16xf32, #tpu.memory_space<hbm>>) dst(%arg6 : memref<16xf32, #tpu.memory_space<vmem>>)
      tpu.yield
    }) : () -> ()
    "tpu.region"() ({
      %run_scoped3A = tpu.sem_alloc : memref<!tpu.dma_semaphore, #tpu.memory_space<semaphore_mem>>
      %dma_start3A = arith.constant 0 : i32
      %dma_start3A_1022 = tpu.memref_slice %arg4[%add3A_8, %dma_start3A] : memref<1024x16xf32, #tpu.memory_space<hbm>> -> memref<1x16xf32, #tpu.memory_space<hbm>>
      %dma_start3A_1023 = tpu.memref_squeeze %dma_start3A_1022 : memref<1x16xf32, #tpu.memory_space<hbm>> -> memref<16xf32, #tpu.memory_space<hbm>>
      %dma_start3A_1024 = arith.constant 0 : i32
      %dma_start3A_1025 = tpu.memref_slice %arg4[%add3A_8, %dma_start3A_1024] : memref<1024x16xf32, #tpu.memory_space<hbm>> -> memref<1x16xf32, #tpu.memory_space<hbm>>
      %dma_start3A_1026 = tpu.memref_squeeze %dma_start3A_1025 : memref<1x16xf32, #tpu.memory_space<hbm>> -> memref<16xf32, #tpu.memory_space<hbm>>
      tpu.enqueue_dma source(%arg6 : memref<16xf32, #tpu.memory_space<vmem>>) target(%dma_start3A_1026 : memref<16xf32, #tpu.memory_space<hbm>>) target_semaphore(%run_scoped3A : memref<!tpu.dma_semaphore, #tpu.memory_space<semaphore_mem>>)
      %dma_wait3A = arith.constant 0 : i32
      %dma_wait3A_1027 = tpu.memref_slice %arg4[%add3A_8, %dma_wait3A] : memref<1024x16xf32, #tpu.memory_space<hbm>> -> memref<1x16xf32, #tpu.memory_space<hbm>>
      %dma_wait3A_1028 = tpu.memref_squeeze %dma_wait3A_1027 : memref<1x16xf32, #tpu.memory_space<hbm>> -> memref<16xf32, #tpu.memory_space<hbm>>
      %dma_wait3A_1029 = arith.constant 0 : i32
      %dma_wait3A_1030 = tpu.memref_slice %arg4[%add3A_8, %dma_wait3A_1029] : memref<1024x16xf32, #tpu.memory_space<hbm>> -> memref<1x16xf32, #tpu.memory_space<hbm>>
      %dma_wait3A_1031 = tpu.memref_squeeze %dma_wait3A_1030 : memref<1x16xf32, #tpu.memory_space<hbm>> -> memref<16xf32, #tpu.memory_space<hbm>>
      tpu.wait_dma2 semaphore(%run_scoped3A : memref<!tpu.dma_semaphore, #tpu.memory_space<semaphore_mem>>) src(%arg6 : memref<16xf32, #tpu.memory_space<vmem>>) dst(%dma_wait3A_1031 : memref<16xf32, #tpu.memory_space<hbm>>)
      tpu.yield
    }) : () -> ()
    %add3A_27 = arith.constant 0 : i32
    %add3A_28 = arith.addi %mul3A_2, %add3A_27 : i32
    %add3A_29 = arith.constant 1 : i32
    %add3A_30 = arith.addi %add3A_28, %add3A_29 : i32
    %slice3A_31 = vector.extract_strided_slice %get3A_4 {offsets = [1], sizes = [1], strides = [1]} : vector<16xi32> to vector<1xi32>
    %squeeze3A_32 = vector.extract %slice3A_31[0] : i32 from vector<1xi32>
    %jit3A_33 = arith.constant 16 : i32
    %div3A_34 = arith.divsi %squeeze3A_32, %jit3A_33 : i32
    %sign3A_35 = arith.constant 0 : i32
    %sign3A_36 = arith.cmpi sgt, %squeeze3A_32, %sign3A_35 : i32
    %sign3A_37 = arith.extui %sign3A_36 : i1 to i32
    %sign3A_38 = arith.constant 0 : i32
    %sign3A_39 = arith.cmpi slt, %squeeze3A_32, %sign3A_38 : i32
    %sign3A_40 = arith.extui %sign3A_39 : i1 to i32
    %sign3A_41 = arith.subi %sign3A_37, %sign3A_40 : i32
    %sign3A_42 = arith.constant 0 : i32
    %sign3A_43 = arith.cmpi sgt, %jit3A_33, %sign3A_42 : i32
    %sign3A_44 = arith.extui %sign3A_43 : i1 to i32
    %sign3A_45 = arith.constant 0 : i32
    %sign3A_46 = arith.cmpi slt, %jit3A_33, %sign3A_45 : i32
    %sign3A_47 = arith.extui %sign3A_46 : i1 to i32
    %sign3A_48 = arith.subi %sign3A_44, %sign3A_47 : i32
    %ne3A_49 = arith.cmpi ne, %sign3A_41, %sign3A_48 : i32
    %rem3A_50 = arith.remsi %squeeze3A_32, %jit3A_33 : i32
    %ne3A_51 = arith.constant 0 : i32
    %ne3A_52 = arith.cmpi ne, %rem3A_50, %ne3A_51 : i32
    %and3A_53 = arith.andi %ne3A_49, %ne3A_52 : i1
    %sub3A_54 = arith.constant 1 : i32
    %sub3A_55 = arith.subi %div3A_34, %sub3A_54 : i32
    %select_n3A_56 = arith.select %and3A_53, %sub3A_55, %div3A_34 : i32
    %mul3A_57 = arith.constant 16 : i32
    %mul3A_58 = arith.muli %select_n3A_56, %mul3A_57 : i32
    "tpu.region"() ({
      %run_scoped3A = tpu.sem_alloc : memref<!tpu.dma_semaphore, #tpu.memory_space<semaphore_mem>>
      %dma_start3A = tpu.memref_slice %arg2[%add3A_30, %mul3A_58] : memref<1024x100000xf32, #tpu.memory_space<hbm>> -> memref<1x16xf32, #tpu.memory_space<hbm>>
      %dma_start3A_1022 = tpu.memref_squeeze %dma_start3A : memref<1x16xf32, #tpu.memory_space<hbm>> -> memref<16xf32, #tpu.memory_space<hbm>>
      %dma_start3A_1023 = tpu.memref_slice %arg2[%add3A_30, %mul3A_58] : memref<1024x100000xf32, #tpu.memory_space<hbm>> -> memref<1x16xf32, #tpu.memory_space<hbm>>
      %dma_start3A_1024 = tpu.memref_squeeze %dma_start3A_1023 : memref<1x16xf32, #tpu.memory_space<hbm>> -> memref<16xf32, #tpu.memory_space<hbm>>
      tpu.enqueue_dma source(%dma_start3A_1024 : memref<16xf32, #tpu.memory_space<hbm>>) target(%arg6 : memref<16xf32, #tpu.memory_space<vmem>>) target_semaphore(%run_scoped3A : memref<!tpu.dma_semaphore, #tpu.memory_space<semaphore_mem>>)
      %dma_wait3A = tpu.memref_slice %arg2[%add3A_30, %mul3A_58] : memref<1024x100000xf32, #tpu.memory_space<hbm>> -> memref<1x16xf32, #tpu.memory_space<hbm>>
      %dma_wait3A_1025 = tpu.memref_squeeze %dma_wait3A : memref<1x16xf32, #tpu.memory_space<hbm>> -> memref<16xf32, #tpu.memory_space<hbm>>
      %dma_wait3A_1026 = tpu.memref_slice %arg2[%add3A_30, %mul3A_58] : memref<1024x100000xf32, #tpu.memory_space<hbm>> -> memref<1x16xf32, #tpu.memory_space<hbm>>
      %dma_wait3A_1027 = tpu.memref_squeeze %dma_wait3A_1026 : memref<1x16xf32, #tpu.memory_space<hbm>> -> memref<16xf32, #tpu.memory_space<hbm>>
      tpu.wait_dma2 semaphore(%run_scoped3A : memref<!tpu.dma_semaphore, #tpu.memory_space<semaphore_mem>>) src(%dma_wait3A_1027 : memref<16xf32, #tpu.memory_space<hbm>>) dst(%arg6 : memref<16xf32, #tpu.memory_space<vmem>>)
      tpu.yield
    }) : () -> ()
    "tpu.region"() ({
      %run_scoped3A = tpu.sem_alloc : memref<!tpu.dma_semaphore, #tpu.memory_space<semaphore_mem>>
      %dma_start3A = arith.constant 0 : i32
      %dma_start3A_1022 = tpu.memref_slice %arg4[%add3A_30, %dma_start3A] : memref<1024x16xf32, #tpu.memory_space<hbm>> -> memref<1x16xf32, #tpu.memory_space<hbm>>
      %dma_start3A_1023 = tpu.memref_squeeze %dma_start3A_1022 : memref<1x16xf32, #tpu.memory_space<hbm>> -> memref<16xf32, #tpu.memory_space<hbm>>
      %dma_start3A_1024 = arith.constant 0 : i32
      %dma_start3A_1025 = tpu.memref_slice %arg4[%add3A_30, %dma_start3A_1024] : memref<1024x16xf32, #tpu.memory_space<hbm>> -> memref<1x16xf32, #tpu.memory_space<hbm>>
      %dma_start3A_1026 = tpu.memref_squeeze %dma_start3A_1025 : memref<1x16xf32, #tpu.memory_space<hbm>> -> memref<16xf32, #tpu.memory_space<hbm>>
      tpu.enqueue_dma source(%arg6 : memref<16xf32, #tpu.memory_space<vmem>>) target(%dma_start3A_1026 : memref<16xf32, #tpu.memory_space<hbm>>) target_semaphore(%run_scoped3A : memref<!tpu.dma_semaphore, #tpu.memory_space<semaphore_mem>>)
      %dma_wait3A = arith.constant 0 : i32
      %dma_wait3A_1027 = tpu.memref_slice %arg4[%add3A_30, %dma_wait3A] : memref<1024x16xf32, #tpu.memory_space<hbm>> -> memref<1x16xf32, #tpu.memory_space<hbm>>
      %dma_wait3A_1028 = tpu.memref_squeeze %dma_wait3A_1027 : memref<1x16xf32, #tpu.memory_space<hbm>> -> memref<16xf32, #tpu.memory_space<hbm>>
      %dma_wait3A_1029 = arith.constant 0 : i32
      %dma_wait3A_1030 = tpu.memref_slice %arg4[%add3A_30, %dma_wait3A_1029] : memref<1024x16xf32, #tpu.memory_space<hbm>> -> memref<1x16xf32, #tpu.memory_space<hbm>>
      %dma_wait3A_1031 = tpu.memref_squeeze %dma_wait3A_1030 : memref<1x16xf32, #tpu.memory_space<hbm>> -> memref<16xf32, #tpu.memory_space<hbm>>
      tpu.wait_dma2 semaphore(%run_scoped3A : memref<!tpu.dma_semaphore, #tpu.memory_space<semaphore_mem>>) src(%arg6 : memref<16xf32, #tpu.memory_space<vmem>>) dst(%dma_wait3A_1031 : memref<16xf32, #tpu.memory_space<hbm>>)
      tpu.yield
    }) : () -> ()
    %add3A_59 = arith.constant 0 : i32
    %add3A_60 = arith.addi %mul3A_2, %add3A_59 : i32
    %add3A_61 = arith.constant 2 : i32
    %add3A_62 = arith.addi %add3A_60, %add3A_61 : i32
    %slice3A_63 = vector.extract_strided_slice %get3A_4 {offsets = [2], sizes = [1], strides = [1]} : vector<16xi32> to vector<1xi32>
    %squeeze3A_64 = vector.extract %slice3A_63[0] : i32 from vector<1xi32>
    %jit3A_65 = arith.constant 16 : i32
    %div3A_66 = arith.divsi %squeeze3A_64, %jit3A_65 : i32
    %sign3A_67 = arith.constant 0 : i32
    %sign3A_68 = arith.cmpi sgt, %squeeze3A_64, %sign3A_67 : i32
    %sign3A_69 = arith.extui %sign3A_68 : i1 to i32
    %sign3A_70 = arith.constant 0 : i32
    %sign3A_71 = arith.cmpi slt, %squeeze3A_64, %sign3A_70 : i32
    %sign3A_72 = arith.extui %sign3A_71 : i1 to i32
    %sign3A_73 = arith.subi %sign3A_69, %sign3A_72 : i32
    %sign3A_74 = arith.constant 0 : i32
    %sign3A_75 = arith.cmpi sgt, %jit3A_65, %sign3A_74 : i32
    %sign3A_76 = arith.extui %sign3A_75 : i1 to i32
    %sign3A_77 = arith.constant 0 : i32
    %sign3A_78 = arith.cmpi slt, %jit3A_65, %sign3A_77 : i32
    %sign3A_79 = arith.extui %sign3A_78 : i1 to i32
    %sign3A_80 = arith.subi %sign3A_76, %sign3A_79 : i32
    %ne3A_81 = arith.cmpi ne, %sign3A_73, %sign3A_80 : i32
    %rem3A_82 = arith.remsi %squeeze3A_64, %jit3A_65 : i32
    %ne3A_83 = arith.constant 0 : i32
    %ne3A_84 = arith.cmpi ne, %rem3A_82, %ne3A_83 : i32
    %and3A_85 = arith.andi %ne3A_81, %ne3A_84 : i1
    %sub3A_86 = arith.constant 1 : i32
    %sub3A_87 = arith.subi %div3A_66, %sub3A_86 : i32
    %select_n3A_88 = arith.select %and3A_85, %sub3A_87, %div3A_66 : i32
    %mul3A_89 = arith.constant 16 : i32
    %mul3A_90 = arith.muli %select_n3A_88, %mul3A_89 : i32
    "tpu.region"() ({
      %run_scoped3A = tpu.sem_alloc : memref<!tpu.dma_semaphore, #tpu.memory_space<semaphore_mem>>
      %dma_start3A = tpu.memref_slice %arg2[%add3A_62, %mul3A_90] : memref<1024x100000xf32, #tpu.memory_space<hbm>> -> memref<1x16xf32, #tpu.memory_space<hbm>>
      %dma_start3A_1022 = tpu.memref_squeeze %dma_start3A : memref<1x16xf32, #tpu.memory_space<hbm>> -> memref<16xf32, #tpu.memory_space<hbm>>
      %dma_start3A_1023 = tpu.memref_slice %arg2[%add3A_62, %mul3A_90] : memref<1024x100000xf32, #tpu.memory_space<hbm>> -> memref<1x16xf32, #tpu.memory_space<hbm>>
      %dma_start3A_1024 = tpu.memref_squeeze %dma_start3A_1023 : memref<1x16xf32, #tpu.memory_space<hbm>> -> memref<16xf32, #tpu.memory_space<hbm>>
      tpu.enqueue_dma source(%dma_start3A_1024 : memref<16xf32, #tpu.memory_space<hbm>>) target(%arg6 : memref<16xf32, #tpu.memory_space<vmem>>) target_semaphore(%run_scoped3A : memref<!tpu.dma_semaphore, #tpu.memory_space<semaphore_mem>>)
      %dma_wait3A = tpu.memref_slice %arg2[%add3A_62, %mul3A_90] : memref<1024x100000xf32, #tpu.memory_space<hbm>> -> memref<1x16xf32, #tpu.memory_space<hbm>>
      %dma_wait3A_1025 = tpu.memref_squeeze %dma_wait3A : memref<1x16xf32, #tpu.memory_space<hbm>> -> memref<16xf32, #tpu.memory_space<hbm>>
      %dma_wait3A_1026 = tpu.memref_slice %arg2[%add3A_62, %mul3A_90] : memref<1024x100000xf32, #tpu.memory_space<hbm>> -> memref<1x16xf32, #tpu.memory_space<hbm>>
      %dma_wait3A_1027 = tpu.memref_squeeze %dma_wait3A_1026 : memref<1x16xf32, #tpu.memory_space<hbm>> -> memref<16xf32, #tpu.memory_space<hbm>>
      tpu.wait_dma2 semaphore(%run_scoped3A : memref<!tpu.dma_semaphore, #tpu.memory_space<semaphore_mem>>) src(%dma_wait3A_1027 : memref<16xf32, #tpu.memory_space<hbm>>) dst(%arg6 : memref<16xf32, #tpu.memory_space<vmem>>)
      tpu.yield
    }) : () -> ()
    "tpu.region"() ({
      %run_scoped3A = tpu.sem_alloc : memref<!tpu.dma_semaphore, #tpu.memory_space<semaphore_mem>>
      %dma_start3A = arith.constant 0 : i32
      %dma_start3A_1022 = tpu.memref_slice %arg4[%add3A_62, %dma_start3A] : memref<1024x16xf32, #tpu.memory_space<hbm>> -> memref<1x16xf32, #tpu.memory_space<hbm>>
      %dma_start3A_1023 = tpu.memref_squeeze %dma_start3A_1022 : memref<1x16xf32, #tpu.memory_space<hbm>> -> memref<16xf32, #tpu.memory_space<hbm>>
      %dma_start3A_1024 = arith.constant 0 : i32
      %dma_start3A_1025 = tpu.memref_slice %arg4[%add3A_62, %dma_start3A_1024] : memref<1024x16xf32, #tpu.memory_space<hbm>> -> memref<1x16xf32, #tpu.memory_space<hbm>>
      %dma_start3A_1026 = tpu.memref_squeeze %dma_start3A_1025 : memref<1x16xf32, #tpu.memory_space<hbm>> -> memref<16xf32, #tpu.memory_space<hbm>>
      tpu.enqueue_dma source(%arg6 : memref<16xf32, #tpu.memory_space<vmem>>) target(%dma_start3A_1026 : memref<16xf32, #tpu.memory_space<hbm>>) target_semaphore(%run_scoped3A : memref<!tpu.dma_semaphore, #tpu.memory_space<semaphore_mem>>)
      %dma_wait3A = arith.constant 0 : i32
      %dma_wait3A_1027 = tpu.memref_slice %arg4[%add3A_62, %dma_wait3A] : memref<1024x16xf32, #tpu.memory_space<hbm>> -> memref<1x16xf32, #tpu.memory_space<hbm>>
      %dma_wait3A_1028 = tpu.memref_squeeze %dma_wait3A_1027 : memref<1x16xf32, #tpu.memory_space<hbm>> -> memref<16xf32, #tpu.memory_space<hbm>>
      %dma_wait3A_1029 = arith.constant 0 : i32
      %dma_wait3A_1030 = tpu.memref_slice %arg4[%add3A_62, %dma_wait3A_1029] : memref<1024x16xf32, #tpu.memory_space<hbm>> -> memref<1x16xf32, #tpu.memory_space<hbm>>
      %dma_wait3A_1031 = tpu.memref_squeeze %dma_wait3A_1030 : memref<1x16xf32, #tpu.memory_space<hbm>> -> memref<16xf32, #tpu.memory_space<hbm>>
      tpu.wait_dma2 semaphore(%run_scoped3A : memref<!tpu.dma_semaphore, #tpu.memory_space<semaphore_mem>>) src(%arg6 : memref<16xf32, #tpu.memory_space<vmem>>) dst(%dma_wait3A_1031 : memref<16xf32, #tpu.memory_space<hbm>>)
      tpu.yield
    }) : () -> ()
    %add3A_91 = arith.constant 0 : i32
    %add3A_92 = arith.addi %mul3A_2, %add3A_91 : i32
    %add3A_93 = arith.constant 3 : i32
    %add3A_94 = arith.addi %add3A_92, %add3A_93 : i32
    %slice3A_95 = vector.extract_strided_slice %get3A_4 {offsets = [3], sizes = [1], strides = [1]} : vector<16xi32> to vector<1xi32>
    %squeeze3A_96 = vector.extract %slice3A_95[0] : i32 from vector<1xi32>
    %jit3A_97 = arith.constant 16 : i32
    %div3A_98 = arith.divsi %squeeze3A_96, %jit3A_97 : i32
    %sign3A_99 = arith.constant 0 : i32
    %sign3A_100 = arith.cmpi sgt, %squeeze3A_96, %sign3A_99 : i32
    %sign3A_101 = arith.extui %sign3A_100 : i1 to i32
    %sign3A_102 = arith.constant 0 : i32
    %sign3A_103 = arith.cmpi slt, %squeeze3A_96, %sign3A_102 : i32
    %sign3A_104 = arith.extui %sign3A_103 : i1 to i32
    %sign3A_105 = arith.subi %sign3A_101, %sign3A_104 : i32
    %sign3A_106 = arith.constant 0 : i32
    %sign3A_107 = arith.cmpi sgt, %jit3A_97, %sign3A_106 : i32
    %sign3A_108 = arith.extui %sign3A_107 : i1 to i32
    %sign3A_109 = arith.constant 0 : i32
    %sign3A_110 = arith.cmpi slt, %jit3A_97, %sign3A_109 : i32
    %sign3A_111 = arith.extui %sign3A_110 : i1 to i32
    %sign3A_112 = arith.subi %sign3A_108, %sign3A_111 : i32
    %ne3A_113 = arith.cmpi ne, %sign3A_105, %sign3A_112 : i32
    %rem3A_114 = arith.remsi %squeeze3A_96, %jit3A_97 : i32
    %ne3A_115 = arith.constant 0 : i32
    %ne3A_116 = arith.cmpi ne, %rem3A_114, %ne3A_115 : i32
    %and3A_117 = arith.andi %ne3A_113, %ne3A_116 : i1
    %sub3A_118 = arith.constant 1 : i32
    %sub3A_119 = arith.subi %div3A_98, %sub3A_118 : i32
    %select_n3A_120 = arith.select %and3A_117, %sub3A_119, %div3A_98 : i32
    %mul3A_121 = arith.constant 16 : i32
    %mul3A_122 = arith.muli %select_n3A_120, %mul3A_121 : i32
    "tpu.region"() ({
      %run_scoped3A = tpu.sem_alloc : memref<!tpu.dma_semaphore, #tpu.memory_space<semaphore_mem>>
      %dma_start3A = tpu.memref_slice %arg2[%add3A_94, %mul3A_122] : memref<1024x100000xf32, #tpu.memory_space<hbm>> -> memref<1x16xf32, #tpu.memory_space<hbm>>
      %dma_start3A_1022 = tpu.memref_squeeze %dma_start3A : memref<1x16xf32, #tpu.memory_space<hbm>> -> memref<16xf32, #tpu.memory_space<hbm>>
      %dma_start3A_1023 = tpu.memref_slice %arg2[%add3A_94, %mul3A_122] : memref<1024x100000xf32, #tpu.memory_space<hbm>> -> memref<1x16xf32, #tpu.memory_space<hbm>>
      %dma_start3A_1024 = tpu.memref_squeeze %dma_start3A_1023 : memref<1x16xf32, #tpu.memory_space<hbm>> -> memref<16xf32, #tpu.memory_space<hbm>>
      tpu.enqueue_dma source(%dma_start3A_1024 : memref<16xf32, #tpu.memory_space<hbm>>) target(%arg6 : memref<16xf32, #tpu.memory_space<vmem>>) target_semaphore(%run_scoped3A : memref<!tpu.dma_semaphore, #tpu.memory_space<semaphore_mem>>)
      %dma_wait3A = tpu.memref_slice %arg2[%add3A_94, %mul3A_122] : memref<1024x100000xf32, #tpu.memory_space<hbm>> -> memref<1x16xf32, #tpu.memory_space<hbm>>
      %dma_wait3A_1025 = tpu.memref_squeeze %dma_wait3A : memref<1x16xf32, #tpu.memory_space<hbm>> -> memref<16xf32, #tpu.memory_space<hbm>>
      %dma_wait3A_1026 = tpu.memref_slice %arg2[%add3A_94, %mul3A_122] : memref<1024x100000xf32, #tpu.memory_space<hbm>> -> memref<1x16xf32, #tpu.memory_space<hbm>>
      %dma_wait3A_1027 = tpu.memref_squeeze %dma_wait3A_1026 : memref<1x16xf32, #tpu.memory_space<hbm>> -> memref<16xf32, #tpu.memory_space<hbm>>
      tpu.wait_dma2 semaphore(%run_scoped3A : memref<!tpu.dma_semaphore, #tpu.memory_space<semaphore_mem>>) src(%dma_wait3A_1027 : memref<16xf32, #tpu.memory_space<hbm>>) dst(%arg6 : memref<16xf32, #tpu.memory_space<vmem>>)
      tpu.yield
    }) : () -> ()
    "tpu.region"() ({
      %run_scoped3A = tpu.sem_alloc : memref<!tpu.dma_semaphore, #tpu.memory_space<semaphore_mem>>
      %dma_start3A = arith.constant 0 : i32
      %dma_start3A_1022 = tpu.memref_slice %arg4[%add3A_94, %dma_start3A] : memref<1024x16xf32, #tpu.memory_space<hbm>> -> memref<1x16xf32, #tpu.memory_space<hbm>>
      %dma_start3A_1023 = tpu.memref_squeeze %dma_start3A_1022 : memref<1x16xf32, #tpu.memory_space<hbm>> -> memref<16xf32, #tpu.memory_space<hbm>>
      %dma_start3A_1024 = arith.constant 0 : i32
      %dma_start3A_1025 = tpu.memref_slice %arg4[%add3A_94, %dma_start3A_1024] : memref<1024x16xf32, #tpu.memory_space<hbm>> -> memref<1x16xf32, #tpu.memory_space<hbm>>
      %dma_start3A_1026 = tpu.memref_squeeze %dma_start3A_1025 : memref<1x16xf32, #tpu.memory_space<hbm>> -> memref<16xf32, #tpu.memory_space<hbm>>
      tpu.enqueue_dma source(%arg6 : memref<16xf32, #tpu.memory_space<vmem>>) target(%dma_start3A_1026 : memref<16xf32, #tpu.memory_space<hbm>>) target_semaphore(%run_scoped3A : memref<!tpu.dma_semaphore, #tpu.memory_space<semaphore_mem>>)
      %dma_wait3A = arith.constant 0 : i32
      %dma_wait3A_1027 = tpu.memref_slice %arg4[%add3A_94, %dma_wait3A] : memref<1024x16xf32, #tpu.memory_space<hbm>> -> memref<1x16xf32, #tpu.memory_space<hbm>>
      %dma_wait3A_1028 = tpu.memref_squeeze %dma_wait3A_1027 : memref<1x16xf32, #tpu.memory_space<hbm>> -> memref<16xf32, #tpu.memory_space<hbm>>
      %dma_wait3A_1029 = arith.constant 0 : i32
      %dma_wait3A_1030 = tpu.memref_slice %arg4[%add3A_94, %dma_wait3A_1029] : memref<1024x16xf32, #tpu.memory_space<hbm>> -> memref<1x16xf32, #tpu.memory_space<hbm>>
      %dma_wait3A_1031 = tpu.memref_squeeze %dma_wait3A_1030 : memref<1x16xf32, #tpu.memory_space<hbm>> -> memref<16xf32, #tpu.memory_space<hbm>>
      tpu.wait_dma2 semaphore(%run_scoped3A : memref<!tpu.dma_semaphore, #tpu.memory_space<semaphore_mem>>) src(%arg6 : memref<16xf32, #tpu.memory_space<vmem>>) dst(%dma_wait3A_1031 : memref<16xf32, #tpu.memory_space<hbm>>)
      tpu.yield
    }) : () -> ()
    %add3A_123 = arith.constant 0 : i32
    %add3A_124 = arith.addi %mul3A_2, %add3A_123 : i32
    %add3A_125 = arith.constant 4 : i32
    %add3A_126 = arith.addi %add3A_124, %add3A_125 : i32
    %slice3A_127 = vector.extract_strided_slice %get3A_4 {offsets = [4], sizes = [1], strides = [1]} : vector<16xi32> to vector<1xi32>
    %squeeze3A_128 = vector.extract %slice3A_127[0] : i32 from vector<1xi32>
    %jit3A_129 = arith.constant 16 : i32
    %div3A_130 = arith.divsi %squeeze3A_128, %jit3A_129 : i32
    %sign3A_131 = arith.constant 0 : i32
    %sign3A_132 = arith.cmpi sgt, %squeeze3A_128, %sign3A_131 : i32
    %sign3A_133 = arith.extui %sign3A_132 : i1 to i32
    %sign3A_134 = arith.constant 0 : i32
    %sign3A_135 = arith.cmpi slt, %squeeze3A_128, %sign3A_134 : i32
    %sign3A_136 = arith.extui %sign3A_135 : i1 to i32
    %sign3A_137 = arith.subi %sign3A_133, %sign3A_136 : i32
    %sign3A_138 = arith.constant 0 : i32
    %sign3A_139 = arith.cmpi sgt, %jit3A_129, %sign3A_138 : i32
    %sign3A_140 = arith.extui %sign3A_139 : i1 to i32
    %sign3A_141 = arith.constant 0 : i32
    %sign3A_142 = arith.cmpi slt, %jit3A_129, %sign3A_141 : i32
    %sign3A_143 = arith.extui %sign3A_142 : i1 to i32
    %sign3A_144 = arith.subi %sign3A_140, %sign3A_143 : i32
    %ne3A_145 = arith.cmpi ne, %sign3A_137, %sign3A_144 : i32
    %rem3A_146 = arith.remsi %squeeze3A_128, %jit3A_129 : i32
    %ne3A_147 = arith.constant 0 : i32
    %ne3A_148 = arith.cmpi ne, %rem3A_146, %ne3A_147 : i32
    %and3A_149 = arith.andi %ne3A_145, %ne3A_148 : i1
    %sub3A_150 = arith.constant 1 : i32
    %sub3A_151 = arith.subi %div3A_130, %sub3A_150 : i32
    %select_n3A_152 = arith.select %and3A_149, %sub3A_151, %div3A_130 : i32
    %mul3A_153 = arith.constant 16 : i32
    %mul3A_154 = arith.muli %select_n3A_152, %mul3A_153 : i32
    "tpu.region"() ({
      %run_scoped3A = tpu.sem_alloc : memref<!tpu.dma_semaphore, #tpu.memory_space<semaphore_mem>>
      %dma_start3A = tpu.memref_slice %arg2[%add3A_126, %mul3A_154] : memref<1024x100000xf32, #tpu.memory_space<hbm>> -> memref<1x16xf32, #tpu.memory_space<hbm>>
      %dma_start3A_1022 = tpu.memref_squeeze %dma_start3A : memref<1x16xf32, #tpu.memory_space<hbm>> -> memref<16xf32, #tpu.memory_space<hbm>>
      %dma_start3A_1023 = tpu.memref_slice %arg2[%add3A_126, %mul3A_154] : memref<1024x100000xf32, #tpu.memory_space<hbm>> -> memref<1x16xf32, #tpu.memory_space<hbm>>
      %dma_start3A_1024 = tpu.memref_squeeze %dma_start3A_1023 : memref<1x16xf32, #tpu.memory_space<hbm>> -> memref<16xf32, #tpu.memory_space<hbm>>
      tpu.enqueue_dma source(%dma_start3A_1024 : memref<16xf32, #tpu.memory_space<hbm>>) target(%arg6 : memref<16xf32, #tpu.memory_space<vmem>>) target_semaphore(%run_scoped3A : memref<!tpu.dma_semaphore, #tpu.memory_space<semaphore_mem>>)
      %dma_wait3A = tpu.memref_slice %arg2[%add3A_126, %mul3A_154] : memref<1024x100000xf32, #tpu.memory_space<hbm>> -> memref<1x16xf32, #tpu.memory_space<hbm>>
      %dma_wait3A_1025 = tpu.memref_squeeze %dma_wait3A : memref<1x16xf32, #tpu.memory_space<hbm>> -> memref<16xf32, #tpu.memory_space<hbm>>
      %dma_wait3A_1026 = tpu.memref_slice %arg2[%add3A_126, %mul3A_154] : memref<1024x100000xf32, #tpu.memory_space<hbm>> -> memref<1x16xf32, #tpu.memory_space<hbm>>
      %dma_wait3A_1027 = tpu.memref_squeeze %dma_wait3A_1026 : memref<1x16xf32, #tpu.memory_space<hbm>> -> memref<16xf32, #tpu.memory_space<hbm>>
      tpu.wait_dma2 semaphore(%run_scoped3A : memref<!tpu.dma_semaphore, #tpu.memory_space<semaphore_mem>>) src(%dma_wait3A_1027 : memref<16xf32, #tpu.memory_space<hbm>>) dst(%arg6 : memref<16xf32, #tpu.memory_space<vmem>>)
      tpu.yield
    }) : () -> ()
    "tpu.region"() ({
      %run_scoped3A = tpu.sem_alloc : memref<!tpu.dma_semaphore, #tpu.memory_space<semaphore_mem>>
      %dma_start3A = arith.constant 0 : i32
      %dma_start3A_1022 = tpu.memref_slice %arg4[%add3A_126, %dma_start3A] : memref<1024x16xf32, #tpu.memory_space<hbm>> -> memref<1x16xf32, #tpu.memory_space<hbm>>
      %dma_start3A_1023 = tpu.memref_squeeze %dma_start3A_1022 : memref<1x16xf32, #tpu.memory_space<hbm>> -> memref<16xf32, #tpu.memory_space<hbm>>
      %dma_start3A_1024 = arith.constant 0 : i32
      %dma_start3A_1025 = tpu.memref_slice %arg4[%add3A_126, %dma_start3A_1024] : memref<1024x16xf32, #tpu.memory_space<hbm>> -> memref<1x16xf32, #tpu.memory_space<hbm>>
      %dma_start3A_1026 = tpu.memref_squeeze %dma_start3A_1025 : memref<1x16xf32, #tpu.memory_space<hbm>> -> memref<16xf32, #tpu.memory_space<hbm>>
      tpu.enqueue_dma source(%arg6 : memref<16xf32, #tpu.memory_space<vmem>>) target(%dma_start3A_1026 : memref<16xf32, #tpu.memory_space<hbm>>) target_semaphore(%run_scoped3A : memref<!tpu.dma_semaphore, #tpu.memory_space<semaphore_mem>>)
      %dma_wait3A = arith.constant 0 : i32
      %dma_wait3A_1027 = tpu.memref_slice %arg4[%add3A_126, %dma_wait3A] : memref<1024x16xf32, #tpu.memory_space<hbm>> -> memref<1x16xf32, #tpu.memory_space<hbm>>
      %dma_wait3A_1028 = tpu.memref_squeeze %dma_wait3A_1027 : memref<1x16xf32, #tpu.memory_space<hbm>> -> memref<16xf32, #tpu.memory_space<hbm>>
      %dma_wait3A_1029 = arith.constant 0 : i32
      %dma_wait3A_1030 = tpu.memref_slice %arg4[%add3A_126, %dma_wait3A_1029] : memref<1024x16xf32, #tpu.memory_space<hbm>> -> memref<1x16xf32, #tpu.memory_space<hbm>>
      %dma_wait3A_1031 = tpu.memref_squeeze %dma_wait3A_1030 : memref<1x16xf32, #tpu.memory_space<hbm>> -> memref<16xf32, #tpu.memory_space<hbm>>
      tpu.wait_dma2 semaphore(%run_scoped3A : memref<!tpu.dma_semaphore, #tpu.memory_space<semaphore_mem>>) src(%arg6 : memref<16xf32, #tpu.memory_space<vmem>>) dst(%dma_wait3A_1031 : memref<16xf32, #tpu.memory_space<hbm>>)
      tpu.yield
    }) : () -> ()
    %add3A_155 = arith.constant 0 : i32
    %add3A_156 = arith.addi %mul3A_2, %add3A_155 : i32
    %add3A_157 = arith.constant 5 : i32
    %add3A_158 = arith.addi %add3A_156, %add3A_157 : i32
    %slice3A_159 = vector.extract_strided_slice %get3A_4 {offsets = [5], sizes = [1], strides = [1]} : vector<16xi32> to vector<1xi32>
    %squeeze3A_160 = vector.extract %slice3A_159[0] : i32 from vector<1xi32>
    %jit3A_161 = arith.constant 16 : i32
    %div3A_162 = arith.divsi %squeeze3A_160, %jit3A_161 : i32
    %sign3A_163 = arith.constant 0 : i32
    %sign3A_164 = arith.cmpi sgt, %squeeze3A_160, %sign3A_163 : i32
    %sign3A_165 = arith.extui %sign3A_164 : i1 to i32
    %sign3A_166 = arith.constant 0 : i32
    %sign3A_167 = arith.cmpi slt, %squeeze3A_160, %sign3A_166 : i32
    %sign3A_168 = arith.extui %sign3A_167 : i1 to i32
    %sign3A_169 = arith.subi %sign3A_165, %sign3A_168 : i32
    %sign3A_170 = arith.constant 0 : i32
    %sign3A_171 = arith.cmpi sgt, %jit3A_161, %sign3A_170 : i32
    %sign3A_172 = arith.extui %sign3A_171 : i1 to i32
    %sign3A_173 = arith.constant 0 : i32
    %sign3A_174 = arith.cmpi slt, %jit3A_161, %sign3A_173 : i32
    %sign3A_175 = arith.extui %sign3A_174 : i1 to i32
    %sign3A_176 = arith.subi %sign3A_172, %sign3A_175 : i32
    %ne3A_177 = arith.cmpi ne, %sign3A_169, %sign3A_176 : i32
    %rem3A_178 = arith.remsi %squeeze3A_160, %jit3A_161 : i32
    %ne3A_179 = arith.constant 0 : i32
    %ne3A_180 = arith.cmpi ne, %rem3A_178, %ne3A_179 : i32
    %and3A_181 = arith.andi %ne3A_177, %ne3A_180 : i1
    %sub3A_182 = arith.constant 1 : i32
    %sub3A_183 = arith.subi %div3A_162, %sub3A_182 : i32
    %select_n3A_184 = arith.select %and3A_181, %sub3A_183, %div3A_162 : i32
    %mul3A_185 = arith.constant 16 : i32
    %mul3A_186 = arith.muli %select_n3A_184, %mul3A_185 : i32
    "tpu.region"() ({
      %run_scoped3A = tpu.sem_alloc : memref<!tpu.dma_semaphore, #tpu.memory_space<semaphore_mem>>
      %dma_start3A = tpu.memref_slice %arg2[%add3A_158, %mul3A_186] : memref<1024x100000xf32, #tpu.memory_space<hbm>> -> memref<1x16xf32, #tpu.memory_space<hbm>>
      %dma_start3A_1022 = tpu.memref_squeeze %dma_start3A : memref<1x16xf32, #tpu.memory_space<hbm>> -> memref<16xf32, #tpu.memory_space<hbm>>
      %dma_start3A_1023 = tpu.memref_slice %arg2[%add3A_158, %mul3A_186] : memref<1024x100000xf32, #tpu.memory_space<hbm>> -> memref<1x16xf32, #tpu.memory_space<hbm>>
      %dma_start3A_1024 = tpu.memref_squeeze %dma_start3A_1023 : memref<1x16xf32, #tpu.memory_space<hbm>> -> memref<16xf32, #tpu.memory_space<hbm>>
      tpu.enqueue_dma source(%dma_start3A_1024 : memref<16xf32, #tpu.memory_space<hbm>>) target(%arg6 : memref<16xf32, #tpu.memory_space<vmem>>) target_semaphore(%run_scoped3A : memref<!tpu.dma_semaphore, #tpu.memory_space<semaphore_mem>>)
      %dma_wait3A = tpu.memref_slice %arg2[%add3A_158, %mul3A_186] : memref<1024x100000xf32, #tpu.memory_space<hbm>> -> memref<1x16xf32, #tpu.memory_space<hbm>>
      %dma_wait3A_1025 = tpu.memref_squeeze %dma_wait3A : memref<1x16xf32, #tpu.memory_space<hbm>> -> memref<16xf32, #tpu.memory_space<hbm>>
      %dma_wait3A_1026 = tpu.memref_slice %arg2[%add3A_158, %mul3A_186] : memref<1024x100000xf32, #tpu.memory_space<hbm>> -> memref<1x16xf32, #tpu.memory_space<hbm>>
      %dma_wait3A_1027 = tpu.memref_squeeze %dma_wait3A_1026 : memref<1x16xf32, #tpu.memory_space<hbm>> -> memref<16xf32, #tpu.memory_space<hbm>>
      tpu.wait_dma2 semaphore(%run_scoped3A : memref<!tpu.dma_semaphore, #tpu.memory_space<semaphore_mem>>) src(%dma_wait3A_1027 : memref<16xf32, #tpu.memory_space<hbm>>) dst(%arg6 : memref<16xf32, #tpu.memory_space<vmem>>)
      tpu.yield
    }) : () -> ()
    "tpu.region"() ({
      %run_scoped3A = tpu.sem_alloc : memref<!tpu.dma_semaphore, #tpu.memory_space<semaphore_mem>>
      %dma_start3A = arith.constant 0 : i32
      %dma_start3A_1022 = tpu.memref_slice %arg4[%add3A_158, %dma_start3A] : memref<1024x16xf32, #tpu.memory_space<hbm>> -> memref<1x16xf32, #tpu.memory_space<hbm>>
      %dma_start3A_1023 = tpu.memref_squeeze %dma_start3A_1022 : memref<1x16xf32, #tpu.memory_space<hbm>> -> memref<16xf32, #tpu.memory_space<hbm>>
      %dma_start3A_1024 = arith.constant 0 : i32
      %dma_start3A_1025 = tpu.memref_slice %arg4[%add3A_158, %dma_start3A_1024] : memref<1024x16xf32, #tpu.memory_space<hbm>> -> memref<1x16xf32, #tpu.memory_space<hbm>>
      %dma_start3A_1026 = tpu.memref_squeeze %dma_start3A_1025 : memref<1x16xf32, #tpu.memory_space<hbm>> -> memref<16xf32, #tpu.memory_space<hbm>>
      tpu.enqueue_dma source(%arg6 : memref<16xf32, #tpu.memory_space<vmem>>) target(%dma_start3A_1026 : memref<16xf32, #tpu.memory_space<hbm>>) target_semaphore(%run_scoped3A : memref<!tpu.dma_semaphore, #tpu.memory_space<semaphore_mem>>)
      %dma_wait3A = arith.constant 0 : i32
      %dma_wait3A_1027 = tpu.memref_slice %arg4[%add3A_158, %dma_wait3A] : memref<1024x16xf32, #tpu.memory_space<hbm>> -> memref<1x16xf32, #tpu.memory_space<hbm>>
      %dma_wait3A_1028 = tpu.memref_squeeze %dma_wait3A_1027 : memref<1x16xf32, #tpu.memory_space<hbm>> -> memref<16xf32, #tpu.memory_space<hbm>>
      %dma_wait3A_1029 = arith.constant 0 : i32
      %dma_wait3A_1030 = tpu.memref_slice %arg4[%add3A_158, %dma_wait3A_1029] : memref<1024x16xf32, #tpu.memory_space<hbm>> -> memref<1x16xf32, #tpu.memory_space<hbm>>
      %dma_wait3A_1031 = tpu.memref_squeeze %dma_wait3A_1030 : memref<1x16xf32, #tpu.memory_space<hbm>> -> memref<16xf32, #tpu.memory_space<hbm>>
      tpu.wait_dma2 semaphore(%run_scoped3A : memref<!tpu.dma_semaphore, #tpu.memory_space<semaphore_mem>>) src(%arg6 : memref<16xf32, #tpu.memory_space<vmem>>) dst(%dma_wait3A_1031 : memref<16xf32, #tpu.memory_space<hbm>>)
      tpu.yield
    }) : () -> ()
    %add3A_187 = arith.constant 0 : i32
    %add3A_188 = arith.addi %mul3A_2, %add3A_187 : i32
    %add3A_189 = arith.constant 6 : i32
    %add3A_190 = arith.addi %add3A_188, %add3A_189 : i32
    %slice3A_191 = vector.extract_strided_slice %get3A_4 {offsets = [6], sizes = [1], strides = [1]} : vector<16xi32> to vector<1xi32>
    %squeeze3A_192 = vector.extract %slice3A_191[0] : i32 from vector<1xi32>
    %jit3A_193 = arith.constant 16 : i32
    %div3A_194 = arith.divsi %squeeze3A_192, %jit3A_193 : i32
    %sign3A_195 = arith.constant 0 : i32
    %sign3A_196 = arith.cmpi sgt, %squeeze3A_192, %sign3A_195 : i32
    %sign3A_197 = arith.extui %sign3A_196 : i1 to i32
    %sign3A_198 = arith.constant 0 : i32
    %sign3A_199 = arith.cmpi slt, %squeeze3A_192, %sign3A_198 : i32
    %sign3A_200 = arith.extui %sign3A_199 : i1 to i32
    %sign3A_201 = arith.subi %sign3A_197, %sign3A_200 : i32
    %sign3A_202 = arith.constant 0 : i32
    %sign3A_203 = arith.cmpi sgt, %jit3A_193, %sign3A_202 : i32
    %sign3A_204 = arith.extui %sign3A_203 : i1 to i32
    %sign3A_205 = arith.constant 0 : i32
    %sign3A_206 = arith.cmpi slt, %jit3A_193, %sign3A_205 : i32
    %sign3A_207 = arith.extui %sign3A_206 : i1 to i32
    %sign3A_208 = arith.subi %sign3A_204, %sign3A_207 : i32
    %ne3A_209 = arith.cmpi ne, %sign3A_201, %sign3A_208 : i32
    %rem3A_210 = arith.remsi %squeeze3A_192, %jit3A_193 : i32
    %ne3A_211 = arith.constant 0 : i32
    %ne3A_212 = arith.cmpi ne, %rem3A_210, %ne3A_211 : i32
    %and3A_213 = arith.andi %ne3A_209, %ne3A_212 : i1
    %sub3A_214 = arith.constant 1 : i32
    %sub3A_215 = arith.subi %div3A_194, %sub3A_214 : i32
    %select_n3A_216 = arith.select %and3A_213, %sub3A_215, %div3A_194 : i32
    %mul3A_217 = arith.constant 16 : i32
    %mul3A_218 = arith.muli %select_n3A_216, %mul3A_217 : i32
    "tpu.region"() ({
      %run_scoped3A = tpu.sem_alloc : memref<!tpu.dma_semaphore, #tpu.memory_space<semaphore_mem>>
      %dma_start3A = tpu.memref_slice %arg2[%add3A_190, %mul3A_218] : memref<1024x100000xf32, #tpu.memory_space<hbm>> -> memref<1x16xf32, #tpu.memory_space<hbm>>
      %dma_start3A_1022 = tpu.memref_squeeze %dma_start3A : memref<1x16xf32, #tpu.memory_space<hbm>> -> memref<16xf32, #tpu.memory_space<hbm>>
      %dma_start3A_1023 = tpu.memref_slice %arg2[%add3A_190, %mul3A_218] : memref<1024x100000xf32, #tpu.memory_space<hbm>> -> memref<1x16xf32, #tpu.memory_space<hbm>>
      %dma_start3A_1024 = tpu.memref_squeeze %dma_start3A_1023 : memref<1x16xf32, #tpu.memory_space<hbm>> -> memref<16xf32, #tpu.memory_space<hbm>>
      tpu.enqueue_dma source(%dma_start3A_1024 : memref<16xf32, #tpu.memory_space<hbm>>) target(%arg6 : memref<16xf32, #tpu.memory_space<vmem>>) target_semaphore(%run_scoped3A : memref<!tpu.dma_semaphore, #tpu.memory_space<semaphore_mem>>)
      %dma_wait3A = tpu.memref_slice %arg2[%add3A_190, %mul3A_218] : memref<1024x100000xf32, #tpu.memory_space<hbm>> -> memref<1x16xf32, #tpu.memory_space<hbm>>
      %dma_wait3A_1025 = tpu.memref_squeeze %dma_wait3A : memref<1x16xf32, #tpu.memory_space<hbm>> -> memref<16xf32, #tpu.memory_space<hbm>>
      %dma_wait3A_1026 = tpu.memref_slice %arg2[%add3A_190, %mul3A_218] : memref<1024x100000xf32, #tpu.memory_space<hbm>> -> memref<1x16xf32, #tpu.memory_space<hbm>>
      %dma_wait3A_1027 = tpu.memref_squeeze %dma_wait3A_1026 : memref<1x16xf32, #tpu.memory_space<hbm>> -> memref<16xf32, #tpu.memory_space<hbm>>
      tpu.wait_dma2 semaphore(%run_scoped3A : memref<!tpu.dma_semaphore, #tpu.memory_space<semaphore_mem>>) src(%dma_wait3A_1027 : memref<16xf32, #tpu.memory_space<hbm>>) dst(%arg6 : memref<16xf32, #tpu.memory_space<vmem>>)
      tpu.yield
    }) : () -> ()
    "tpu.region"() ({
      %run_scoped3A = tpu.sem_alloc : memref<!tpu.dma_semaphore, #tpu.memory_space<semaphore_mem>>
      %dma_start3A = arith.constant 0 : i32
      %dma_start3A_1022 = tpu.memref_slice %arg4[%add3A_190, %dma_start3A] : memref<1024x16xf32, #tpu.memory_space<hbm>> -> memref<1x16xf32, #tpu.memory_space<hbm>>
      %dma_start3A_1023 = tpu.memref_squeeze %dma_start3A_1022 : memref<1x16xf32, #tpu.memory_space<hbm>> -> memref<16xf32, #tpu.memory_space<hbm>>
      %dma_start3A_1024 = arith.constant 0 : i32
      %dma_start3A_1025 = tpu.memref_slice %arg4[%add3A_190, %dma_start3A_1024] : memref<1024x16xf32, #tpu.memory_space<hbm>> -> memref<1x16xf32, #tpu.memory_space<hbm>>
      %dma_start3A_1026 = tpu.memref_squeeze %dma_start3A_1025 : memref<1x16xf32, #tpu.memory_space<hbm>> -> memref<16xf32, #tpu.memory_space<hbm>>
      tpu.enqueue_dma source(%arg6 : memref<16xf32, #tpu.memory_space<vmem>>) target(%dma_start3A_1026 : memref<16xf32, #tpu.memory_space<hbm>>) target_semaphore(%run_scoped3A : memref<!tpu.dma_semaphore, #tpu.memory_space<semaphore_mem>>)
      %dma_wait3A = arith.constant 0 : i32
      %dma_wait3A_1027 = tpu.memref_slice %arg4[%add3A_190, %dma_wait3A] : memref<1024x16xf32, #tpu.memory_space<hbm>> -> memref<1x16xf32, #tpu.memory_space<hbm>>
      %dma_wait3A_1028 = tpu.memref_squeeze %dma_wait3A_1027 : memref<1x16xf32, #tpu.memory_space<hbm>> -> memref<16xf32, #tpu.memory_space<hbm>>
      %dma_wait3A_1029 = arith.constant 0 : i32
      %dma_wait3A_1030 = tpu.memref_slice %arg4[%add3A_190, %dma_wait3A_1029] : memref<1024x16xf32, #tpu.memory_space<hbm>> -> memref<1x16xf32, #tpu.memory_space<hbm>>
      %dma_wait3A_1031 = tpu.memref_squeeze %dma_wait3A_1030 : memref<1x16xf32, #tpu.memory_space<hbm>> -> memref<16xf32, #tpu.memory_space<hbm>>
      tpu.wait_dma2 semaphore(%run_scoped3A : memref<!tpu.dma_semaphore, #tpu.memory_space<semaphore_mem>>) src(%arg6 : memref<16xf32, #tpu.memory_space<vmem>>) dst(%dma_wait3A_1031 : memref<16xf32, #tpu.memory_space<hbm>>)
      tpu.yield
    }) : () -> ()
    %add3A_219 = arith.constant 0 : i32
    %add3A_220 = arith.addi %mul3A_2, %add3A_219 : i32
    %add3A_221 = arith.constant 7 : i32
    %add3A_222 = arith.addi %add3A_220, %add3A_221 : i32
    %slice3A_223 = vector.extract_strided_slice %get3A_4 {offsets = [7], sizes = [1], strides = [1]} : vector<16xi32> to vector<1xi32>
    %squeeze3A_224 = vector.extract %slice3A_223[0] : i32 from vector<1xi32>
    %jit3A_225 = arith.constant 16 : i32
    %div3A_226 = arith.divsi %squeeze3A_224, %jit3A_225 : i32
    %sign3A_227 = arith.constant 0 : i32
    %sign3A_228 = arith.cmpi sgt, %squeeze3A_224, %sign3A_227 : i32
    %sign3A_229 = arith.extui %sign3A_228 : i1 to i32
    %sign3A_230 = arith.constant 0 : i32
    %sign3A_231 = arith.cmpi slt, %squeeze3A_224, %sign3A_230 : i32
    %sign3A_232 = arith.extui %sign3A_231 : i1 to i32
    %sign3A_233 = arith.subi %sign3A_229, %sign3A_232 : i32
    %sign3A_234 = arith.constant 0 : i32
    %sign3A_235 = arith.cmpi sgt, %jit3A_225, %sign3A_234 : i32
    %sign3A_236 = arith.extui %sign3A_235 : i1 to i32
    %sign3A_237 = arith.constant 0 : i32
    %sign3A_238 = arith.cmpi slt, %jit3A_225, %sign3A_237 : i32
    %sign3A_239 = arith.extui %sign3A_238 : i1 to i32
    %sign3A_240 = arith.subi %sign3A_236, %sign3A_239 : i32
    %ne3A_241 = arith.cmpi ne, %sign3A_233, %sign3A_240 : i32
    %rem3A_242 = arith.remsi %squeeze3A_224, %jit3A_225 : i32
    %ne3A_243 = arith.constant 0 : i32
    %ne3A_244 = arith.cmpi ne, %rem3A_242, %ne3A_243 : i32
    %and3A_245 = arith.andi %ne3A_241, %ne3A_244 : i1
    %sub3A_246 = arith.constant 1 : i32
    %sub3A_247 = arith.subi %div3A_226, %sub3A_246 : i32
    %select_n3A_248 = arith.select %and3A_245, %sub3A_247, %div3A_226 : i32
    %mul3A_249 = arith.constant 16 : i32
    %mul3A_250 = arith.muli %select_n3A_248, %mul3A_249 : i32
    "tpu.region"() ({
      %run_scoped3A = tpu.sem_alloc : memref<!tpu.dma_semaphore, #tpu.memory_space<semaphore_mem>>
      %dma_start3A = tpu.memref_slice %arg2[%add3A_222, %mul3A_250] : memref<1024x100000xf32, #tpu.memory_space<hbm>> -> memref<1x16xf32, #tpu.memory_space<hbm>>
      %dma_start3A_1022 = tpu.memref_squeeze %dma_start3A : memref<1x16xf32, #tpu.memory_space<hbm>> -> memref<16xf32, #tpu.memory_space<hbm>>
      %dma_start3A_1023 = tpu.memref_slice %arg2[%add3A_222, %mul3A_250] : memref<1024x100000xf32, #tpu.memory_space<hbm>> -> memref<1x16xf32, #tpu.memory_space<hbm>>
      %dma_start3A_1024 = tpu.memref_squeeze %dma_start3A_1023 : memref<1x16xf32, #tpu.memory_space<hbm>> -> memref<16xf32, #tpu.memory_space<hbm>>
      tpu.enqueue_dma source(%dma_start3A_1024 : memref<16xf32, #tpu.memory_space<hbm>>) target(%arg6 : memref<16xf32, #tpu.memory_space<vmem>>) target_semaphore(%run_scoped3A : memref<!tpu.dma_semaphore, #tpu.memory_space<semaphore_mem>>)
      %dma_wait3A = tpu.memref_slice %arg2[%add3A_222, %mul3A_250] : memref<1024x100000xf32, #tpu.memory_space<hbm>> -> memref<1x16xf32, #tpu.memory_space<hbm>>
      %dma_wait3A_1025 = tpu.memref_squeeze %dma_wait3A : memref<1x16xf32, #tpu.memory_space<hbm>> -> memref<16xf32, #tpu.memory_space<hbm>>
      %dma_wait3A_1026 = tpu.memref_slice %arg2[%add3A_222, %mul3A_250] : memref<1024x100000xf32, #tpu.memory_space<hbm>> -> memref<1x16xf32, #tpu.memory_space<hbm>>
      %dma_wait3A_1027 = tpu.memref_squeeze %dma_wait3A_1026 : memref<1x16xf32, #tpu.memory_space<hbm>> -> memref<16xf32, #tpu.memory_space<hbm>>
      tpu.wait_dma2 semaphore(%run_scoped3A : memref<!tpu.dma_semaphore, #tpu.memory_space<semaphore_mem>>) src(%dma_wait3A_1027 : memref<16xf32, #tpu.memory_space<hbm>>) dst(%arg6 : memref<16xf32, #tpu.memory_space<vmem>>)
      tpu.yield
    }) : () -> ()
    "tpu.region"() ({
      %run_scoped3A = tpu.sem_alloc : memref<!tpu.dma_semaphore, #tpu.memory_space<semaphore_mem>>
      %dma_start3A = arith.constant 0 : i32
      %dma_start3A_1022 = tpu.memref_slice %arg4[%add3A_222, %dma_start3A] : memref<1024x16xf32, #tpu.memory_space<hbm>> -> memref<1x16xf32, #tpu.memory_space<hbm>>
      %dma_start3A_1023 = tpu.memref_squeeze %dma_start3A_1022 : memref<1x16xf32, #tpu.memory_space<hbm>> -> memref<16xf32, #tpu.memory_space<hbm>>
      %dma_start3A_1024 = arith.constant 0 : i32
      %dma_start3A_1025 = tpu.memref_slice %arg4[%add3A_222, %dma_start3A_1024] : memref<1024x16xf32, #tpu.memory_space<hbm>> -> memref<1x16xf32, #tpu.memory_space<hbm>>
      %dma_start3A_1026 = tpu.memref_squeeze %dma_start3A_1025 : memref<1x16xf32, #tpu.memory_space<hbm>> -> memref<16xf32, #tpu.memory_space<hbm>>
      tpu.enqueue_dma source(%arg6 : memref<16xf32, #tpu.memory_space<vmem>>) target(%dma_start3A_1026 : memref<16xf32, #tpu.memory_space<hbm>>) target_semaphore(%run_scoped3A : memref<!tpu.dma_semaphore, #tpu.memory_space<semaphore_mem>>)
      %dma_wait3A = arith.constant 0 : i32
      %dma_wait3A_1027 = tpu.memref_slice %arg4[%add3A_222, %dma_wait3A] : memref<1024x16xf32, #tpu.memory_space<hbm>> -> memref<1x16xf32, #tpu.memory_space<hbm>>
      %dma_wait3A_1028 = tpu.memref_squeeze %dma_wait3A_1027 : memref<1x16xf32, #tpu.memory_space<hbm>> -> memref<16xf32, #tpu.memory_space<hbm>>
      %dma_wait3A_1029 = arith.constant 0 : i32
      %dma_wait3A_1030 = tpu.memref_slice %arg4[%add3A_222, %dma_wait3A_1029] : memref<1024x16xf32, #tpu.memory_space<hbm>> -> memref<1x16xf32, #tpu.memory_space<hbm>>
      %dma_wait3A_1031 = tpu.memref_squeeze %dma_wait3A_1030 : memref<1x16xf32, #tpu.memory_space<hbm>> -> memref<16xf32, #tpu.memory_space<hbm>>
      tpu.wait_dma2 semaphore(%run_scoped3A : memref<!tpu.dma_semaphore, #tpu.memory_space<semaphore_mem>>) src(%arg6 : memref<16xf32, #tpu.memory_space<vmem>>) dst(%dma_wait3A_1031 : memref<16xf32, #tpu.memory_space<hbm>>)
      tpu.yield
    }) : () -> ()
    %add3A_251 = arith.constant 0 : i32
    %add3A_252 = arith.addi %mul3A_2, %add3A_251 : i32
    %add3A_253 = arith.constant 8 : i32
    %add3A_254 = arith.addi %add3A_252, %add3A_253 : i32
    %slice3A_255 = vector.extract_strided_slice %get3A_4 {offsets = [8], sizes = [1], strides = [1]} : vector<16xi32> to vector<1xi32>
    %squeeze3A_256 = vector.extract %slice3A_255[0] : i32 from vector<1xi32>
    %jit3A_257 = arith.constant 16 : i32
    %div3A_258 = arith.divsi %squeeze3A_256, %jit3A_257 : i32
    %sign3A_259 = arith.constant 0 : i32
    %sign3A_260 = arith.cmpi sgt, %squeeze3A_256, %sign3A_259 : i32
    %sign3A_261 = arith.extui %sign3A_260 : i1 to i32
    %sign3A_262 = arith.constant 0 : i32
    %sign3A_263 = arith.cmpi slt, %squeeze3A_256, %sign3A_262 : i32
    %sign3A_264 = arith.extui %sign3A_263 : i1 to i32
    %sign3A_265 = arith.subi %sign3A_261, %sign3A_264 : i32
    %sign3A_266 = arith.constant 0 : i32
    %sign3A_267 = arith.cmpi sgt, %jit3A_257, %sign3A_266 : i32
    %sign3A_268 = arith.extui %sign3A_267 : i1 to i32
    %sign3A_269 = arith.constant 0 : i32
    %sign3A_270 = arith.cmpi slt, %jit3A_257, %sign3A_269 : i32
    %sign3A_271 = arith.extui %sign3A_270 : i1 to i32
    %sign3A_272 = arith.subi %sign3A_268, %sign3A_271 : i32
    %ne3A_273 = arith.cmpi ne, %sign3A_265, %sign3A_272 : i32
    %rem3A_274 = arith.remsi %squeeze3A_256, %jit3A_257 : i32
    %ne3A_275 = arith.constant 0 : i32
    %ne3A_276 = arith.cmpi ne, %rem3A_274, %ne3A_275 : i32
    %and3A_277 = arith.andi %ne3A_273, %ne3A_276 : i1
    %sub3A_278 = arith.constant 1 : i32
    %sub3A_279 = arith.subi %div3A_258, %sub3A_278 : i32
    %select_n3A_280 = arith.select %and3A_277, %sub3A_279, %div3A_258 : i32
    %mul3A_281 = arith.constant 16 : i32
    %mul3A_282 = arith.muli %select_n3A_280, %mul3A_281 : i32
    "tpu.region"() ({
      %run_scoped3A = tpu.sem_alloc : memref<!tpu.dma_semaphore, #tpu.memory_space<semaphore_mem>>
      %dma_start3A = tpu.memref_slice %arg2[%add3A_254, %mul3A_282] : memref<1024x100000xf32, #tpu.memory_space<hbm>> -> memref<1x16xf32, #tpu.memory_space<hbm>>
      %dma_start3A_1022 = tpu.memref_squeeze %dma_start3A : memref<1x16xf32, #tpu.memory_space<hbm>> -> memref<16xf32, #tpu.memory_space<hbm>>
      %dma_start3A_1023 = tpu.memref_slice %arg2[%add3A_254, %mul3A_282] : memref<1024x100000xf32, #tpu.memory_space<hbm>> -> memref<1x16xf32, #tpu.memory_space<hbm>>
      %dma_start3A_1024 = tpu.memref_squeeze %dma_start3A_1023 : memref<1x16xf32, #tpu.memory_space<hbm>> -> memref<16xf32, #tpu.memory_space<hbm>>
      tpu.enqueue_dma source(%dma_start3A_1024 : memref<16xf32, #tpu.memory_space<hbm>>) target(%arg6 : memref<16xf32, #tpu.memory_space<vmem>>) target_semaphore(%run_scoped3A : memref<!tpu.dma_semaphore, #tpu.memory_space<semaphore_mem>>)
      %dma_wait3A = tpu.memref_slice %arg2[%add3A_254, %mul3A_282] : memref<1024x100000xf32, #tpu.memory_space<hbm>> -> memref<1x16xf32, #tpu.memory_space<hbm>>
      %dma_wait3A_1025 = tpu.memref_squeeze %dma_wait3A : memref<1x16xf32, #tpu.memory_space<hbm>> -> memref<16xf32, #tpu.memory_space<hbm>>
      %dma_wait3A_1026 = tpu.memref_slice %arg2[%add3A_254, %mul3A_282] : memref<1024x100000xf32, #tpu.memory_space<hbm>> -> memref<1x16xf32, #tpu.memory_space<hbm>>
      %dma_wait3A_1027 = tpu.memref_squeeze %dma_wait3A_1026 : memref<1x16xf32, #tpu.memory_space<hbm>> -> memref<16xf32, #tpu.memory_space<hbm>>
      tpu.wait_dma2 semaphore(%run_scoped3A : memref<!tpu.dma_semaphore, #tpu.memory_space<semaphore_mem>>) src(%dma_wait3A_1027 : memref<16xf32, #tpu.memory_space<hbm>>) dst(%arg6 : memref<16xf32, #tpu.memory_space<vmem>>)
      tpu.yield
    }) : () -> ()
    "tpu.region"() ({
      %run_scoped3A = tpu.sem_alloc : memref<!tpu.dma_semaphore, #tpu.memory_space<semaphore_mem>>
      %dma_start3A = arith.constant 0 : i32
      %dma_start3A_1022 = tpu.memref_slice %arg4[%add3A_254, %dma_start3A] : memref<1024x16xf32, #tpu.memory_space<hbm>> -> memref<1x16xf32, #tpu.memory_space<hbm>>
      %dma_start3A_1023 = tpu.memref_squeeze %dma_start3A_1022 : memref<1x16xf32, #tpu.memory_space<hbm>> -> memref<16xf32, #tpu.memory_space<hbm>>
      %dma_start3A_1024 = arith.constant 0 : i32
      %dma_start3A_1025 = tpu.memref_slice %arg4[%add3A_254, %dma_start3A_1024] : memref<1024x16xf32, #tpu.memory_space<hbm>> -> memref<1x16xf32, #tpu.memory_space<hbm>>
      %dma_start3A_1026 = tpu.memref_squeeze %dma_start3A_1025 : memref<1x16xf32, #tpu.memory_space<hbm>> -> memref<16xf32, #tpu.memory_space<hbm>>
      tpu.enqueue_dma source(%arg6 : memref<16xf32, #tpu.memory_space<vmem>>) target(%dma_start3A_1026 : memref<16xf32, #tpu.memory_space<hbm>>) target_semaphore(%run_scoped3A : memref<!tpu.dma_semaphore, #tpu.memory_space<semaphore_mem>>)
      %dma_wait3A = arith.constant 0 : i32
      %dma_wait3A_1027 = tpu.memref_slice %arg4[%add3A_254, %dma_wait3A] : memref<1024x16xf32, #tpu.memory_space<hbm>> -> memref<1x16xf32, #tpu.memory_space<hbm>>
      %dma_wait3A_1028 = tpu.memref_squeeze %dma_wait3A_1027 : memref<1x16xf32, #tpu.memory_space<hbm>> -> memref<16xf32, #tpu.memory_space<hbm>>
      %dma_wait3A_1029 = arith.constant 0 : i32
      %dma_wait3A_1030 = tpu.memref_slice %arg4[%add3A_254, %dma_wait3A_1029] : memref<1024x16xf32, #tpu.memory_space<hbm>> -> memref<1x16xf32, #tpu.memory_space<hbm>>
      %dma_wait3A_1031 = tpu.memref_squeeze %dma_wait3A_1030 : memref<1x16xf32, #tpu.memory_space<hbm>> -> memref<16xf32, #tpu.memory_space<hbm>>
      tpu.wait_dma2 semaphore(%run_scoped3A : memref<!tpu.dma_semaphore, #tpu.memory_space<semaphore_mem>>) src(%arg6 : memref<16xf32, #tpu.memory_space<vmem>>) dst(%dma_wait3A_1031 : memref<16xf32, #tpu.memory_space<hbm>>)
      tpu.yield
    }) : () -> ()
    %add3A_283 = arith.constant 0 : i32
    %add3A_284 = arith.addi %mul3A_2, %add3A_283 : i32
    %add3A_285 = arith.constant 9 : i32
    %add3A_286 = arith.addi %add3A_284, %add3A_285 : i32
    %slice3A_287 = vector.extract_strided_slice %get3A_4 {offsets = [9], sizes = [1], strides = [1]} : vector<16xi32> to vector<1xi32>
    %squeeze3A_288 = vector.extract %slice3A_287[0] : i32 from vector<1xi32>
    %jit3A_289 = arith.constant 16 : i32
    %div3A_290 = arith.divsi %squeeze3A_288, %jit3A_289 : i32
    %sign3A_291 = arith.constant 0 : i32
    %sign3A_292 = arith.cmpi sgt, %squeeze3A_288, %sign3A_291 : i32
    %sign3A_293 = arith.extui %sign3A_292 : i1 to i32
    %sign3A_294 = arith.constant 0 : i32
    %sign3A_295 = arith.cmpi slt, %squeeze3A_288, %sign3A_294 : i32
    %sign3A_296 = arith.extui %sign3A_295 : i1 to i32
    %sign3A_297 = arith.subi %sign3A_293, %sign3A_296 : i32
    %sign3A_298 = arith.constant 0 : i32
    %sign3A_299 = arith.cmpi sgt, %jit3A_289, %sign3A_298 : i32
    %sign3A_300 = arith.extui %sign3A_299 : i1 to i32
    %sign3A_301 = arith.constant 0 : i32
    %sign3A_302 = arith.cmpi slt, %jit3A_289, %sign3A_301 : i32
    %sign3A_303 = arith.extui %sign3A_302 : i1 to i32
    %sign3A_304 = arith.subi %sign3A_300, %sign3A_303 : i32
    %ne3A_305 = arith.cmpi ne, %sign3A_297, %sign3A_304 : i32
    %rem3A_306 = arith.remsi %squeeze3A_288, %jit3A_289 : i32
    %ne3A_307 = arith.constant 0 : i32
    %ne3A_308 = arith.cmpi ne, %rem3A_306, %ne3A_307 : i32
    %and3A_309 = arith.andi %ne3A_305, %ne3A_308 : i1
    %sub3A_310 = arith.constant 1 : i32
    %sub3A_311 = arith.subi %div3A_290, %sub3A_310 : i32
    %select_n3A_312 = arith.select %and3A_309, %sub3A_311, %div3A_290 : i32
    %mul3A_313 = arith.constant 16 : i32
    %mul3A_314 = arith.muli %select_n3A_312, %mul3A_313 : i32
    "tpu.region"() ({
      %run_scoped3A = tpu.sem_alloc : memref<!tpu.dma_semaphore, #tpu.memory_space<semaphore_mem>>
      %dma_start3A = tpu.memref_slice %arg2[%add3A_286, %mul3A_314] : memref<1024x100000xf32, #tpu.memory_space<hbm>> -> memref<1x16xf32, #tpu.memory_space<hbm>>
      %dma_start3A_1022 = tpu.memref_squeeze %dma_start3A : memref<1x16xf32, #tpu.memory_space<hbm>> -> memref<16xf32, #tpu.memory_space<hbm>>
      %dma_start3A_1023 = tpu.memref_slice %arg2[%add3A_286, %mul3A_314] : memref<1024x100000xf32, #tpu.memory_space<hbm>> -> memref<1x16xf32, #tpu.memory_space<hbm>>
      %dma_start3A_1024 = tpu.memref_squeeze %dma_start3A_1023 : memref<1x16xf32, #tpu.memory_space<hbm>> -> memref<16xf32, #tpu.memory_space<hbm>>
      tpu.enqueue_dma source(%dma_start3A_1024 : memref<16xf32, #tpu.memory_space<hbm>>) target(%arg6 : memref<16xf32, #tpu.memory_space<vmem>>) target_semaphore(%run_scoped3A : memref<!tpu.dma_semaphore, #tpu.memory_space<semaphore_mem>>)
      %dma_wait3A = tpu.memref_slice %arg2[%add3A_286, %mul3A_314] : memref<1024x100000xf32, #tpu.memory_space<hbm>> -> memref<1x16xf32, #tpu.memory_space<hbm>>
      %dma_wait3A_1025 = tpu.memref_squeeze %dma_wait3A : memref<1x16xf32, #tpu.memory_space<hbm>> -> memref<16xf32, #tpu.memory_space<hbm>>
      %dma_wait3A_1026 = tpu.memref_slice %arg2[%add3A_286, %mul3A_314] : memref<1024x100000xf32, #tpu.memory_space<hbm>> -> memref<1x16xf32, #tpu.memory_space<hbm>>
      %dma_wait3A_1027 = tpu.memref_squeeze %dma_wait3A_1026 : memref<1x16xf32, #tpu.memory_space<hbm>> -> memref<16xf32, #tpu.memory_space<hbm>>
      tpu.wait_dma2 semaphore(%run_scoped3A : memref<!tpu.dma_semaphore, #tpu.memory_space<semaphore_mem>>) src(%dma_wait3A_1027 : memref<16xf32, #tpu.memory_space<hbm>>) dst(%arg6 : memref<16xf32, #tpu.memory_space<vmem>>)
      tpu.yield
    }) : () -> ()
    "tpu.region"() ({
      %run_scoped3A = tpu.sem_alloc : memref<!tpu.dma_semaphore, #tpu.memory_space<semaphore_mem>>
      %dma_start3A = arith.constant 0 : i32
      %dma_start3A_1022 = tpu.memref_slice %arg4[%add3A_286, %dma_start3A] : memref<1024x16xf32, #tpu.memory_space<hbm>> -> memref<1x16xf32, #tpu.memory_space<hbm>>
      %dma_start3A_1023 = tpu.memref_squeeze %dma_start3A_1022 : memref<1x16xf32, #tpu.memory_space<hbm>> -> memref<16xf32, #tpu.memory_space<hbm>>
      %dma_start3A_1024 = arith.constant 0 : i32
      %dma_start3A_1025 = tpu.memref_slice %arg4[%add3A_286, %dma_start3A_1024] : memref<1024x16xf32, #tpu.memory_space<hbm>> -> memref<1x16xf32, #tpu.memory_space<hbm>>
      %dma_start3A_1026 = tpu.memref_squeeze %dma_start3A_1025 : memref<1x16xf32, #tpu.memory_space<hbm>> -> memref<16xf32, #tpu.memory_space<hbm>>
      tpu.enqueue_dma source(%arg6 : memref<16xf32, #tpu.memory_space<vmem>>) target(%dma_start3A_1026 : memref<16xf32, #tpu.memory_space<hbm>>) target_semaphore(%run_scoped3A : memref<!tpu.dma_semaphore, #tpu.memory_space<semaphore_mem>>)
      %dma_wait3A = arith.constant 0 : i32
      %dma_wait3A_1027 = tpu.memref_slice %arg4[%add3A_286, %dma_wait3A] : memref<1024x16xf32, #tpu.memory_space<hbm>> -> memref<1x16xf32, #tpu.memory_space<hbm>>
      %dma_wait3A_1028 = tpu.memref_squeeze %dma_wait3A_1027 : memref<1x16xf32, #tpu.memory_space<hbm>> -> memref<16xf32, #tpu.memory_space<hbm>>
      %dma_wait3A_1029 = arith.constant 0 : i32
      %dma_wait3A_1030 = tpu.memref_slice %arg4[%add3A_286, %dma_wait3A_1029] : memref<1024x16xf32, #tpu.memory_space<hbm>> -> memref<1x16xf32, #tpu.memory_space<hbm>>
      %dma_wait3A_1031 = tpu.memref_squeeze %dma_wait3A_1030 : memref<1x16xf32, #tpu.memory_space<hbm>> -> memref<16xf32, #tpu.memory_space<hbm>>
      tpu.wait_dma2 semaphore(%run_scoped3A : memref<!tpu.dma_semaphore, #tpu.memory_space<semaphore_mem>>) src(%arg6 : memref<16xf32, #tpu.memory_space<vmem>>) dst(%dma_wait3A_1031 : memref<16xf32, #tpu.memory_space<hbm>>)
      tpu.yield
    }) : () -> ()
    %add3A_315 = arith.constant 0 : i32
    %add3A_316 = arith.addi %mul3A_2, %add3A_315 : i32
    %add3A_317 = arith.constant 10 : i32
    %add3A_318 = arith.addi %add3A_316, %add3A_317 : i32
    %slice3A_319 = vector.extract_strided_slice %get3A_4 {offsets = [10], sizes = [1], strides = [1]} : vector<16xi32> to vector<1xi32>
    %squeeze3A_320 = vector.extract %slice3A_319[0] : i32 from vector<1xi32>
    %jit3A_321 = arith.constant 16 : i32
    %div3A_322 = arith.divsi %squeeze3A_320, %jit3A_321 : i32
    %sign3A_323 = arith.constant 0 : i32
    %sign3A_324 = arith.cmpi sgt, %squeeze3A_320, %sign3A_323 : i32
    %sign3A_325 = arith.extui %sign3A_324 : i1 to i32
    %sign3A_326 = arith.constant 0 : i32
    %sign3A_327 = arith.cmpi slt, %squeeze3A_320, %sign3A_326 : i32
    %sign3A_328 = arith.extui %sign3A_327 : i1 to i32
    %sign3A_329 = arith.subi %sign3A_325, %sign3A_328 : i32
    %sign3A_330 = arith.constant 0 : i32
    %sign3A_331 = arith.cmpi sgt, %jit3A_321, %sign3A_330 : i32
    %sign3A_332 = arith.extui %sign3A_331 : i1 to i32
    %sign3A_333 = arith.constant 0 : i32
    %sign3A_334 = arith.cmpi slt, %jit3A_321, %sign3A_333 : i32
    %sign3A_335 = arith.extui %sign3A_334 : i1 to i32
    %sign3A_336 = arith.subi %sign3A_332, %sign3A_335 : i32
    %ne3A_337 = arith.cmpi ne, %sign3A_329, %sign3A_336 : i32
    %rem3A_338 = arith.remsi %squeeze3A_320, %jit3A_321 : i32
    %ne3A_339 = arith.constant 0 : i32
    %ne3A_340 = arith.cmpi ne, %rem3A_338, %ne3A_339 : i32
    %and3A_341 = arith.andi %ne3A_337, %ne3A_340 : i1
    %sub3A_342 = arith.constant 1 : i32
    %sub3A_343 = arith.subi %div3A_322, %sub3A_342 : i32
    %select_n3A_344 = arith.select %and3A_341, %sub3A_343, %div3A_322 : i32
    %mul3A_345 = arith.constant 16 : i32
    %mul3A_346 = arith.muli %select_n3A_344, %mul3A_345 : i32
    "tpu.region"() ({
      %run_scoped3A = tpu.sem_alloc : memref<!tpu.dma_semaphore, #tpu.memory_space<semaphore_mem>>
      %dma_start3A = tpu.memref_slice %arg2[%add3A_318, %mul3A_346] : memref<1024x100000xf32, #tpu.memory_space<hbm>> -> memref<1x16xf32, #tpu.memory_space<hbm>>
      %dma_start3A_1022 = tpu.memref_squeeze %dma_start3A : memref<1x16xf32, #tpu.memory_space<hbm>> -> memref<16xf32, #tpu.memory_space<hbm>>
      %dma_start3A_1023 = tpu.memref_slice %arg2[%add3A_318, %mul3A_346] : memref<1024x100000xf32, #tpu.memory_space<hbm>> -> memref<1x16xf32, #tpu.memory_space<hbm>>
      %dma_start3A_1024 = tpu.memref_squeeze %dma_start3A_1023 : memref<1x16xf32, #tpu.memory_space<hbm>> -> memref<16xf32, #tpu.memory_space<hbm>>
      tpu.enqueue_dma source(%dma_start3A_1024 : memref<16xf32, #tpu.memory_space<hbm>>) target(%arg6 : memref<16xf32, #tpu.memory_space<vmem>>) target_semaphore(%run_scoped3A : memref<!tpu.dma_semaphore, #tpu.memory_space<semaphore_mem>>)
      %dma_wait3A = tpu.memref_slice %arg2[%add3A_318, %mul3A_346] : memref<1024x100000xf32, #tpu.memory_space<hbm>> -> memref<1x16xf32, #tpu.memory_space<hbm>>
      %dma_wait3A_1025 = tpu.memref_squeeze %dma_wait3A : memref<1x16xf32, #tpu.memory_space<hbm>> -> memref<16xf32, #tpu.memory_space<hbm>>
      %dma_wait3A_1026 = tpu.memref_slice %arg2[%add3A_318, %mul3A_346] : memref<1024x100000xf32, #tpu.memory_space<hbm>> -> memref<1x16xf32, #tpu.memory_space<hbm>>
      %dma_wait3A_1027 = tpu.memref_squeeze %dma_wait3A_1026 : memref<1x16xf32, #tpu.memory_space<hbm>> -> memref<16xf32, #tpu.memory_space<hbm>>
      tpu.wait_dma2 semaphore(%run_scoped3A : memref<!tpu.dma_semaphore, #tpu.memory_space<semaphore_mem>>) src(%dma_wait3A_1027 : memref<16xf32, #tpu.memory_space<hbm>>) dst(%arg6 : memref<16xf32, #tpu.memory_space<vmem>>)
      tpu.yield
    }) : () -> ()
    "tpu.region"() ({
      %run_scoped3A = tpu.sem_alloc : memref<!tpu.dma_semaphore, #tpu.memory_space<semaphore_mem>>
      %dma_start3A = arith.constant 0 : i32
      %dma_start3A_1022 = tpu.memref_slice %arg4[%add3A_318, %dma_start3A] : memref<1024x16xf32, #tpu.memory_space<hbm>> -> memref<1x16xf32, #tpu.memory_space<hbm>>
      %dma_start3A_1023 = tpu.memref_squeeze %dma_start3A_1022 : memref<1x16xf32, #tpu.memory_space<hbm>> -> memref<16xf32, #tpu.memory_space<hbm>>
      %dma_start3A_1024 = arith.constant 0 : i32
      %dma_start3A_1025 = tpu.memref_slice %arg4[%add3A_318, %dma_start3A_1024] : memref<1024x16xf32, #tpu.memory_space<hbm>> -> memref<1x16xf32, #tpu.memory_space<hbm>>
      %dma_start3A_1026 = tpu.memref_squeeze %dma_start3A_1025 : memref<1x16xf32, #tpu.memory_space<hbm>> -> memref<16xf32, #tpu.memory_space<hbm>>
      tpu.enqueue_dma source(%arg6 : memref<16xf32, #tpu.memory_space<vmem>>) target(%dma_start3A_1026 : memref<16xf32, #tpu.memory_space<hbm>>) target_semaphore(%run_scoped3A : memref<!tpu.dma_semaphore, #tpu.memory_space<semaphore_mem>>)
      %dma_wait3A = arith.constant 0 : i32
      %dma_wait3A_1027 = tpu.memref_slice %arg4[%add3A_318, %dma_wait3A] : memref<1024x16xf32, #tpu.memory_space<hbm>> -> memref<1x16xf32, #tpu.memory_space<hbm>>
      %dma_wait3A_1028 = tpu.memref_squeeze %dma_wait3A_1027 : memref<1x16xf32, #tpu.memory_space<hbm>> -> memref<16xf32, #tpu.memory_space<hbm>>
      %dma_wait3A_1029 = arith.constant 0 : i32
      %dma_wait3A_1030 = tpu.memref_slice %arg4[%add3A_318, %dma_wait3A_1029] : memref<1024x16xf32, #tpu.memory_space<hbm>> -> memref<1x16xf32, #tpu.memory_space<hbm>>
      %dma_wait3A_1031 = tpu.memref_squeeze %dma_wait3A_1030 : memref<1x16xf32, #tpu.memory_space<hbm>> -> memref<16xf32, #tpu.memory_space<hbm>>
      tpu.wait_dma2 semaphore(%run_scoped3A : memref<!tpu.dma_semaphore, #tpu.memory_space<semaphore_mem>>) src(%arg6 : memref<16xf32, #tpu.memory_space<vmem>>) dst(%dma_wait3A_1031 : memref<16xf32, #tpu.memory_space<hbm>>)
      tpu.yield
    }) : () -> ()
    %add3A_347 = arith.constant 0 : i32
    %add3A_348 = arith.addi %mul3A_2, %add3A_347 : i32
    %add3A_349 = arith.constant 11 : i32
    %add3A_350 = arith.addi %add3A_348, %add3A_349 : i32
    %slice3A_351 = vector.extract_strided_slice %get3A_4 {offsets = [11], sizes = [1], strides = [1]} : vector<16xi32> to vector<1xi32>
    %squeeze3A_352 = vector.extract %slice3A_351[0] : i32 from vector<1xi32>
    %jit3A_353 = arith.constant 16 : i32
    %div3A_354 = arith.divsi %squeeze3A_352, %jit3A_353 : i32
    %sign3A_355 = arith.constant 0 : i32
    %sign3A_356 = arith.cmpi sgt, %squeeze3A_352, %sign3A_355 : i32
    %sign3A_357 = arith.extui %sign3A_356 : i1 to i32
    %sign3A_358 = arith.constant 0 : i32
    %sign3A_359 = arith.cmpi slt, %squeeze3A_352, %sign3A_358 : i32
    %sign3A_360 = arith.extui %sign3A_359 : i1 to i32
    %sign3A_361 = arith.subi %sign3A_357, %sign3A_360 : i32
    %sign3A_362 = arith.constant 0 : i32
    %sign3A_363 = arith.cmpi sgt, %jit3A_353, %sign3A_362 : i32
    %sign3A_364 = arith.extui %sign3A_363 : i1 to i32
    %sign3A_365 = arith.constant 0 : i32
    %sign3A_366 = arith.cmpi slt, %jit3A_353, %sign3A_365 : i32
    %sign3A_367 = arith.extui %sign3A_366 : i1 to i32
    %sign3A_368 = arith.subi %sign3A_364, %sign3A_367 : i32
    %ne3A_369 = arith.cmpi ne, %sign3A_361, %sign3A_368 : i32
    %rem3A_370 = arith.remsi %squeeze3A_352, %jit3A_353 : i32
    %ne3A_371 = arith.constant 0 : i32
    %ne3A_372 = arith.cmpi ne, %rem3A_370, %ne3A_371 : i32
    %and3A_373 = arith.andi %ne3A_369, %ne3A_372 : i1
    %sub3A_374 = arith.constant 1 : i32
    %sub3A_375 = arith.subi %div3A_354, %sub3A_374 : i32
    %select_n3A_376 = arith.select %and3A_373, %sub3A_375, %div3A_354 : i32
    %mul3A_377 = arith.constant 16 : i32
    %mul3A_378 = arith.muli %select_n3A_376, %mul3A_377 : i32
    "tpu.region"() ({
      %run_scoped3A = tpu.sem_alloc : memref<!tpu.dma_semaphore, #tpu.memory_space<semaphore_mem>>
      %dma_start3A = tpu.memref_slice %arg2[%add3A_350, %mul3A_378] : memref<1024x100000xf32, #tpu.memory_space<hbm>> -> memref<1x16xf32, #tpu.memory_space<hbm>>
      %dma_start3A_1022 = tpu.memref_squeeze %dma_start3A : memref<1x16xf32, #tpu.memory_space<hbm>> -> memref<16xf32, #tpu.memory_space<hbm>>
      %dma_start3A_1023 = tpu.memref_slice %arg2[%add3A_350, %mul3A_378] : memref<1024x100000xf32, #tpu.memory_space<hbm>> -> memref<1x16xf32, #tpu.memory_space<hbm>>
      %dma_start3A_1024 = tpu.memref_squeeze %dma_start3A_1023 : memref<1x16xf32, #tpu.memory_space<hbm>> -> memref<16xf32, #tpu.memory_space<hbm>>
      tpu.enqueue_dma source(%dma_start3A_1024 : memref<16xf32, #tpu.memory_space<hbm>>) target(%arg6 : memref<16xf32, #tpu.memory_space<vmem>>) target_semaphore(%run_scoped3A : memref<!tpu.dma_semaphore, #tpu.memory_space<semaphore_mem>>)
      %dma_wait3A = tpu.memref_slice %arg2[%add3A_350, %mul3A_378] : memref<1024x100000xf32, #tpu.memory_space<hbm>> -> memref<1x16xf32, #tpu.memory_space<hbm>>
      %dma_wait3A_1025 = tpu.memref_squeeze %dma_wait3A : memref<1x16xf32, #tpu.memory_space<hbm>> -> memref<16xf32, #tpu.memory_space<hbm>>
      %dma_wait3A_1026 = tpu.memref_slice %arg2[%add3A_350, %mul3A_378] : memref<1024x100000xf32, #tpu.memory_space<hbm>> -> memref<1x16xf32, #tpu.memory_space<hbm>>
      %dma_wait3A_1027 = tpu.memref_squeeze %dma_wait3A_1026 : memref<1x16xf32, #tpu.memory_space<hbm>> -> memref<16xf32, #tpu.memory_space<hbm>>
      tpu.wait_dma2 semaphore(%run_scoped3A : memref<!tpu.dma_semaphore, #tpu.memory_space<semaphore_mem>>) src(%dma_wait3A_1027 : memref<16xf32, #tpu.memory_space<hbm>>) dst(%arg6 : memref<16xf32, #tpu.memory_space<vmem>>)
      tpu.yield
    }) : () -> ()
    "tpu.region"() ({
      %run_scoped3A = tpu.sem_alloc : memref<!tpu.dma_semaphore, #tpu.memory_space<semaphore_mem>>
      %dma_start3A = arith.constant 0 : i32
      %dma_start3A_1022 = tpu.memref_slice %arg4[%add3A_350, %dma_start3A] : memref<1024x16xf32, #tpu.memory_space<hbm>> -> memref<1x16xf32, #tpu.memory_space<hbm>>
      %dma_start3A_1023 = tpu.memref_squeeze %dma_start3A_1022 : memref<1x16xf32, #tpu.memory_space<hbm>> -> memref<16xf32, #tpu.memory_space<hbm>>
      %dma_start3A_1024 = arith.constant 0 : i32
      %dma_start3A_1025 = tpu.memref_slice %arg4[%add3A_350, %dma_start3A_1024] : memref<1024x16xf32, #tpu.memory_space<hbm>> -> memref<1x16xf32, #tpu.memory_space<hbm>>
      %dma_start3A_1026 = tpu.memref_squeeze %dma_start3A_1025 : memref<1x16xf32, #tpu.memory_space<hbm>> -> memref<16xf32, #tpu.memory_space<hbm>>
      tpu.enqueue_dma source(%arg6 : memref<16xf32, #tpu.memory_space<vmem>>) target(%dma_start3A_1026 : memref<16xf32, #tpu.memory_space<hbm>>) target_semaphore(%run_scoped3A : memref<!tpu.dma_semaphore, #tpu.memory_space<semaphore_mem>>)
      %dma_wait3A = arith.constant 0 : i32
      %dma_wait3A_1027 = tpu.memref_slice %arg4[%add3A_350, %dma_wait3A] : memref<1024x16xf32, #tpu.memory_space<hbm>> -> memref<1x16xf32, #tpu.memory_space<hbm>>
      %dma_wait3A_1028 = tpu.memref_squeeze %dma_wait3A_1027 : memref<1x16xf32, #tpu.memory_space<hbm>> -> memref<16xf32, #tpu.memory_space<hbm>>
      %dma_wait3A_1029 = arith.constant 0 : i32
      %dma_wait3A_1030 = tpu.memref_slice %arg4[%add3A_350, %dma_wait3A_1029] : memref<1024x16xf32, #tpu.memory_space<hbm>> -> memref<1x16xf32, #tpu.memory_space<hbm>>
      %dma_wait3A_1031 = tpu.memref_squeeze %dma_wait3A_1030 : memref<1x16xf32, #tpu.memory_space<hbm>> -> memref<16xf32, #tpu.memory_space<hbm>>
      tpu.wait_dma2 semaphore(%run_scoped3A : memref<!tpu.dma_semaphore, #tpu.memory_space<semaphore_mem>>) src(%arg6 : memref<16xf32, #tpu.memory_space<vmem>>) dst(%dma_wait3A_1031 : memref<16xf32, #tpu.memory_space<hbm>>)
      tpu.yield
    }) : () -> ()
    %add3A_379 = arith.constant 0 : i32
    %add3A_380 = arith.addi %mul3A_2, %add3A_379 : i32
    %add3A_381 = arith.constant 12 : i32
    %add3A_382 = arith.addi %add3A_380, %add3A_381 : i32
    %slice3A_383 = vector.extract_strided_slice %get3A_4 {offsets = [12], sizes = [1], strides = [1]} : vector<16xi32> to vector<1xi32>
    %squeeze3A_384 = vector.extract %slice3A_383[0] : i32 from vector<1xi32>
    %jit3A_385 = arith.constant 16 : i32
    %div3A_386 = arith.divsi %squeeze3A_384, %jit3A_385 : i32
    %sign3A_387 = arith.constant 0 : i32
    %sign3A_388 = arith.cmpi sgt, %squeeze3A_384, %sign3A_387 : i32
    %sign3A_389 = arith.extui %sign3A_388 : i1 to i32
    %sign3A_390 = arith.constant 0 : i32
    %sign3A_391 = arith.cmpi slt, %squeeze3A_384, %sign3A_390 : i32
    %sign3A_392 = arith.extui %sign3A_391 : i1 to i32
    %sign3A_393 = arith.subi %sign3A_389, %sign3A_392 : i32
    %sign3A_394 = arith.constant 0 : i32
    %sign3A_395 = arith.cmpi sgt, %jit3A_385, %sign3A_394 : i32
    %sign3A_396 = arith.extui %sign3A_395 : i1 to i32
    %sign3A_397 = arith.constant 0 : i32
    %sign3A_398 = arith.cmpi slt, %jit3A_385, %sign3A_397 : i32
    %sign3A_399 = arith.extui %sign3A_398 : i1 to i32
    %sign3A_400 = arith.subi %sign3A_396, %sign3A_399 : i32
    %ne3A_401 = arith.cmpi ne, %sign3A_393, %sign3A_400 : i32
    %rem3A_402 = arith.remsi %squeeze3A_384, %jit3A_385 : i32
    %ne3A_403 = arith.constant 0 : i32
    %ne3A_404 = arith.cmpi ne, %rem3A_402, %ne3A_403 : i32
    %and3A_405 = arith.andi %ne3A_401, %ne3A_404 : i1
    %sub3A_406 = arith.constant 1 : i32
    %sub3A_407 = arith.subi %div3A_386, %sub3A_406 : i32
    %select_n3A_408 = arith.select %and3A_405, %sub3A_407, %div3A_386 : i32
    %mul3A_409 = arith.constant 16 : i32
    %mul3A_410 = arith.muli %select_n3A_408, %mul3A_409 : i32
    "tpu.region"() ({
      %run_scoped3A = tpu.sem_alloc : memref<!tpu.dma_semaphore, #tpu.memory_space<semaphore_mem>>
      %dma_start3A = tpu.memref_slice %arg2[%add3A_382, %mul3A_410] : memref<1024x100000xf32, #tpu.memory_space<hbm>> -> memref<1x16xf32, #tpu.memory_space<hbm>>
      %dma_start3A_1022 = tpu.memref_squeeze %dma_start3A : memref<1x16xf32, #tpu.memory_space<hbm>> -> memref<16xf32, #tpu.memory_space<hbm>>
      %dma_start3A_1023 = tpu.memref_slice %arg2[%add3A_382, %mul3A_410] : memref<1024x100000xf32, #tpu.memory_space<hbm>> -> memref<1x16xf32, #tpu.memory_space<hbm>>
      %dma_start3A_1024 = tpu.memref_squeeze %dma_start3A_1023 : memref<1x16xf32, #tpu.memory_space<hbm>> -> memref<16xf32, #tpu.memory_space<hbm>>
      tpu.enqueue_dma source(%dma_start3A_1024 : memref<16xf32, #tpu.memory_space<hbm>>) target(%arg6 : memref<16xf32, #tpu.memory_space<vmem>>) target_semaphore(%run_scoped3A : memref<!tpu.dma_semaphore, #tpu.memory_space<semaphore_mem>>)
      %dma_wait3A = tpu.memref_slice %arg2[%add3A_382, %mul3A_410] : memref<1024x100000xf32, #tpu.memory_space<hbm>> -> memref<1x16xf32, #tpu.memory_space<hbm>>
      %dma_wait3A_1025 = tpu.memref_squeeze %dma_wait3A : memref<1x16xf32, #tpu.memory_space<hbm>> -> memref<16xf32, #tpu.memory_space<hbm>>
      %dma_wait3A_1026 = tpu.memref_slice %arg2[%add3A_382, %mul3A_410] : memref<1024x100000xf32, #tpu.memory_space<hbm>> -> memref<1x16xf32, #tpu.memory_space<hbm>>
      %dma_wait3A_1027 = tpu.memref_squeeze %dma_wait3A_1026 : memref<1x16xf32, #tpu.memory_space<hbm>> -> memref<16xf32, #tpu.memory_space<hbm>>
      tpu.wait_dma2 semaphore(%run_scoped3A : memref<!tpu.dma_semaphore, #tpu.memory_space<semaphore_mem>>) src(%dma_wait3A_1027 : memref<16xf32, #tpu.memory_space<hbm>>) dst(%arg6 : memref<16xf32, #tpu.memory_space<vmem>>)
      tpu.yield
    }) : () -> ()
    "tpu.region"() ({
      %run_scoped3A = tpu.sem_alloc : memref<!tpu.dma_semaphore, #tpu.memory_space<semaphore_mem>>
      %dma_start3A = arith.constant 0 : i32
      %dma_start3A_1022 = tpu.memref_slice %arg4[%add3A_382, %dma_start3A] : memref<1024x16xf32, #tpu.memory_space<hbm>> -> memref<1x16xf32, #tpu.memory_space<hbm>>
      %dma_start3A_1023 = tpu.memref_squeeze %dma_start3A_1022 : memref<1x16xf32, #tpu.memory_space<hbm>> -> memref<16xf32, #tpu.memory_space<hbm>>
      %dma_start3A_1024 = arith.constant 0 : i32
      %dma_start3A_1025 = tpu.memref_slice %arg4[%add3A_382, %dma_start3A_1024] : memref<1024x16xf32, #tpu.memory_space<hbm>> -> memref<1x16xf32, #tpu.memory_space<hbm>>
      %dma_start3A_1026 = tpu.memref_squeeze %dma_start3A_1025 : memref<1x16xf32, #tpu.memory_space<hbm>> -> memref<16xf32, #tpu.memory_space<hbm>>
      tpu.enqueue_dma source(%arg6 : memref<16xf32, #tpu.memory_space<vmem>>) target(%dma_start3A_1026 : memref<16xf32, #tpu.memory_space<hbm>>) target_semaphore(%run_scoped3A : memref<!tpu.dma_semaphore, #tpu.memory_space<semaphore_mem>>)
      %dma_wait3A = arith.constant 0 : i32
      %dma_wait3A_1027 = tpu.memref_slice %arg4[%add3A_382, %dma_wait3A] : memref<1024x16xf32, #tpu.memory_space<hbm>> -> memref<1x16xf32, #tpu.memory_space<hbm>>
      %dma_wait3A_1028 = tpu.memref_squeeze %dma_wait3A_1027 : memref<1x16xf32, #tpu.memory_space<hbm>> -> memref<16xf32, #tpu.memory_space<hbm>>
      %dma_wait3A_1029 = arith.constant 0 : i32
      %dma_wait3A_1030 = tpu.memref_slice %arg4[%add3A_382, %dma_wait3A_1029] : memref<1024x16xf32, #tpu.memory_space<hbm>> -> memref<1x16xf32, #tpu.memory_space<hbm>>
      %dma_wait3A_1031 = tpu.memref_squeeze %dma_wait3A_1030 : memref<1x16xf32, #tpu.memory_space<hbm>> -> memref<16xf32, #tpu.memory_space<hbm>>
      tpu.wait_dma2 semaphore(%run_scoped3A : memref<!tpu.dma_semaphore, #tpu.memory_space<semaphore_mem>>) src(%arg6 : memref<16xf32, #tpu.memory_space<vmem>>) dst(%dma_wait3A_1031 : memref<16xf32, #tpu.memory_space<hbm>>)
      tpu.yield
    }) : () -> ()
    %add3A_411 = arith.constant 0 : i32
    %add3A_412 = arith.addi %mul3A_2, %add3A_411 : i32
    %add3A_413 = arith.constant 13 : i32
    %add3A_414 = arith.addi %add3A_412, %add3A_413 : i32
    %slice3A_415 = vector.extract_strided_slice %get3A_4 {offsets = [13], sizes = [1], strides = [1]} : vector<16xi32> to vector<1xi32>
    %squeeze3A_416 = vector.extract %slice3A_415[0] : i32 from vector<1xi32>
    %jit3A_417 = arith.constant 16 : i32
    %div3A_418 = arith.divsi %squeeze3A_416, %jit3A_417 : i32
    %sign3A_419 = arith.constant 0 : i32
    %sign3A_420 = arith.cmpi sgt, %squeeze3A_416, %sign3A_419 : i32
    %sign3A_421 = arith.extui %sign3A_420 : i1 to i32
    %sign3A_422 = arith.constant 0 : i32
    %sign3A_423 = arith.cmpi slt, %squeeze3A_416, %sign3A_422 : i32
    %sign3A_424 = arith.extui %sign3A_423 : i1 to i32
    %sign3A_425 = arith.subi %sign3A_421, %sign3A_424 : i32
    %sign3A_426 = arith.constant 0 : i32
    %sign3A_427 = arith.cmpi sgt, %jit3A_417, %sign3A_426 : i32
    %sign3A_428 = arith.extui %sign3A_427 : i1 to i32
    %sign3A_429 = arith.constant 0 : i32
    %sign3A_430 = arith.cmpi slt, %jit3A_417, %sign3A_429 : i32
    %sign3A_431 = arith.extui %sign3A_430 : i1 to i32
    %sign3A_432 = arith.subi %sign3A_428, %sign3A_431 : i32
    %ne3A_433 = arith.cmpi ne, %sign3A_425, %sign3A_432 : i32
    %rem3A_434 = arith.remsi %squeeze3A_416, %jit3A_417 : i32
    %ne3A_435 = arith.constant 0 : i32
    %ne3A_436 = arith.cmpi ne, %rem3A_434, %ne3A_435 : i32
    %and3A_437 = arith.andi %ne3A_433, %ne3A_436 : i1
    %sub3A_438 = arith.constant 1 : i32
    %sub3A_439 = arith.subi %div3A_418, %sub3A_438 : i32
    %select_n3A_440 = arith.select %and3A_437, %sub3A_439, %div3A_418 : i32
    %mul3A_441 = arith.constant 16 : i32
    %mul3A_442 = arith.muli %select_n3A_440, %mul3A_441 : i32
    "tpu.region"() ({
      %run_scoped3A = tpu.sem_alloc : memref<!tpu.dma_semaphore, #tpu.memory_space<semaphore_mem>>
      %dma_start3A = tpu.memref_slice %arg2[%add3A_414, %mul3A_442] : memref<1024x100000xf32, #tpu.memory_space<hbm>> -> memref<1x16xf32, #tpu.memory_space<hbm>>
      %dma_start3A_1022 = tpu.memref_squeeze %dma_start3A : memref<1x16xf32, #tpu.memory_space<hbm>> -> memref<16xf32, #tpu.memory_space<hbm>>
      %dma_start3A_1023 = tpu.memref_slice %arg2[%add3A_414, %mul3A_442] : memref<1024x100000xf32, #tpu.memory_space<hbm>> -> memref<1x16xf32, #tpu.memory_space<hbm>>
      %dma_start3A_1024 = tpu.memref_squeeze %dma_start3A_1023 : memref<1x16xf32, #tpu.memory_space<hbm>> -> memref<16xf32, #tpu.memory_space<hbm>>
      tpu.enqueue_dma source(%dma_start3A_1024 : memref<16xf32, #tpu.memory_space<hbm>>) target(%arg6 : memref<16xf32, #tpu.memory_space<vmem>>) target_semaphore(%run_scoped3A : memref<!tpu.dma_semaphore, #tpu.memory_space<semaphore_mem>>)
      %dma_wait3A = tpu.memref_slice %arg2[%add3A_414, %mul3A_442] : memref<1024x100000xf32, #tpu.memory_space<hbm>> -> memref<1x16xf32, #tpu.memory_space<hbm>>
      %dma_wait3A_1025 = tpu.memref_squeeze %dma_wait3A : memref<1x16xf32, #tpu.memory_space<hbm>> -> memref<16xf32, #tpu.memory_space<hbm>>
      %dma_wait3A_1026 = tpu.memref_slice %arg2[%add3A_414, %mul3A_442] : memref<1024x100000xf32, #tpu.memory_space<hbm>> -> memref<1x16xf32, #tpu.memory_space<hbm>>
      %dma_wait3A_1027 = tpu.memref_squeeze %dma_wait3A_1026 : memref<1x16xf32, #tpu.memory_space<hbm>> -> memref<16xf32, #tpu.memory_space<hbm>>
      tpu.wait_dma2 semaphore(%run_scoped3A : memref<!tpu.dma_semaphore, #tpu.memory_space<semaphore_mem>>) src(%dma_wait3A_1027 : memref<16xf32, #tpu.memory_space<hbm>>) dst(%arg6 : memref<16xf32, #tpu.memory_space<vmem>>)
      tpu.yield
    }) : () -> ()
    "tpu.region"() ({
      %run_scoped3A = tpu.sem_alloc : memref<!tpu.dma_semaphore, #tpu.memory_space<semaphore_mem>>
      %dma_start3A = arith.constant 0 : i32
      %dma_start3A_1022 = tpu.memref_slice %arg4[%add3A_414, %dma_start3A] : memref<1024x16xf32, #tpu.memory_space<hbm>> -> memref<1x16xf32, #tpu.memory_space<hbm>>
      %dma_start3A_1023 = tpu.memref_squeeze %dma_start3A_1022 : memref<1x16xf32, #tpu.memory_space<hbm>> -> memref<16xf32, #tpu.memory_space<hbm>>
      %dma_start3A_1024 = arith.constant 0 : i32
      %dma_start3A_1025 = tpu.memref_slice %arg4[%add3A_414, %dma_start3A_1024] : memref<1024x16xf32, #tpu.memory_space<hbm>> -> memref<1x16xf32, #tpu.memory_space<hbm>>
      %dma_start3A_1026 = tpu.memref_squeeze %dma_start3A_1025 : memref<1x16xf32, #tpu.memory_space<hbm>> -> memref<16xf32, #tpu.memory_space<hbm>>
      tpu.enqueue_dma source(%arg6 : memref<16xf32, #tpu.memory_space<vmem>>) target(%dma_start3A_1026 : memref<16xf32, #tpu.memory_space<hbm>>) target_semaphore(%run_scoped3A : memref<!tpu.dma_semaphore, #tpu.memory_space<semaphore_mem>>)
      %dma_wait3A = arith.constant 0 : i32
      %dma_wait3A_1027 = tpu.memref_slice %arg4[%add3A_414, %dma_wait3A] : memref<1024x16xf32, #tpu.memory_space<hbm>> -> memref<1x16xf32, #tpu.memory_space<hbm>>
      %dma_wait3A_1028 = tpu.memref_squeeze %dma_wait3A_1027 : memref<1x16xf32, #tpu.memory_space<hbm>> -> memref<16xf32, #tpu.memory_space<hbm>>
      %dma_wait3A_1029 = arith.constant 0 : i32
      %dma_wait3A_1030 = tpu.memref_slice %arg4[%add3A_414, %dma_wait3A_1029] : memref<1024x16xf32, #tpu.memory_space<hbm>> -> memref<1x16xf32, #tpu.memory_space<hbm>>
      %dma_wait3A_1031 = tpu.memref_squeeze %dma_wait3A_1030 : memref<1x16xf32, #tpu.memory_space<hbm>> -> memref<16xf32, #tpu.memory_space<hbm>>
      tpu.wait_dma2 semaphore(%run_scoped3A : memref<!tpu.dma_semaphore, #tpu.memory_space<semaphore_mem>>) src(%arg6 : memref<16xf32, #tpu.memory_space<vmem>>) dst(%dma_wait3A_1031 : memref<16xf32, #tpu.memory_space<hbm>>)
      tpu.yield
    }) : () -> ()
    %add3A_443 = arith.constant 0 : i32
    %add3A_444 = arith.addi %mul3A_2, %add3A_443 : i32
    %add3A_445 = arith.constant 14 : i32
    %add3A_446 = arith.addi %add3A_444, %add3A_445 : i32
    %slice3A_447 = vector.extract_strided_slice %get3A_4 {offsets = [14], sizes = [1], strides = [1]} : vector<16xi32> to vector<1xi32>
    %squeeze3A_448 = vector.extract %slice3A_447[0] : i32 from vector<1xi32>
    %jit3A_449 = arith.constant 16 : i32
    %div3A_450 = arith.divsi %squeeze3A_448, %jit3A_449 : i32
    %sign3A_451 = arith.constant 0 : i32
    %sign3A_452 = arith.cmpi sgt, %squeeze3A_448, %sign3A_451 : i32
    %sign3A_453 = arith.extui %sign3A_452 : i1 to i32
    %sign3A_454 = arith.constant 0 : i32
    %sign3A_455 = arith.cmpi slt, %squeeze3A_448, %sign3A_454 : i32
    %sign3A_456 = arith.extui %sign3A_455 : i1 to i32
    %sign3A_457 = arith.subi %sign3A_453, %sign3A_456 : i32
    %sign3A_458 = arith.constant 0 : i32
    %sign3A_459 = arith.cmpi sgt, %jit3A_449, %sign3A_458 : i32
    %sign3A_460 = arith.extui %sign3A_459 : i1 to i32
    %sign3A_461 = arith.constant 0 : i32
    %sign3A_462 = arith.cmpi slt, %jit3A_449, %sign3A_461 : i32
    %sign3A_463 = arith.extui %sign3A_462 : i1 to i32
    %sign3A_464 = arith.subi %sign3A_460, %sign3A_463 : i32
    %ne3A_465 = arith.cmpi ne, %sign3A_457, %sign3A_464 : i32
    %rem3A_466 = arith.remsi %squeeze3A_448, %jit3A_449 : i32
    %ne3A_467 = arith.constant 0 : i32
    %ne3A_468 = arith.cmpi ne, %rem3A_466, %ne3A_467 : i32
    %and3A_469 = arith.andi %ne3A_465, %ne3A_468 : i1
    %sub3A_470 = arith.constant 1 : i32
    %sub3A_471 = arith.subi %div3A_450, %sub3A_470 : i32
    %select_n3A_472 = arith.select %and3A_469, %sub3A_471, %div3A_450 : i32
    %mul3A_473 = arith.constant 16 : i32
    %mul3A_474 = arith.muli %select_n3A_472, %mul3A_473 : i32
    "tpu.region"() ({
      %run_scoped3A = tpu.sem_alloc : memref<!tpu.dma_semaphore, #tpu.memory_space<semaphore_mem>>
      %dma_start3A = tpu.memref_slice %arg2[%add3A_446, %mul3A_474] : memref<1024x100000xf32, #tpu.memory_space<hbm>> -> memref<1x16xf32, #tpu.memory_space<hbm>>
      %dma_start3A_1022 = tpu.memref_squeeze %dma_start3A : memref<1x16xf32, #tpu.memory_space<hbm>> -> memref<16xf32, #tpu.memory_space<hbm>>
      %dma_start3A_1023 = tpu.memref_slice %arg2[%add3A_446, %mul3A_474] : memref<1024x100000xf32, #tpu.memory_space<hbm>> -> memref<1x16xf32, #tpu.memory_space<hbm>>
      %dma_start3A_1024 = tpu.memref_squeeze %dma_start3A_1023 : memref<1x16xf32, #tpu.memory_space<hbm>> -> memref<16xf32, #tpu.memory_space<hbm>>
      tpu.enqueue_dma source(%dma_start3A_1024 : memref<16xf32, #tpu.memory_space<hbm>>) target(%arg6 : memref<16xf32, #tpu.memory_space<vmem>>) target_semaphore(%run_scoped3A : memref<!tpu.dma_semaphore, #tpu.memory_space<semaphore_mem>>)
      %dma_wait3A = tpu.memref_slice %arg2[%add3A_446, %mul3A_474] : memref<1024x100000xf32, #tpu.memory_space<hbm>> -> memref<1x16xf32, #tpu.memory_space<hbm>>
      %dma_wait3A_1025 = tpu.memref_squeeze %dma_wait3A : memref<1x16xf32, #tpu.memory_space<hbm>> -> memref<16xf32, #tpu.memory_space<hbm>>
      %dma_wait3A_1026 = tpu.memref_slice %arg2[%add3A_446, %mul3A_474] : memref<1024x100000xf32, #tpu.memory_space<hbm>> -> memref<1x16xf32, #tpu.memory_space<hbm>>
      %dma_wait3A_1027 = tpu.memref_squeeze %dma_wait3A_1026 : memref<1x16xf32, #tpu.memory_space<hbm>> -> memref<16xf32, #tpu.memory_space<hbm>>
      tpu.wait_dma2 semaphore(%run_scoped3A : memref<!tpu.dma_semaphore, #tpu.memory_space<semaphore_mem>>) src(%dma_wait3A_1027 : memref<16xf32, #tpu.memory_space<hbm>>) dst(%arg6 : memref<16xf32, #tpu.memory_space<vmem>>)
      tpu.yield
    }) : () -> ()
    "tpu.region"() ({
      %run_scoped3A = tpu.sem_alloc : memref<!tpu.dma_semaphore, #tpu.memory_space<semaphore_mem>>
      %dma_start3A = arith.constant 0 : i32
      %dma_start3A_1022 = tpu.memref_slice %arg4[%add3A_446, %dma_start3A] : memref<1024x16xf32, #tpu.memory_space<hbm>> -> memref<1x16xf32, #tpu.memory_space<hbm>>
      %dma_start3A_1023 = tpu.memref_squeeze %dma_start3A_1022 : memref<1x16xf32, #tpu.memory_space<hbm>> -> memref<16xf32, #tpu.memory_space<hbm>>
      %dma_start3A_1024 = arith.constant 0 : i32
      %dma_start3A_1025 = tpu.memref_slice %arg4[%add3A_446, %dma_start3A_1024] : memref<1024x16xf32, #tpu.memory_space<hbm>> -> memref<1x16xf32, #tpu.memory_space<hbm>>
      %dma_start3A_1026 = tpu.memref_squeeze %dma_start3A_1025 : memref<1x16xf32, #tpu.memory_space<hbm>> -> memref<16xf32, #tpu.memory_space<hbm>>
      tpu.enqueue_dma source(%arg6 : memref<16xf32, #tpu.memory_space<vmem>>) target(%dma_start3A_1026 : memref<16xf32, #tpu.memory_space<hbm>>) target_semaphore(%run_scoped3A : memref<!tpu.dma_semaphore, #tpu.memory_space<semaphore_mem>>)
      %dma_wait3A = arith.constant 0 : i32
      %dma_wait3A_1027 = tpu.memref_slice %arg4[%add3A_446, %dma_wait3A] : memref<1024x16xf32, #tpu.memory_space<hbm>> -> memref<1x16xf32, #tpu.memory_space<hbm>>
      %dma_wait3A_1028 = tpu.memref_squeeze %dma_wait3A_1027 : memref<1x16xf32, #tpu.memory_space<hbm>> -> memref<16xf32, #tpu.memory_space<hbm>>
      %dma_wait3A_1029 = arith.constant 0 : i32
      %dma_wait3A_1030 = tpu.memref_slice %arg4[%add3A_446, %dma_wait3A_1029] : memref<1024x16xf32, #tpu.memory_space<hbm>> -> memref<1x16xf32, #tpu.memory_space<hbm>>
      %dma_wait3A_1031 = tpu.memref_squeeze %dma_wait3A_1030 : memref<1x16xf32, #tpu.memory_space<hbm>> -> memref<16xf32, #tpu.memory_space<hbm>>
      tpu.wait_dma2 semaphore(%run_scoped3A : memref<!tpu.dma_semaphore, #tpu.memory_space<semaphore_mem>>) src(%arg6 : memref<16xf32, #tpu.memory_space<vmem>>) dst(%dma_wait3A_1031 : memref<16xf32, #tpu.memory_space<hbm>>)
      tpu.yield
    }) : () -> ()
    %add3A_475 = arith.constant 0 : i32
    %add3A_476 = arith.addi %mul3A_2, %add3A_475 : i32
    %add3A_477 = arith.constant 15 : i32
    %add3A_478 = arith.addi %add3A_476, %add3A_477 : i32
    %slice3A_479 = vector.extract_strided_slice %get3A_4 {offsets = [15], sizes = [1], strides = [1]} : vector<16xi32> to vector<1xi32>
    %squeeze3A_480 = vector.extract %slice3A_479[0] : i32 from vector<1xi32>
    %jit3A_481 = arith.constant 16 : i32
    %div3A_482 = arith.divsi %squeeze3A_480, %jit3A_481 : i32
    %sign3A_483 = arith.constant 0 : i32
    %sign3A_484 = arith.cmpi sgt, %squeeze3A_480, %sign3A_483 : i32
    %sign3A_485 = arith.extui %sign3A_484 : i1 to i32
    %sign3A_486 = arith.constant 0 : i32
    %sign3A_487 = arith.cmpi slt, %squeeze3A_480, %sign3A_486 : i32
    %sign3A_488 = arith.extui %sign3A_487 : i1 to i32
    %sign3A_489 = arith.subi %sign3A_485, %sign3A_488 : i32
    %sign3A_490 = arith.constant 0 : i32
    %sign3A_491 = arith.cmpi sgt, %jit3A_481, %sign3A_490 : i32
    %sign3A_492 = arith.extui %sign3A_491 : i1 to i32
    %sign3A_493 = arith.constant 0 : i32
    %sign3A_494 = arith.cmpi slt, %jit3A_481, %sign3A_493 : i32
    %sign3A_495 = arith.extui %sign3A_494 : i1 to i32
    %sign3A_496 = arith.subi %sign3A_492, %sign3A_495 : i32
    %ne3A_497 = arith.cmpi ne, %sign3A_489, %sign3A_496 : i32
    %rem3A_498 = arith.remsi %squeeze3A_480, %jit3A_481 : i32
    %ne3A_499 = arith.constant 0 : i32
    %ne3A_500 = arith.cmpi ne, %rem3A_498, %ne3A_499 : i32
    %and3A_501 = arith.andi %ne3A_497, %ne3A_500 : i1
    %sub3A_502 = arith.constant 1 : i32
    %sub3A_503 = arith.subi %div3A_482, %sub3A_502 : i32
    %select_n3A_504 = arith.select %and3A_501, %sub3A_503, %div3A_482 : i32
    %mul3A_505 = arith.constant 16 : i32
    %mul3A_506 = arith.muli %select_n3A_504, %mul3A_505 : i32
    "tpu.region"() ({
      %run_scoped3A = tpu.sem_alloc : memref<!tpu.dma_semaphore, #tpu.memory_space<semaphore_mem>>
      %dma_start3A = tpu.memref_slice %arg2[%add3A_478, %mul3A_506] : memref<1024x100000xf32, #tpu.memory_space<hbm>> -> memref<1x16xf32, #tpu.memory_space<hbm>>
      %dma_start3A_1022 = tpu.memref_squeeze %dma_start3A : memref<1x16xf32, #tpu.memory_space<hbm>> -> memref<16xf32, #tpu.memory_space<hbm>>
      %dma_start3A_1023 = tpu.memref_slice %arg2[%add3A_478, %mul3A_506] : memref<1024x100000xf32, #tpu.memory_space<hbm>> -> memref<1x16xf32, #tpu.memory_space<hbm>>
      %dma_start3A_1024 = tpu.memref_squeeze %dma_start3A_1023 : memref<1x16xf32, #tpu.memory_space<hbm>> -> memref<16xf32, #tpu.memory_space<hbm>>
      tpu.enqueue_dma source(%dma_start3A_1024 : memref<16xf32, #tpu.memory_space<hbm>>) target(%arg6 : memref<16xf32, #tpu.memory_space<vmem>>) target_semaphore(%run_scoped3A : memref<!tpu.dma_semaphore, #tpu.memory_space<semaphore_mem>>)
      %dma_wait3A = tpu.memref_slice %arg2[%add3A_478, %mul3A_506] : memref<1024x100000xf32, #tpu.memory_space<hbm>> -> memref<1x16xf32, #tpu.memory_space<hbm>>
      %dma_wait3A_1025 = tpu.memref_squeeze %dma_wait3A : memref<1x16xf32, #tpu.memory_space<hbm>> -> memref<16xf32, #tpu.memory_space<hbm>>
      %dma_wait3A_1026 = tpu.memref_slice %arg2[%add3A_478, %mul3A_506] : memref<1024x100000xf32, #tpu.memory_space<hbm>> -> memref<1x16xf32, #tpu.memory_space<hbm>>
      %dma_wait3A_1027 = tpu.memref_squeeze %dma_wait3A_1026 : memref<1x16xf32, #tpu.memory_space<hbm>> -> memref<16xf32, #tpu.memory_space<hbm>>
      tpu.wait_dma2 semaphore(%run_scoped3A : memref<!tpu.dma_semaphore, #tpu.memory_space<semaphore_mem>>) src(%dma_wait3A_1027 : memref<16xf32, #tpu.memory_space<hbm>>) dst(%arg6 : memref<16xf32, #tpu.memory_space<vmem>>)
      tpu.yield
    }) : () -> ()
    "tpu.region"() ({
      %run_scoped3A = tpu.sem_alloc : memref<!tpu.dma_semaphore, #tpu.memory_space<semaphore_mem>>
      %dma_start3A = arith.constant 0 : i32
      %dma_start3A_1022 = tpu.memref_slice %arg4[%add3A_478, %dma_start3A] : memref<1024x16xf32, #tpu.memory_space<hbm>> -> memref<1x16xf32, #tpu.memory_space<hbm>>
      %dma_start3A_1023 = tpu.memref_squeeze %dma_start3A_1022 : memref<1x16xf32, #tpu.memory_space<hbm>> -> memref<16xf32, #tpu.memory_space<hbm>>
      %dma_start3A_1024 = arith.constant 0 : i32
      %dma_start3A_1025 = tpu.memref_slice %arg4[%add3A_478, %dma_start3A_1024] : memref<1024x16xf32, #tpu.memory_space<hbm>> -> memref<1x16xf32, #tpu.memory_space<hbm>>
      %dma_start3A_1026 = tpu.memref_squeeze %dma_start3A_1025 : memref<1x16xf32, #tpu.memory_space<hbm>> -> memref<16xf32, #tpu.memory_space<hbm>>
      tpu.enqueue_dma source(%arg6 : memref<16xf32, #tpu.memory_space<vmem>>) target(%dma_start3A_1026 : memref<16xf32, #tpu.memory_space<hbm>>) target_semaphore(%run_scoped3A : memref<!tpu.dma_semaphore, #tpu.memory_space<semaphore_mem>>)
      %dma_wait3A = arith.constant 0 : i32
      %dma_wait3A_1027 = tpu.memref_slice %arg4[%add3A_478, %dma_wait3A] : memref<1024x16xf32, #tpu.memory_space<hbm>> -> memref<1x16xf32, #tpu.memory_space<hbm>>
      %dma_wait3A_1028 = tpu.memref_squeeze %dma_wait3A_1027 : memref<1x16xf32, #tpu.memory_space<hbm>> -> memref<16xf32, #tpu.memory_space<hbm>>
      %dma_wait3A_1029 = arith.constant 0 : i32
      %dma_wait3A_1030 = tpu.memref_slice %arg4[%add3A_478, %dma_wait3A_1029] : memref<1024x16xf32, #tpu.memory_space<hbm>> -> memref<1x16xf32, #tpu.memory_space<hbm>>
      %dma_wait3A_1031 = tpu.memref_squeeze %dma_wait3A_1030 : memref<1x16xf32, #tpu.memory_space<hbm>> -> memref<16xf32, #tpu.memory_space<hbm>>
      tpu.wait_dma2 semaphore(%run_scoped3A : memref<!tpu.dma_semaphore, #tpu.memory_space<semaphore_mem>>) src(%arg6 : memref<16xf32, #tpu.memory_space<vmem>>) dst(%dma_wait3A_1031 : memref<16xf32, #tpu.memory_space<hbm>>)
      tpu.yield
    }) : () -> ()
    %get3A_507 = arith.constant 16 : index
    %get3A_508 = tpu.vector_load %arg5[%get3A_507] {strides = array<i32>} : memref<32xi32, #tpu.memory_space<vmem>>, vector<16xi32>,
    %get3A_509 = vector.shape_cast %get3A_508 : vector<16xi32> to vector<16xi32>
    %add3A_510 = arith.constant 16 : i32
    %add3A_511 = arith.addi %mul3A_2, %add3A_510 : i32
    %add3A_512 = arith.constant 0 : i32
    %add3A_513 = arith.addi %add3A_511, %add3A_512 : i32
    %slice3A_514 = vector.extract_strided_slice %get3A_509 {offsets = [0], sizes = [1], strides = [1]} : vector<16xi32> to vector<1xi32>
    %squeeze3A_515 = vector.extract %slice3A_514[0] : i32 from vector<1xi32>
    %jit3A_516 = arith.constant 16 : i32
    %div3A_517 = arith.divsi %squeeze3A_515, %jit3A_516 : i32
    %sign3A_518 = arith.constant 0 : i32
    %sign3A_519 = arith.cmpi sgt, %squeeze3A_515, %sign3A_518 : i32
    %sign3A_520 = arith.extui %sign3A_519 : i1 to i32
    %sign3A_521 = arith.constant 0 : i32
    %sign3A_522 = arith.cmpi slt, %squeeze3A_515, %sign3A_521 : i32
    %sign3A_523 = arith.extui %sign3A_522 : i1 to i32
    %sign3A_524 = arith.subi %sign3A_520, %sign3A_523 : i32
    %sign3A_525 = arith.constant 0 : i32
    %sign3A_526 = arith.cmpi sgt, %jit3A_516, %sign3A_525 : i32
    %sign3A_527 = arith.extui %sign3A_526 : i1 to i32
    %sign3A_528 = arith.constant 0 : i32
    %sign3A_529 = arith.cmpi slt, %jit3A_516, %sign3A_528 : i32
    %sign3A_530 = arith.extui %sign3A_529 : i1 to i32
    %sign3A_531 = arith.subi %sign3A_527, %sign3A_530 : i32
    %ne3A_532 = arith.cmpi ne, %sign3A_524, %sign3A_531 : i32
    %rem3A_533 = arith.remsi %squeeze3A_515, %jit3A_516 : i32
    %ne3A_534 = arith.constant 0 : i32
    %ne3A_535 = arith.cmpi ne, %rem3A_533, %ne3A_534 : i32
    %and3A_536 = arith.andi %ne3A_532, %ne3A_535 : i1
    %sub3A_537 = arith.constant 1 : i32
    %sub3A_538 = arith.subi %div3A_517, %sub3A_537 : i32
    %select_n3A_539 = arith.select %and3A_536, %sub3A_538, %div3A_517 : i32
    %mul3A_540 = arith.constant 16 : i32
    %mul3A_541 = arith.muli %select_n3A_539, %mul3A_540 : i32
    "tpu.region"() ({
      %run_scoped3A = tpu.sem_alloc : memref<!tpu.dma_semaphore, #tpu.memory_space<semaphore_mem>>
      %dma_start3A = tpu.memref_slice %arg2[%add3A_513, %mul3A_541] : memref<1024x100000xf32, #tpu.memory_space<hbm>> -> memref<1x16xf32, #tpu.memory_space<hbm>>
      %dma_start3A_1022 = tpu.memref_squeeze %dma_start3A : memref<1x16xf32, #tpu.memory_space<hbm>> -> memref<16xf32, #tpu.memory_space<hbm>>
      %dma_start3A_1023 = tpu.memref_slice %arg2[%add3A_513, %mul3A_541] : memref<1024x100000xf32, #tpu.memory_space<hbm>> -> memref<1x16xf32, #tpu.memory_space<hbm>>
      %dma_start3A_1024 = tpu.memref_squeeze %dma_start3A_1023 : memref<1x16xf32, #tpu.memory_space<hbm>> -> memref<16xf32, #tpu.memory_space<hbm>>
      tpu.enqueue_dma source(%dma_start3A_1024 : memref<16xf32, #tpu.memory_space<hbm>>) target(%arg6 : memref<16xf32, #tpu.memory_space<vmem>>) target_semaphore(%run_scoped3A : memref<!tpu.dma_semaphore, #tpu.memory_space<semaphore_mem>>)
      %dma_wait3A = tpu.memref_slice %arg2[%add3A_513, %mul3A_541] : memref<1024x100000xf32, #tpu.memory_space<hbm>> -> memref<1x16xf32, #tpu.memory_space<hbm>>
      %dma_wait3A_1025 = tpu.memref_squeeze %dma_wait3A : memref<1x16xf32, #tpu.memory_space<hbm>> -> memref<16xf32, #tpu.memory_space<hbm>>
      %dma_wait3A_1026 = tpu.memref_slice %arg2[%add3A_513, %mul3A_541] : memref<1024x100000xf32, #tpu.memory_space<hbm>> -> memref<1x16xf32, #tpu.memory_space<hbm>>
      %dma_wait3A_1027 = tpu.memref_squeeze %dma_wait3A_1026 : memref<1x16xf32, #tpu.memory_space<hbm>> -> memref<16xf32, #tpu.memory_space<hbm>>
      tpu.wait_dma2 semaphore(%run_scoped3A : memref<!tpu.dma_semaphore, #tpu.memory_space<semaphore_mem>>) src(%dma_wait3A_1027 : memref<16xf32, #tpu.memory_space<hbm>>) dst(%arg6 : memref<16xf32, #tpu.memory_space<vmem>>)
      tpu.yield
    }) : () -> ()
    "tpu.region"() ({
      %run_scoped3A = tpu.sem_alloc : memref<!tpu.dma_semaphore, #tpu.memory_space<semaphore_mem>>
      %dma_start3A = arith.constant 0 : i32
      %dma_start3A_1022 = tpu.memref_slice %arg4[%add3A_513, %dma_start3A] : memref<1024x16xf32, #tpu.memory_space<hbm>> -> memref<1x16xf32, #tpu.memory_space<hbm>>
      %dma_start3A_1023 = tpu.memref_squeeze %dma_start3A_1022 : memref<1x16xf32, #tpu.memory_space<hbm>> -> memref<16xf32, #tpu.memory_space<hbm>>
      %dma_start3A_1024 = arith.constant 0 : i32
      %dma_start3A_1025 = tpu.memref_slice %arg4[%add3A_513, %dma_start3A_1024] : memref<1024x16xf32, #tpu.memory_space<hbm>> -> memref<1x16xf32, #tpu.memory_space<hbm>>
      %dma_start3A_1026 = tpu.memref_squeeze %dma_start3A_1025 : memref<1x16xf32, #tpu.memory_space<hbm>> -> memref<16xf32, #tpu.memory_space<hbm>>
      tpu.enqueue_dma source(%arg6 : memref<16xf32, #tpu.memory_space<vmem>>) target(%dma_start3A_1026 : memref<16xf32, #tpu.memory_space<hbm>>) target_semaphore(%run_scoped3A : memref<!tpu.dma_semaphore, #tpu.memory_space<semaphore_mem>>)
      %dma_wait3A = arith.constant 0 : i32
      %dma_wait3A_1027 = tpu.memref_slice %arg4[%add3A_513, %dma_wait3A] : memref<1024x16xf32, #tpu.memory_space<hbm>> -> memref<1x16xf32, #tpu.memory_space<hbm>>
      %dma_wait3A_1028 = tpu.memref_squeeze %dma_wait3A_1027 : memref<1x16xf32, #tpu.memory_space<hbm>> -> memref<16xf32, #tpu.memory_space<hbm>>
      %dma_wait3A_1029 = arith.constant 0 : i32
      %dma_wait3A_1030 = tpu.memref_slice %arg4[%add3A_513, %dma_wait3A_1029] : memref<1024x16xf32, #tpu.memory_space<hbm>> -> memref<1x16xf32, #tpu.memory_space<hbm>>
      %dma_wait3A_1031 = tpu.memref_squeeze %dma_wait3A_1030 : memref<1x16xf32, #tpu.memory_space<hbm>> -> memref<16xf32, #tpu.memory_space<hbm>>
      tpu.wait_dma2 semaphore(%run_scoped3A : memref<!tpu.dma_semaphore, #tpu.memory_space<semaphore_mem>>) src(%arg6 : memref<16xf32, #tpu.memory_space<vmem>>) dst(%dma_wait3A_1031 : memref<16xf32, #tpu.memory_space<hbm>>)
      tpu.yield
    }) : () -> ()
    %add3A_542 = arith.constant 16 : i32
    %add3A_543 = arith.addi %mul3A_2, %add3A_542 : i32
    %add3A_544 = arith.constant 1 : i32
    %add3A_545 = arith.addi %add3A_543, %add3A_544 : i32
    %slice3A_546 = vector.extract_strided_slice %get3A_509 {offsets = [1], sizes = [1], strides = [1]} : vector<16xi32> to vector<1xi32>
    %squeeze3A_547 = vector.extract %slice3A_546[0] : i32 from vector<1xi32>
    %jit3A_548 = arith.constant 16 : i32
    %div3A_549 = arith.divsi %squeeze3A_547, %jit3A_548 : i32
    %sign3A_550 = arith.constant 0 : i32
    %sign3A_551 = arith.cmpi sgt, %squeeze3A_547, %sign3A_550 : i32
    %sign3A_552 = arith.extui %sign3A_551 : i1 to i32
    %sign3A_553 = arith.constant 0 : i32
    %sign3A_554 = arith.cmpi slt, %squeeze3A_547, %sign3A_553 : i32
    %sign3A_555 = arith.extui %sign3A_554 : i1 to i32
    %sign3A_556 = arith.subi %sign3A_552, %sign3A_555 : i32
    %sign3A_557 = arith.constant 0 : i32
    %sign3A_558 = arith.cmpi sgt, %jit3A_548, %sign3A_557 : i32
    %sign3A_559 = arith.extui %sign3A_558 : i1 to i32
    %sign3A_560 = arith.constant 0 : i32
    %sign3A_561 = arith.cmpi slt, %jit3A_548, %sign3A_560 : i32
    %sign3A_562 = arith.extui %sign3A_561 : i1 to i32
    %sign3A_563 = arith.subi %sign3A_559, %sign3A_562 : i32
    %ne3A_564 = arith.cmpi ne, %sign3A_556, %sign3A_563 : i32
    %rem3A_565 = arith.remsi %squeeze3A_547, %jit3A_548 : i32
    %ne3A_566 = arith.constant 0 : i32
    %ne3A_567 = arith.cmpi ne, %rem3A_565, %ne3A_566 : i32
    %and3A_568 = arith.andi %ne3A_564, %ne3A_567 : i1
    %sub3A_569 = arith.constant 1 : i32
    %sub3A_570 = arith.subi %div3A_549, %sub3A_569 : i32
    %select_n3A_571 = arith.select %and3A_568, %sub3A_570, %div3A_549 : i32
    %mul3A_572 = arith.constant 16 : i32
    %mul3A_573 = arith.muli %select_n3A_571, %mul3A_572 : i32
    "tpu.region"() ({
      %run_scoped3A = tpu.sem_alloc : memref<!tpu.dma_semaphore, #tpu.memory_space<semaphore_mem>>
      %dma_start3A = tpu.memref_slice %arg2[%add3A_545, %mul3A_573] : memref<1024x100000xf32, #tpu.memory_space<hbm>> -> memref<1x16xf32, #tpu.memory_space<hbm>>
      %dma_start3A_1022 = tpu.memref_squeeze %dma_start3A : memref<1x16xf32, #tpu.memory_space<hbm>> -> memref<16xf32, #tpu.memory_space<hbm>>
      %dma_start3A_1023 = tpu.memref_slice %arg2[%add3A_545, %mul3A_573] : memref<1024x100000xf32, #tpu.memory_space<hbm>> -> memref<1x16xf32, #tpu.memory_space<hbm>>
      %dma_start3A_1024 = tpu.memref_squeeze %dma_start3A_1023 : memref<1x16xf32, #tpu.memory_space<hbm>> -> memref<16xf32, #tpu.memory_space<hbm>>
      tpu.enqueue_dma source(%dma_start3A_1024 : memref<16xf32, #tpu.memory_space<hbm>>) target(%arg6 : memref<16xf32, #tpu.memory_space<vmem>>) target_semaphore(%run_scoped3A : memref<!tpu.dma_semaphore, #tpu.memory_space<semaphore_mem>>)
      %dma_wait3A = tpu.memref_slice %arg2[%add3A_545, %mul3A_573] : memref<1024x100000xf32, #tpu.memory_space<hbm>> -> memref<1x16xf32, #tpu.memory_space<hbm>>
      %dma_wait3A_1025 = tpu.memref_squeeze %dma_wait3A : memref<1x16xf32, #tpu.memory_space<hbm>> -> memref<16xf32, #tpu.memory_space<hbm>>
      %dma_wait3A_1026 = tpu.memref_slice %arg2[%add3A_545, %mul3A_573] : memref<1024x100000xf32, #tpu.memory_space<hbm>> -> memref<1x16xf32, #tpu.memory_space<hbm>>
      %dma_wait3A_1027 = tpu.memref_squeeze %dma_wait3A_1026 : memref<1x16xf32, #tpu.memory_space<hbm>> -> memref<16xf32, #tpu.memory_space<hbm>>
      tpu.wait_dma2 semaphore(%run_scoped3A : memref<!tpu.dma_semaphore, #tpu.memory_space<semaphore_mem>>) src(%dma_wait3A_1027 : memref<16xf32, #tpu.memory_space<hbm>>) dst(%arg6 : memref<16xf32, #tpu.memory_space<vmem>>)
      tpu.yield
    }) : () -> ()
    "tpu.region"() ({
      %run_scoped3A = tpu.sem_alloc : memref<!tpu.dma_semaphore, #tpu.memory_space<semaphore_mem>>
      %dma_start3A = arith.constant 0 : i32
      %dma_start3A_1022 = tpu.memref_slice %arg4[%add3A_545, %dma_start3A] : memref<1024x16xf32, #tpu.memory_space<hbm>> -> memref<1x16xf32, #tpu.memory_space<hbm>>
      %dma_start3A_1023 = tpu.memref_squeeze %dma_start3A_1022 : memref<1x16xf32, #tpu.memory_space<hbm>> -> memref<16xf32, #tpu.memory_space<hbm>>
      %dma_start3A_1024 = arith.constant 0 : i32
      %dma_start3A_1025 = tpu.memref_slice %arg4[%add3A_545, %dma_start3A_1024] : memref<1024x16xf32, #tpu.memory_space<hbm>> -> memref<1x16xf32, #tpu.memory_space<hbm>>
      %dma_start3A_1026 = tpu.memref_squeeze %dma_start3A_1025 : memref<1x16xf32, #tpu.memory_space<hbm>> -> memref<16xf32, #tpu.memory_space<hbm>>
      tpu.enqueue_dma source(%arg6 : memref<16xf32, #tpu.memory_space<vmem>>) target(%dma_start3A_1026 : memref<16xf32, #tpu.memory_space<hbm>>) target_semaphore(%run_scoped3A : memref<!tpu.dma_semaphore, #tpu.memory_space<semaphore_mem>>)
      %dma_wait3A = arith.constant 0 : i32
      %dma_wait3A_1027 = tpu.memref_slice %arg4[%add3A_545, %dma_wait3A] : memref<1024x16xf32, #tpu.memory_space<hbm>> -> memref<1x16xf32, #tpu.memory_space<hbm>>
      %dma_wait3A_1028 = tpu.memref_squeeze %dma_wait3A_1027 : memref<1x16xf32, #tpu.memory_space<hbm>> -> memref<16xf32, #tpu.memory_space<hbm>>
      %dma_wait3A_1029 = arith.constant 0 : i32
      %dma_wait3A_1030 = tpu.memref_slice %arg4[%add3A_545, %dma_wait3A_1029] : memref<1024x16xf32, #tpu.memory_space<hbm>> -> memref<1x16xf32, #tpu.memory_space<hbm>>
      %dma_wait3A_1031 = tpu.memref_squeeze %dma_wait3A_1030 : memref<1x16xf32, #tpu.memory_space<hbm>> -> memref<16xf32, #tpu.memory_space<hbm>>
      tpu.wait_dma2 semaphore(%run_scoped3A : memref<!tpu.dma_semaphore, #tpu.memory_space<semaphore_mem>>) src(%arg6 : memref<16xf32, #tpu.memory_space<vmem>>) dst(%dma_wait3A_1031 : memref<16xf32, #tpu.memory_space<hbm>>)
      tpu.yield
    }) : () -> ()
    %add3A_574 = arith.constant 16 : i32
    %add3A_575 = arith.addi %mul3A_2, %add3A_574 : i32
    %add3A_576 = arith.constant 2 : i32
    %add3A_577 = arith.addi %add3A_575, %add3A_576 : i32
    %slice3A_578 = vector.extract_strided_slice %get3A_509 {offsets = [2], sizes = [1], strides = [1]} : vector<16xi32> to vector<1xi32>
    %squeeze3A_579 = vector.extract %slice3A_578[0] : i32 from vector<1xi32>
    %jit3A_580 = arith.constant 16 : i32
    %div3A_581 = arith.divsi %squeeze3A_579, %jit3A_580 : i32
    %sign3A_582 = arith.constant 0 : i32
    %sign3A_583 = arith.cmpi sgt, %squeeze3A_579, %sign3A_582 : i32
    %sign3A_584 = arith.extui %sign3A_583 : i1 to i32
    %sign3A_585 = arith.constant 0 : i32
    %sign3A_586 = arith.cmpi slt, %squeeze3A_579, %sign3A_585 : i32
    %sign3A_587 = arith.extui %sign3A_586 : i1 to i32
    %sign3A_588 = arith.subi %sign3A_584, %sign3A_587 : i32
    %sign3A_589 = arith.constant 0 : i32
    %sign3A_590 = arith.cmpi sgt, %jit3A_580, %sign3A_589 : i32
    %sign3A_591 = arith.extui %sign3A_590 : i1 to i32
    %sign3A_592 = arith.constant 0 : i32
    %sign3A_593 = arith.cmpi slt, %jit3A_580, %sign3A_592 : i32
    %sign3A_594 = arith.extui %sign3A_593 : i1 to i32
    %sign3A_595 = arith.subi %sign3A_591, %sign3A_594 : i32
    %ne3A_596 = arith.cmpi ne, %sign3A_588, %sign3A_595 : i32
    %rem3A_597 = arith.remsi %squeeze3A_579, %jit3A_580 : i32
    %ne3A_598 = arith.constant 0 : i32
    %ne3A_599 = arith.cmpi ne, %rem3A_597, %ne3A_598 : i32
    %and3A_600 = arith.andi %ne3A_596, %ne3A_599 : i1
    %sub3A_601 = arith.constant 1 : i32
    %sub3A_602 = arith.subi %div3A_581, %sub3A_601 : i32
    %select_n3A_603 = arith.select %and3A_600, %sub3A_602, %div3A_581 : i32
    %mul3A_604 = arith.constant 16 : i32
    %mul3A_605 = arith.muli %select_n3A_603, %mul3A_604 : i32
    "tpu.region"() ({
      %run_scoped3A = tpu.sem_alloc : memref<!tpu.dma_semaphore, #tpu.memory_space<semaphore_mem>>
      %dma_start3A = tpu.memref_slice %arg2[%add3A_577, %mul3A_605] : memref<1024x100000xf32, #tpu.memory_space<hbm>> -> memref<1x16xf32, #tpu.memory_space<hbm>>
      %dma_start3A_1022 = tpu.memref_squeeze %dma_start3A : memref<1x16xf32, #tpu.memory_space<hbm>> -> memref<16xf32, #tpu.memory_space<hbm>>
      %dma_start3A_1023 = tpu.memref_slice %arg2[%add3A_577, %mul3A_605] : memref<1024x100000xf32, #tpu.memory_space<hbm>> -> memref<1x16xf32, #tpu.memory_space<hbm>>
      %dma_start3A_1024 = tpu.memref_squeeze %dma_start3A_1023 : memref<1x16xf32, #tpu.memory_space<hbm>> -> memref<16xf32, #tpu.memory_space<hbm>>
      tpu.enqueue_dma source(%dma_start3A_1024 : memref<16xf32, #tpu.memory_space<hbm>>) target(%arg6 : memref<16xf32, #tpu.memory_space<vmem>>) target_semaphore(%run_scoped3A : memref<!tpu.dma_semaphore, #tpu.memory_space<semaphore_mem>>)
      %dma_wait3A = tpu.memref_slice %arg2[%add3A_577, %mul3A_605] : memref<1024x100000xf32, #tpu.memory_space<hbm>> -> memref<1x16xf32, #tpu.memory_space<hbm>>
      %dma_wait3A_1025 = tpu.memref_squeeze %dma_wait3A : memref<1x16xf32, #tpu.memory_space<hbm>> -> memref<16xf32, #tpu.memory_space<hbm>>
      %dma_wait3A_1026 = tpu.memref_slice %arg2[%add3A_577, %mul3A_605] : memref<1024x100000xf32, #tpu.memory_space<hbm>> -> memref<1x16xf32, #tpu.memory_space<hbm>>
      %dma_wait3A_1027 = tpu.memref_squeeze %dma_wait3A_1026 : memref<1x16xf32, #tpu.memory_space<hbm>> -> memref<16xf32, #tpu.memory_space<hbm>>
      tpu.wait_dma2 semaphore(%run_scoped3A : memref<!tpu.dma_semaphore, #tpu.memory_space<semaphore_mem>>) src(%dma_wait3A_1027 : memref<16xf32, #tpu.memory_space<hbm>>) dst(%arg6 : memref<16xf32, #tpu.memory_space<vmem>>)
      tpu.yield
    }) : () -> ()
    "tpu.region"() ({
      %run_scoped3A = tpu.sem_alloc : memref<!tpu.dma_semaphore, #tpu.memory_space<semaphore_mem>>
      %dma_start3A = arith.constant 0 : i32
      %dma_start3A_1022 = tpu.memref_slice %arg4[%add3A_577, %dma_start3A] : memref<1024x16xf32, #tpu.memory_space<hbm>> -> memref<1x16xf32, #tpu.memory_space<hbm>>
      %dma_start3A_1023 = tpu.memref_squeeze %dma_start3A_1022 : memref<1x16xf32, #tpu.memory_space<hbm>> -> memref<16xf32, #tpu.memory_space<hbm>>
      %dma_start3A_1024 = arith.constant 0 : i32
      %dma_start3A_1025 = tpu.memref_slice %arg4[%add3A_577, %dma_start3A_1024] : memref<1024x16xf32, #tpu.memory_space<hbm>> -> memref<1x16xf32, #tpu.memory_space<hbm>>
      %dma_start3A_1026 = tpu.memref_squeeze %dma_start3A_1025 : memref<1x16xf32, #tpu.memory_space<hbm>> -> memref<16xf32, #tpu.memory_space<hbm>>
      tpu.enqueue_dma source(%arg6 : memref<16xf32, #tpu.memory_space<vmem>>) target(%dma_start3A_1026 : memref<16xf32, #tpu.memory_space<hbm>>) target_semaphore(%run_scoped3A : memref<!tpu.dma_semaphore, #tpu.memory_space<semaphore_mem>>)
      %dma_wait3A = arith.constant 0 : i32
      %dma_wait3A_1027 = tpu.memref_slice %arg4[%add3A_577, %dma_wait3A] : memref<1024x16xf32, #tpu.memory_space<hbm>> -> memref<1x16xf32, #tpu.memory_space<hbm>>
      %dma_wait3A_1028 = tpu.memref_squeeze %dma_wait3A_1027 : memref<1x16xf32, #tpu.memory_space<hbm>> -> memref<16xf32, #tpu.memory_space<hbm>>
      %dma_wait3A_1029 = arith.constant 0 : i32
      %dma_wait3A_1030 = tpu.memref_slice %arg4[%add3A_577, %dma_wait3A_1029] : memref<1024x16xf32, #tpu.memory_space<hbm>> -> memref<1x16xf32, #tpu.memory_space<hbm>>
      %dma_wait3A_1031 = tpu.memref_squeeze %dma_wait3A_1030 : memref<1x16xf32, #tpu.memory_space<hbm>> -> memref<16xf32, #tpu.memory_space<hbm>>
      tpu.wait_dma2 semaphore(%run_scoped3A : memref<!tpu.dma_semaphore, #tpu.memory_space<semaphore_mem>>) src(%arg6 : memref<16xf32, #tpu.memory_space<vmem>>) dst(%dma_wait3A_1031 : memref<16xf32, #tpu.memory_space<hbm>>)
      tpu.yield
    }) : () -> ()
    %add3A_606 = arith.constant 16 : i32
    %add3A_607 = arith.addi %mul3A_2, %add3A_606 : i32
    %add3A_608 = arith.constant 3 : i32
    %add3A_609 = arith.addi %add3A_607, %add3A_608 : i32
    %slice3A_610 = vector.extract_strided_slice %get3A_509 {offsets = [3], sizes = [1], strides = [1]} : vector<16xi32> to vector<1xi32>
    %squeeze3A_611 = vector.extract %slice3A_610[0] : i32 from vector<1xi32>
    %jit3A_612 = arith.constant 16 : i32
    %div3A_613 = arith.divsi %squeeze3A_611, %jit3A_612 : i32
    %sign3A_614 = arith.constant 0 : i32
    %sign3A_615 = arith.cmpi sgt, %squeeze3A_611, %sign3A_614 : i32
    %sign3A_616 = arith.extui %sign3A_615 : i1 to i32
    %sign3A_617 = arith.constant 0 : i32
    %sign3A_618 = arith.cmpi slt, %squeeze3A_611, %sign3A_617 : i32
    %sign3A_619 = arith.extui %sign3A_618 : i1 to i32
    %sign3A_620 = arith.subi %sign3A_616, %sign3A_619 : i32
    %sign3A_621 = arith.constant 0 : i32
    %sign3A_622 = arith.cmpi sgt, %jit3A_612, %sign3A_621 : i32
    %sign3A_623 = arith.extui %sign3A_622 : i1 to i32
    %sign3A_624 = arith.constant 0 : i32
    %sign3A_625 = arith.cmpi slt, %jit3A_612, %sign3A_624 : i32
    %sign3A_626 = arith.extui %sign3A_625 : i1 to i32
    %sign3A_627 = arith.subi %sign3A_623, %sign3A_626 : i32
    %ne3A_628 = arith.cmpi ne, %sign3A_620, %sign3A_627 : i32
    %rem3A_629 = arith.remsi %squeeze3A_611, %jit3A_612 : i32
    %ne3A_630 = arith.constant 0 : i32
    %ne3A_631 = arith.cmpi ne, %rem3A_629, %ne3A_630 : i32
    %and3A_632 = arith.andi %ne3A_628, %ne3A_631 : i1
    %sub3A_633 = arith.constant 1 : i32
    %sub3A_634 = arith.subi %div3A_613, %sub3A_633 : i32
    %select_n3A_635 = arith.select %and3A_632, %sub3A_634, %div3A_613 : i32
    %mul3A_636 = arith.constant 16 : i32
    %mul3A_637 = arith.muli %select_n3A_635, %mul3A_636 : i32
    "tpu.region"() ({
      %run_scoped3A = tpu.sem_alloc : memref<!tpu.dma_semaphore, #tpu.memory_space<semaphore_mem>>
      %dma_start3A = tpu.memref_slice %arg2[%add3A_609, %mul3A_637] : memref<1024x100000xf32, #tpu.memory_space<hbm>> -> memref<1x16xf32, #tpu.memory_space<hbm>>
      %dma_start3A_1022 = tpu.memref_squeeze %dma_start3A : memref<1x16xf32, #tpu.memory_space<hbm>> -> memref<16xf32, #tpu.memory_space<hbm>>
      %dma_start3A_1023 = tpu.memref_slice %arg2[%add3A_609, %mul3A_637] : memref<1024x100000xf32, #tpu.memory_space<hbm>> -> memref<1x16xf32, #tpu.memory_space<hbm>>
      %dma_start3A_1024 = tpu.memref_squeeze %dma_start3A_1023 : memref<1x16xf32, #tpu.memory_space<hbm>> -> memref<16xf32, #tpu.memory_space<hbm>>
      tpu.enqueue_dma source(%dma_start3A_1024 : memref<16xf32, #tpu.memory_space<hbm>>) target(%arg6 : memref<16xf32, #tpu.memory_space<vmem>>) target_semaphore(%run_scoped3A : memref<!tpu.dma_semaphore, #tpu.memory_space<semaphore_mem>>)
      %dma_wait3A = tpu.memref_slice %arg2[%add3A_609, %mul3A_637] : memref<1024x100000xf32, #tpu.memory_space<hbm>> -> memref<1x16xf32, #tpu.memory_space<hbm>>
      %dma_wait3A_1025 = tpu.memref_squeeze %dma_wait3A : memref<1x16xf32, #tpu.memory_space<hbm>> -> memref<16xf32, #tpu.memory_space<hbm>>
      %dma_wait3A_1026 = tpu.memref_slice %arg2[%add3A_609, %mul3A_637] : memref<1024x100000xf32, #tpu.memory_space<hbm>> -> memref<1x16xf32, #tpu.memory_space<hbm>>
      %dma_wait3A_1027 = tpu.memref_squeeze %dma_wait3A_1026 : memref<1x16xf32, #tpu.memory_space<hbm>> -> memref<16xf32, #tpu.memory_space<hbm>>
      tpu.wait_dma2 semaphore(%run_scoped3A : memref<!tpu.dma_semaphore, #tpu.memory_space<semaphore_mem>>) src(%dma_wait3A_1027 : memref<16xf32, #tpu.memory_space<hbm>>) dst(%arg6 : memref<16xf32, #tpu.memory_space<vmem>>)
      tpu.yield
    }) : () -> ()
    "tpu.region"() ({
      %run_scoped3A = tpu.sem_alloc : memref<!tpu.dma_semaphore, #tpu.memory_space<semaphore_mem>>
      %dma_start3A = arith.constant 0 : i32
      %dma_start3A_1022 = tpu.memref_slice %arg4[%add3A_609, %dma_start3A] : memref<1024x16xf32, #tpu.memory_space<hbm>> -> memref<1x16xf32, #tpu.memory_space<hbm>>
      %dma_start3A_1023 = tpu.memref_squeeze %dma_start3A_1022 : memref<1x16xf32, #tpu.memory_space<hbm>> -> memref<16xf32, #tpu.memory_space<hbm>>
      %dma_start3A_1024 = arith.constant 0 : i32
      %dma_start3A_1025 = tpu.memref_slice %arg4[%add3A_609, %dma_start3A_1024] : memref<1024x16xf32, #tpu.memory_space<hbm>> -> memref<1x16xf32, #tpu.memory_space<hbm>>
      %dma_start3A_1026 = tpu.memref_squeeze %dma_start3A_1025 : memref<1x16xf32, #tpu.memory_space<hbm>> -> memref<16xf32, #tpu.memory_space<hbm>>
      tpu.enqueue_dma source(%arg6 : memref<16xf32, #tpu.memory_space<vmem>>) target(%dma_start3A_1026 : memref<16xf32, #tpu.memory_space<hbm>>) target_semaphore(%run_scoped3A : memref<!tpu.dma_semaphore, #tpu.memory_space<semaphore_mem>>)
      %dma_wait3A = arith.constant 0 : i32
      %dma_wait3A_1027 = tpu.memref_slice %arg4[%add3A_609, %dma_wait3A] : memref<1024x16xf32, #tpu.memory_space<hbm>> -> memref<1x16xf32, #tpu.memory_space<hbm>>
      %dma_wait3A_1028 = tpu.memref_squeeze %dma_wait3A_1027 : memref<1x16xf32, #tpu.memory_space<hbm>> -> memref<16xf32, #tpu.memory_space<hbm>>
      %dma_wait3A_1029 = arith.constant 0 : i32
      %dma_wait3A_1030 = tpu.memref_slice %arg4[%add3A_609, %dma_wait3A_1029] : memref<1024x16xf32, #tpu.memory_space<hbm>> -> memref<1x16xf32, #tpu.memory_space<hbm>>
      %dma_wait3A_1031 = tpu.memref_squeeze %dma_wait3A_1030 : memref<1x16xf32, #tpu.memory_space<hbm>> -> memref<16xf32, #tpu.memory_space<hbm>>
      tpu.wait_dma2 semaphore(%run_scoped3A : memref<!tpu.dma_semaphore, #tpu.memory_space<semaphore_mem>>) src(%arg6 : memref<16xf32, #tpu.memory_space<vmem>>) dst(%dma_wait3A_1031 : memref<16xf32, #tpu.memory_space<hbm>>)
      tpu.yield
    }) : () -> ()
    %add3A_638 = arith.constant 16 : i32
    %add3A_639 = arith.addi %mul3A_2, %add3A_638 : i32
    %add3A_640 = arith.constant 4 : i32
    %add3A_641 = arith.addi %add3A_639, %add3A_640 : i32
    %slice3A_642 = vector.extract_strided_slice %get3A_509 {offsets = [4], sizes = [1], strides = [1]} : vector<16xi32> to vector<1xi32>
    %squeeze3A_643 = vector.extract %slice3A_642[0] : i32 from vector<1xi32>
    %jit3A_644 = arith.constant 16 : i32
    %div3A_645 = arith.divsi %squeeze3A_643, %jit3A_644 : i32
    %sign3A_646 = arith.constant 0 : i32
    %sign3A_647 = arith.cmpi sgt, %squeeze3A_643, %sign3A_646 : i32
    %sign3A_648 = arith.extui %sign3A_647 : i1 to i32
    %sign3A_649 = arith.constant 0 : i32
    %sign3A_650 = arith.cmpi slt, %squeeze3A_643, %sign3A_649 : i32
    %sign3A_651 = arith.extui %sign3A_650 : i1 to i32
    %sign3A_652 = arith.subi %sign3A_648, %sign3A_651 : i32
    %sign3A_653 = arith.constant 0 : i32
    %sign3A_654 = arith.cmpi sgt, %jit3A_644, %sign3A_653 : i32
    %sign3A_655 = arith.extui %sign3A_654 : i1 to i32
    %sign3A_656 = arith.constant 0 : i32
    %sign3A_657 = arith.cmpi slt, %jit3A_644, %sign3A_656 : i32
    %sign3A_658 = arith.extui %sign3A_657 : i1 to i32
    %sign3A_659 = arith.subi %sign3A_655, %sign3A_658 : i32
    %ne3A_660 = arith.cmpi ne, %sign3A_652, %sign3A_659 : i32
    %rem3A_661 = arith.remsi %squeeze3A_643, %jit3A_644 : i32
    %ne3A_662 = arith.constant 0 : i32
    %ne3A_663 = arith.cmpi ne, %rem3A_661, %ne3A_662 : i32
    %and3A_664 = arith.andi %ne3A_660, %ne3A_663 : i1
    %sub3A_665 = arith.constant 1 : i32
    %sub3A_666 = arith.subi %div3A_645, %sub3A_665 : i32
    %select_n3A_667 = arith.select %and3A_664, %sub3A_666, %div3A_645 : i32
    %mul3A_668 = arith.constant 16 : i32
    %mul3A_669 = arith.muli %select_n3A_667, %mul3A_668 : i32
    "tpu.region"() ({
      %run_scoped3A = tpu.sem_alloc : memref<!tpu.dma_semaphore, #tpu.memory_space<semaphore_mem>>
      %dma_start3A = tpu.memref_slice %arg2[%add3A_641, %mul3A_669] : memref<1024x100000xf32, #tpu.memory_space<hbm>> -> memref<1x16xf32, #tpu.memory_space<hbm>>
      %dma_start3A_1022 = tpu.memref_squeeze %dma_start3A : memref<1x16xf32, #tpu.memory_space<hbm>> -> memref<16xf32, #tpu.memory_space<hbm>>
      %dma_start3A_1023 = tpu.memref_slice %arg2[%add3A_641, %mul3A_669] : memref<1024x100000xf32, #tpu.memory_space<hbm>> -> memref<1x16xf32, #tpu.memory_space<hbm>>
      %dma_start3A_1024 = tpu.memref_squeeze %dma_start3A_1023 : memref<1x16xf32, #tpu.memory_space<hbm>> -> memref<16xf32, #tpu.memory_space<hbm>>
      tpu.enqueue_dma source(%dma_start3A_1024 : memref<16xf32, #tpu.memory_space<hbm>>) target(%arg6 : memref<16xf32, #tpu.memory_space<vmem>>) target_semaphore(%run_scoped3A : memref<!tpu.dma_semaphore, #tpu.memory_space<semaphore_mem>>)
      %dma_wait3A = tpu.memref_slice %arg2[%add3A_641, %mul3A_669] : memref<1024x100000xf32, #tpu.memory_space<hbm>> -> memref<1x16xf32, #tpu.memory_space<hbm>>
      %dma_wait3A_1025 = tpu.memref_squeeze %dma_wait3A : memref<1x16xf32, #tpu.memory_space<hbm>> -> memref<16xf32, #tpu.memory_space<hbm>>
      %dma_wait3A_1026 = tpu.memref_slice %arg2[%add3A_641, %mul3A_669] : memref<1024x100000xf32, #tpu.memory_space<hbm>> -> memref<1x16xf32, #tpu.memory_space<hbm>>
      %dma_wait3A_1027 = tpu.memref_squeeze %dma_wait3A_1026 : memref<1x16xf32, #tpu.memory_space<hbm>> -> memref<16xf32, #tpu.memory_space<hbm>>
      tpu.wait_dma2 semaphore(%run_scoped3A : memref<!tpu.dma_semaphore, #tpu.memory_space<semaphore_mem>>) src(%dma_wait3A_1027 : memref<16xf32, #tpu.memory_space<hbm>>) dst(%arg6 : memref<16xf32, #tpu.memory_space<vmem>>)
      tpu.yield
    }) : () -> ()
    "tpu.region"() ({
      %run_scoped3A = tpu.sem_alloc : memref<!tpu.dma_semaphore, #tpu.memory_space<semaphore_mem>>
      %dma_start3A = arith.constant 0 : i32
      %dma_start3A_1022 = tpu.memref_slice %arg4[%add3A_641, %dma_start3A] : memref<1024x16xf32, #tpu.memory_space<hbm>> -> memref<1x16xf32, #tpu.memory_space<hbm>>
      %dma_start3A_1023 = tpu.memref_squeeze %dma_start3A_1022 : memref<1x16xf32, #tpu.memory_space<hbm>> -> memref<16xf32, #tpu.memory_space<hbm>>
      %dma_start3A_1024 = arith.constant 0 : i32
      %dma_start3A_1025 = tpu.memref_slice %arg4[%add3A_641, %dma_start3A_1024] : memref<1024x16xf32, #tpu.memory_space<hbm>> -> memref<1x16xf32, #tpu.memory_space<hbm>>
      %dma_start3A_1026 = tpu.memref_squeeze %dma_start3A_1025 : memref<1x16xf32, #tpu.memory_space<hbm>> -> memref<16xf32, #tpu.memory_space<hbm>>
      tpu.enqueue_dma source(%arg6 : memref<16xf32, #tpu.memory_space<vmem>>) target(%dma_start3A_1026 : memref<16xf32, #tpu.memory_space<hbm>>) target_semaphore(%run_scoped3A : memref<!tpu.dma_semaphore, #tpu.memory_space<semaphore_mem>>)
      %dma_wait3A = arith.constant 0 : i32
      %dma_wait3A_1027 = tpu.memref_slice %arg4[%add3A_641, %dma_wait3A] : memref<1024x16xf32, #tpu.memory_space<hbm>> -> memref<1x16xf32, #tpu.memory_space<hbm>>
      %dma_wait3A_1028 = tpu.memref_squeeze %dma_wait3A_1027 : memref<1x16xf32, #tpu.memory_space<hbm>> -> memref<16xf32, #tpu.memory_space<hbm>>
      %dma_wait3A_1029 = arith.constant 0 : i32
      %dma_wait3A_1030 = tpu.memref_slice %arg4[%add3A_641, %dma_wait3A_1029] : memref<1024x16xf32, #tpu.memory_space<hbm>> -> memref<1x16xf32, #tpu.memory_space<hbm>>
      %dma_wait3A_1031 = tpu.memref_squeeze %dma_wait3A_1030 : memref<1x16xf32, #tpu.memory_space<hbm>> -> memref<16xf32, #tpu.memory_space<hbm>>
      tpu.wait_dma2 semaphore(%run_scoped3A : memref<!tpu.dma_semaphore, #tpu.memory_space<semaphore_mem>>) src(%arg6 : memref<16xf32, #tpu.memory_space<vmem>>) dst(%dma_wait3A_1031 : memref<16xf32, #tpu.memory_space<hbm>>)
      tpu.yield
    }) : () -> ()
    %add3A_670 = arith.constant 16 : i32
    %add3A_671 = arith.addi %mul3A_2, %add3A_670 : i32
    %add3A_672 = arith.constant 5 : i32
    %add3A_673 = arith.addi %add3A_671, %add3A_672 : i32
    %slice3A_674 = vector.extract_strided_slice %get3A_509 {offsets = [5], sizes = [1], strides = [1]} : vector<16xi32> to vector<1xi32>
    %squeeze3A_675 = vector.extract %slice3A_674[0] : i32 from vector<1xi32>
    %jit3A_676 = arith.constant 16 : i32
    %div3A_677 = arith.divsi %squeeze3A_675, %jit3A_676 : i32
    %sign3A_678 = arith.constant 0 : i32
    %sign3A_679 = arith.cmpi sgt, %squeeze3A_675, %sign3A_678 : i32
    %sign3A_680 = arith.extui %sign3A_679 : i1 to i32
    %sign3A_681 = arith.constant 0 : i32
    %sign3A_682 = arith.cmpi slt, %squeeze3A_675, %sign3A_681 : i32
    %sign3A_683 = arith.extui %sign3A_682 : i1 to i32
    %sign3A_684 = arith.subi %sign3A_680, %sign3A_683 : i32
    %sign3A_685 = arith.constant 0 : i32
    %sign3A_686 = arith.cmpi sgt, %jit3A_676, %sign3A_685 : i32
    %sign3A_687 = arith.extui %sign3A_686 : i1 to i32
    %sign3A_688 = arith.constant 0 : i32
    %sign3A_689 = arith.cmpi slt, %jit3A_676, %sign3A_688 : i32
    %sign3A_690 = arith.extui %sign3A_689 : i1 to i32
    %sign3A_691 = arith.subi %sign3A_687, %sign3A_690 : i32
    %ne3A_692 = arith.cmpi ne, %sign3A_684, %sign3A_691 : i32
    %rem3A_693 = arith.remsi %squeeze3A_675, %jit3A_676 : i32
    %ne3A_694 = arith.constant 0 : i32
    %ne3A_695 = arith.cmpi ne, %rem3A_693, %ne3A_694 : i32
    %and3A_696 = arith.andi %ne3A_692, %ne3A_695 : i1
    %sub3A_697 = arith.constant 1 : i32
    %sub3A_698 = arith.subi %div3A_677, %sub3A_697 : i32
    %select_n3A_699 = arith.select %and3A_696, %sub3A_698, %div3A_677 : i32
    %mul3A_700 = arith.constant 16 : i32
    %mul3A_701 = arith.muli %select_n3A_699, %mul3A_700 : i32
    "tpu.region"() ({
      %run_scoped3A = tpu.sem_alloc : memref<!tpu.dma_semaphore, #tpu.memory_space<semaphore_mem>>
      %dma_start3A = tpu.memref_slice %arg2[%add3A_673, %mul3A_701] : memref<1024x100000xf32, #tpu.memory_space<hbm>> -> memref<1x16xf32, #tpu.memory_space<hbm>>
      %dma_start3A_1022 = tpu.memref_squeeze %dma_start3A : memref<1x16xf32, #tpu.memory_space<hbm>> -> memref<16xf32, #tpu.memory_space<hbm>>
      %dma_start3A_1023 = tpu.memref_slice %arg2[%add3A_673, %mul3A_701] : memref<1024x100000xf32, #tpu.memory_space<hbm>> -> memref<1x16xf32, #tpu.memory_space<hbm>>
      %dma_start3A_1024 = tpu.memref_squeeze %dma_start3A_1023 : memref<1x16xf32, #tpu.memory_space<hbm>> -> memref<16xf32, #tpu.memory_space<hbm>>
      tpu.enqueue_dma source(%dma_start3A_1024 : memref<16xf32, #tpu.memory_space<hbm>>) target(%arg6 : memref<16xf32, #tpu.memory_space<vmem>>) target_semaphore(%run_scoped3A : memref<!tpu.dma_semaphore, #tpu.memory_space<semaphore_mem>>)
      %dma_wait3A = tpu.memref_slice %arg2[%add3A_673, %mul3A_701] : memref<1024x100000xf32, #tpu.memory_space<hbm>> -> memref<1x16xf32, #tpu.memory_space<hbm>>
      %dma_wait3A_1025 = tpu.memref_squeeze %dma_wait3A : memref<1x16xf32, #tpu.memory_space<hbm>> -> memref<16xf32, #tpu.memory_space<hbm>>
      %dma_wait3A_1026 = tpu.memref_slice %arg2[%add3A_673, %mul3A_701] : memref<1024x100000xf32, #tpu.memory_space<hbm>> -> memref<1x16xf32, #tpu.memory_space<hbm>>
      %dma_wait3A_1027 = tpu.memref_squeeze %dma_wait3A_1026 : memref<1x16xf32, #tpu.memory_space<hbm>> -> memref<16xf32, #tpu.memory_space<hbm>>
      tpu.wait_dma2 semaphore(%run_scoped3A : memref<!tpu.dma_semaphore, #tpu.memory_space<semaphore_mem>>) src(%dma_wait3A_1027 : memref<16xf32, #tpu.memory_space<hbm>>) dst(%arg6 : memref<16xf32, #tpu.memory_space<vmem>>)
      tpu.yield
    }) : () -> ()
    "tpu.region"() ({
      %run_scoped3A = tpu.sem_alloc : memref<!tpu.dma_semaphore, #tpu.memory_space<semaphore_mem>>
      %dma_start3A = arith.constant 0 : i32
      %dma_start3A_1022 = tpu.memref_slice %arg4[%add3A_673, %dma_start3A] : memref<1024x16xf32, #tpu.memory_space<hbm>> -> memref<1x16xf32, #tpu.memory_space<hbm>>
      %dma_start3A_1023 = tpu.memref_squeeze %dma_start3A_1022 : memref<1x16xf32, #tpu.memory_space<hbm>> -> memref<16xf32, #tpu.memory_space<hbm>>
      %dma_start3A_1024 = arith.constant 0 : i32
      %dma_start3A_1025 = tpu.memref_slice %arg4[%add3A_673, %dma_start3A_1024] : memref<1024x16xf32, #tpu.memory_space<hbm>> -> memref<1x16xf32, #tpu.memory_space<hbm>>
      %dma_start3A_1026 = tpu.memref_squeeze %dma_start3A_1025 : memref<1x16xf32, #tpu.memory_space<hbm>> -> memref<16xf32, #tpu.memory_space<hbm>>
      tpu.enqueue_dma source(%arg6 : memref<16xf32, #tpu.memory_space<vmem>>) target(%dma_start3A_1026 : memref<16xf32, #tpu.memory_space<hbm>>) target_semaphore(%run_scoped3A : memref<!tpu.dma_semaphore, #tpu.memory_space<semaphore_mem>>)
      %dma_wait3A = arith.constant 0 : i32
      %dma_wait3A_1027 = tpu.memref_slice %arg4[%add3A_673, %dma_wait3A] : memref<1024x16xf32, #tpu.memory_space<hbm>> -> memref<1x16xf32, #tpu.memory_space<hbm>>
      %dma_wait3A_1028 = tpu.memref_squeeze %dma_wait3A_1027 : memref<1x16xf32, #tpu.memory_space<hbm>> -> memref<16xf32, #tpu.memory_space<hbm>>
      %dma_wait3A_1029 = arith.constant 0 : i32
      %dma_wait3A_1030 = tpu.memref_slice %arg4[%add3A_673, %dma_wait3A_1029] : memref<1024x16xf32, #tpu.memory_space<hbm>> -> memref<1x16xf32, #tpu.memory_space<hbm>>
      %dma_wait3A_1031 = tpu.memref_squeeze %dma_wait3A_1030 : memref<1x16xf32, #tpu.memory_space<hbm>> -> memref<16xf32, #tpu.memory_space<hbm>>
      tpu.wait_dma2 semaphore(%run_scoped3A : memref<!tpu.dma_semaphore, #tpu.memory_space<semaphore_mem>>) src(%arg6 : memref<16xf32, #tpu.memory_space<vmem>>) dst(%dma_wait3A_1031 : memref<16xf32, #tpu.memory_space<hbm>>)
      tpu.yield
    }) : () -> ()
    %add3A_702 = arith.constant 16 : i32
    %add3A_703 = arith.addi %mul3A_2, %add3A_702 : i32
    %add3A_704 = arith.constant 6 : i32
    %add3A_705 = arith.addi %add3A_703, %add3A_704 : i32
    %slice3A_706 = vector.extract_strided_slice %get3A_509 {offsets = [6], sizes = [1], strides = [1]} : vector<16xi32> to vector<1xi32>
    %squeeze3A_707 = vector.extract %slice3A_706[0] : i32 from vector<1xi32>
    %jit3A_708 = arith.constant 16 : i32
    %div3A_709 = arith.divsi %squeeze3A_707, %jit3A_708 : i32
    %sign3A_710 = arith.constant 0 : i32
    %sign3A_711 = arith.cmpi sgt, %squeeze3A_707, %sign3A_710 : i32
    %sign3A_712 = arith.extui %sign3A_711 : i1 to i32
    %sign3A_713 = arith.constant 0 : i32
    %sign3A_714 = arith.cmpi slt, %squeeze3A_707, %sign3A_713 : i32
    %sign3A_715 = arith.extui %sign3A_714 : i1 to i32
    %sign3A_716 = arith.subi %sign3A_712, %sign3A_715 : i32
    %sign3A_717 = arith.constant 0 : i32
    %sign3A_718 = arith.cmpi sgt, %jit3A_708, %sign3A_717 : i32
    %sign3A_719 = arith.extui %sign3A_718 : i1 to i32
    %sign3A_720 = arith.constant 0 : i32
    %sign3A_721 = arith.cmpi slt, %jit3A_708, %sign3A_720 : i32
    %sign3A_722 = arith.extui %sign3A_721 : i1 to i32
    %sign3A_723 = arith.subi %sign3A_719, %sign3A_722 : i32
    %ne3A_724 = arith.cmpi ne, %sign3A_716, %sign3A_723 : i32
    %rem3A_725 = arith.remsi %squeeze3A_707, %jit3A_708 : i32
    %ne3A_726 = arith.constant 0 : i32
    %ne3A_727 = arith.cmpi ne, %rem3A_725, %ne3A_726 : i32
    %and3A_728 = arith.andi %ne3A_724, %ne3A_727 : i1
    %sub3A_729 = arith.constant 1 : i32
    %sub3A_730 = arith.subi %div3A_709, %sub3A_729 : i32
    %select_n3A_731 = arith.select %and3A_728, %sub3A_730, %div3A_709 : i32
    %mul3A_732 = arith.constant 16 : i32
    %mul3A_733 = arith.muli %select_n3A_731, %mul3A_732 : i32
    "tpu.region"() ({
      %run_scoped3A = tpu.sem_alloc : memref<!tpu.dma_semaphore, #tpu.memory_space<semaphore_mem>>
      %dma_start3A = tpu.memref_slice %arg2[%add3A_705, %mul3A_733] : memref<1024x100000xf32, #tpu.memory_space<hbm>> -> memref<1x16xf32, #tpu.memory_space<hbm>>
      %dma_start3A_1022 = tpu.memref_squeeze %dma_start3A : memref<1x16xf32, #tpu.memory_space<hbm>> -> memref<16xf32, #tpu.memory_space<hbm>>
      %dma_start3A_1023 = tpu.memref_slice %arg2[%add3A_705, %mul3A_733] : memref<1024x100000xf32, #tpu.memory_space<hbm>> -> memref<1x16xf32, #tpu.memory_space<hbm>>
      %dma_start3A_1024 = tpu.memref_squeeze %dma_start3A_1023 : memref<1x16xf32, #tpu.memory_space<hbm>> -> memref<16xf32, #tpu.memory_space<hbm>>
      tpu.enqueue_dma source(%dma_start3A_1024 : memref<16xf32, #tpu.memory_space<hbm>>) target(%arg6 : memref<16xf32, #tpu.memory_space<vmem>>) target_semaphore(%run_scoped3A : memref<!tpu.dma_semaphore, #tpu.memory_space<semaphore_mem>>)
      %dma_wait3A = tpu.memref_slice %arg2[%add3A_705, %mul3A_733] : memref<1024x100000xf32, #tpu.memory_space<hbm>> -> memref<1x16xf32, #tpu.memory_space<hbm>>
      %dma_wait3A_1025 = tpu.memref_squeeze %dma_wait3A : memref<1x16xf32, #tpu.memory_space<hbm>> -> memref<16xf32, #tpu.memory_space<hbm>>
      %dma_wait3A_1026 = tpu.memref_slice %arg2[%add3A_705, %mul3A_733] : memref<1024x100000xf32, #tpu.memory_space<hbm>> -> memref<1x16xf32, #tpu.memory_space<hbm>>
      %dma_wait3A_1027 = tpu.memref_squeeze %dma_wait3A_1026 : memref<1x16xf32, #tpu.memory_space<hbm>> -> memref<16xf32, #tpu.memory_space<hbm>>
      tpu.wait_dma2 semaphore(%run_scoped3A : memref<!tpu.dma_semaphore, #tpu.memory_space<semaphore_mem>>) src(%dma_wait3A_1027 : memref<16xf32, #tpu.memory_space<hbm>>) dst(%arg6 : memref<16xf32, #tpu.memory_space<vmem>>)
      tpu.yield
    }) : () -> ()
    "tpu.region"() ({
      %run_scoped3A = tpu.sem_alloc : memref<!tpu.dma_semaphore, #tpu.memory_space<semaphore_mem>>
      %dma_start3A = arith.constant 0 : i32
      %dma_start3A_1022 = tpu.memref_slice %arg4[%add3A_705, %dma_start3A] : memref<1024x16xf32, #tpu.memory_space<hbm>> -> memref<1x16xf32, #tpu.memory_space<hbm>>
      %dma_start3A_1023 = tpu.memref_squeeze %dma_start3A_1022 : memref<1x16xf32, #tpu.memory_space<hbm>> -> memref<16xf32, #tpu.memory_space<hbm>>
      %dma_start3A_1024 = arith.constant 0 : i32
      %dma_start3A_1025 = tpu.memref_slice %arg4[%add3A_705, %dma_start3A_1024] : memref<1024x16xf32, #tpu.memory_space<hbm>> -> memref<1x16xf32, #tpu.memory_space<hbm>>
      %dma_start3A_1026 = tpu.memref_squeeze %dma_start3A_1025 : memref<1x16xf32, #tpu.memory_space<hbm>> -> memref<16xf32, #tpu.memory_space<hbm>>
      tpu.enqueue_dma source(%arg6 : memref<16xf32, #tpu.memory_space<vmem>>) target(%dma_start3A_1026 : memref<16xf32, #tpu.memory_space<hbm>>) target_semaphore(%run_scoped3A : memref<!tpu.dma_semaphore, #tpu.memory_space<semaphore_mem>>)
      %dma_wait3A = arith.constant 0 : i32
      %dma_wait3A_1027 = tpu.memref_slice %arg4[%add3A_705, %dma_wait3A] : memref<1024x16xf32, #tpu.memory_space<hbm>> -> memref<1x16xf32, #tpu.memory_space<hbm>>
      %dma_wait3A_1028 = tpu.memref_squeeze %dma_wait3A_1027 : memref<1x16xf32, #tpu.memory_space<hbm>> -> memref<16xf32, #tpu.memory_space<hbm>>
      %dma_wait3A_1029 = arith.constant 0 : i32
      %dma_wait3A_1030 = tpu.memref_slice %arg4[%add3A_705, %dma_wait3A_1029] : memref<1024x16xf32, #tpu.memory_space<hbm>> -> memref<1x16xf32, #tpu.memory_space<hbm>>
      %dma_wait3A_1031 = tpu.memref_squeeze %dma_wait3A_1030 : memref<1x16xf32, #tpu.memory_space<hbm>> -> memref<16xf32, #tpu.memory_space<hbm>>
      tpu.wait_dma2 semaphore(%run_scoped3A : memref<!tpu.dma_semaphore, #tpu.memory_space<semaphore_mem>>) src(%arg6 : memref<16xf32, #tpu.memory_space<vmem>>) dst(%dma_wait3A_1031 : memref<16xf32, #tpu.memory_space<hbm>>)
      tpu.yield
    }) : () -> ()
    %add3A_734 = arith.constant 16 : i32
    %add3A_735 = arith.addi %mul3A_2, %add3A_734 : i32
    %add3A_736 = arith.constant 7 : i32
    %add3A_737 = arith.addi %add3A_735, %add3A_736 : i32
    %slice3A_738 = vector.extract_strided_slice %get3A_509 {offsets = [7], sizes = [1], strides = [1]} : vector<16xi32> to vector<1xi32>
    %squeeze3A_739 = vector.extract %slice3A_738[0] : i32 from vector<1xi32>
    %jit3A_740 = arith.constant 16 : i32
    %div3A_741 = arith.divsi %squeeze3A_739, %jit3A_740 : i32
    %sign3A_742 = arith.constant 0 : i32
    %sign3A_743 = arith.cmpi sgt, %squeeze3A_739, %sign3A_742 : i32
    %sign3A_744 = arith.extui %sign3A_743 : i1 to i32
    %sign3A_745 = arith.constant 0 : i32
    %sign3A_746 = arith.cmpi slt, %squeeze3A_739, %sign3A_745 : i32
    %sign3A_747 = arith.extui %sign3A_746 : i1 to i32
    %sign3A_748 = arith.subi %sign3A_744, %sign3A_747 : i32
    %sign3A_749 = arith.constant 0 : i32
    %sign3A_750 = arith.cmpi sgt, %jit3A_740, %sign3A_749 : i32
    %sign3A_751 = arith.extui %sign3A_750 : i1 to i32
    %sign3A_752 = arith.constant 0 : i32
    %sign3A_753 = arith.cmpi slt, %jit3A_740, %sign3A_752 : i32
    %sign3A_754 = arith.extui %sign3A_753 : i1 to i32
    %sign3A_755 = arith.subi %sign3A_751, %sign3A_754 : i32
    %ne3A_756 = arith.cmpi ne, %sign3A_748, %sign3A_755 : i32
    %rem3A_757 = arith.remsi %squeeze3A_739, %jit3A_740 : i32
    %ne3A_758 = arith.constant 0 : i32
    %ne3A_759 = arith.cmpi ne, %rem3A_757, %ne3A_758 : i32
    %and3A_760 = arith.andi %ne3A_756, %ne3A_759 : i1
    %sub3A_761 = arith.constant 1 : i32
    %sub3A_762 = arith.subi %div3A_741, %sub3A_761 : i32
    %select_n3A_763 = arith.select %and3A_760, %sub3A_762, %div3A_741 : i32
    %mul3A_764 = arith.constant 16 : i32
    %mul3A_765 = arith.muli %select_n3A_763, %mul3A_764 : i32
    "tpu.region"() ({
      %run_scoped3A = tpu.sem_alloc : memref<!tpu.dma_semaphore, #tpu.memory_space<semaphore_mem>>
      %dma_start3A = tpu.memref_slice %arg2[%add3A_737, %mul3A_765] : memref<1024x100000xf32, #tpu.memory_space<hbm>> -> memref<1x16xf32, #tpu.memory_space<hbm>>
      %dma_start3A_1022 = tpu.memref_squeeze %dma_start3A : memref<1x16xf32, #tpu.memory_space<hbm>> -> memref<16xf32, #tpu.memory_space<hbm>>
      %dma_start3A_1023 = tpu.memref_slice %arg2[%add3A_737, %mul3A_765] : memref<1024x100000xf32, #tpu.memory_space<hbm>> -> memref<1x16xf32, #tpu.memory_space<hbm>>
      %dma_start3A_1024 = tpu.memref_squeeze %dma_start3A_1023 : memref<1x16xf32, #tpu.memory_space<hbm>> -> memref<16xf32, #tpu.memory_space<hbm>>
      tpu.enqueue_dma source(%dma_start3A_1024 : memref<16xf32, #tpu.memory_space<hbm>>) target(%arg6 : memref<16xf32, #tpu.memory_space<vmem>>) target_semaphore(%run_scoped3A : memref<!tpu.dma_semaphore, #tpu.memory_space<semaphore_mem>>)
      %dma_wait3A = tpu.memref_slice %arg2[%add3A_737, %mul3A_765] : memref<1024x100000xf32, #tpu.memory_space<hbm>> -> memref<1x16xf32, #tpu.memory_space<hbm>>
      %dma_wait3A_1025 = tpu.memref_squeeze %dma_wait3A : memref<1x16xf32, #tpu.memory_space<hbm>> -> memref<16xf32, #tpu.memory_space<hbm>>
      %dma_wait3A_1026 = tpu.memref_slice %arg2[%add3A_737, %mul3A_765] : memref<1024x100000xf32, #tpu.memory_space<hbm>> -> memref<1x16xf32, #tpu.memory_space<hbm>>
      %dma_wait3A_1027 = tpu.memref_squeeze %dma_wait3A_1026 : memref<1x16xf32, #tpu.memory_space<hbm>> -> memref<16xf32, #tpu.memory_space<hbm>>
      tpu.wait_dma2 semaphore(%run_scoped3A : memref<!tpu.dma_semaphore, #tpu.memory_space<semaphore_mem>>) src(%dma_wait3A_1027 : memref<16xf32, #tpu.memory_space<hbm>>) dst(%arg6 : memref<16xf32, #tpu.memory_space<vmem>>)
      tpu.yield
    }) : () -> ()
    "tpu.region"() ({
      %run_scoped3A = tpu.sem_alloc : memref<!tpu.dma_semaphore, #tpu.memory_space<semaphore_mem>>
      %dma_start3A = arith.constant 0 : i32
      %dma_start3A_1022 = tpu.memref_slice %arg4[%add3A_737, %dma_start3A] : memref<1024x16xf32, #tpu.memory_space<hbm>> -> memref<1x16xf32, #tpu.memory_space<hbm>>
      %dma_start3A_1023 = tpu.memref_squeeze %dma_start3A_1022 : memref<1x16xf32, #tpu.memory_space<hbm>> -> memref<16xf32, #tpu.memory_space<hbm>>
      %dma_start3A_1024 = arith.constant 0 : i32
      %dma_start3A_1025 = tpu.memref_slice %arg4[%add3A_737, %dma_start3A_1024] : memref<1024x16xf32, #tpu.memory_space<hbm>> -> memref<1x16xf32, #tpu.memory_space<hbm>>
      %dma_start3A_1026 = tpu.memref_squeeze %dma_start3A_1025 : memref<1x16xf32, #tpu.memory_space<hbm>> -> memref<16xf32, #tpu.memory_space<hbm>>
      tpu.enqueue_dma source(%arg6 : memref<16xf32, #tpu.memory_space<vmem>>) target(%dma_start3A_1026 : memref<16xf32, #tpu.memory_space<hbm>>) target_semaphore(%run_scoped3A : memref<!tpu.dma_semaphore, #tpu.memory_space<semaphore_mem>>)
      %dma_wait3A = arith.constant 0 : i32
      %dma_wait3A_1027 = tpu.memref_slice %arg4[%add3A_737, %dma_wait3A] : memref<1024x16xf32, #tpu.memory_space<hbm>> -> memref<1x16xf32, #tpu.memory_space<hbm>>
      %dma_wait3A_1028 = tpu.memref_squeeze %dma_wait3A_1027 : memref<1x16xf32, #tpu.memory_space<hbm>> -> memref<16xf32, #tpu.memory_space<hbm>>
      %dma_wait3A_1029 = arith.constant 0 : i32
      %dma_wait3A_1030 = tpu.memref_slice %arg4[%add3A_737, %dma_wait3A_1029] : memref<1024x16xf32, #tpu.memory_space<hbm>> -> memref<1x16xf32, #tpu.memory_space<hbm>>
      %dma_wait3A_1031 = tpu.memref_squeeze %dma_wait3A_1030 : memref<1x16xf32, #tpu.memory_space<hbm>> -> memref<16xf32, #tpu.memory_space<hbm>>
      tpu.wait_dma2 semaphore(%run_scoped3A : memref<!tpu.dma_semaphore, #tpu.memory_space<semaphore_mem>>) src(%arg6 : memref<16xf32, #tpu.memory_space<vmem>>) dst(%dma_wait3A_1031 : memref<16xf32, #tpu.memory_space<hbm>>)
      tpu.yield
    }) : () -> ()
    %add3A_766 = arith.constant 16 : i32
    %add3A_767 = arith.addi %mul3A_2, %add3A_766 : i32
    %add3A_768 = arith.constant 8 : i32
    %add3A_769 = arith.addi %add3A_767, %add3A_768 : i32
    %slice3A_770 = vector.extract_strided_slice %get3A_509 {offsets = [8], sizes = [1], strides = [1]} : vector<16xi32> to vector<1xi32>
    %squeeze3A_771 = vector.extract %slice3A_770[0] : i32 from vector<1xi32>
    %jit3A_772 = arith.constant 16 : i32
    %div3A_773 = arith.divsi %squeeze3A_771, %jit3A_772 : i32
    %sign3A_774 = arith.constant 0 : i32
    %sign3A_775 = arith.cmpi sgt, %squeeze3A_771, %sign3A_774 : i32
    %sign3A_776 = arith.extui %sign3A_775 : i1 to i32
    %sign3A_777 = arith.constant 0 : i32
    %sign3A_778 = arith.cmpi slt, %squeeze3A_771, %sign3A_777 : i32
    %sign3A_779 = arith.extui %sign3A_778 : i1 to i32
    %sign3A_780 = arith.subi %sign3A_776, %sign3A_779 : i32
    %sign3A_781 = arith.constant 0 : i32
    %sign3A_782 = arith.cmpi sgt, %jit3A_772, %sign3A_781 : i32
    %sign3A_783 = arith.extui %sign3A_782 : i1 to i32
    %sign3A_784 = arith.constant 0 : i32
    %sign3A_785 = arith.cmpi slt, %jit3A_772, %sign3A_784 : i32
    %sign3A_786 = arith.extui %sign3A_785 : i1 to i32
    %sign3A_787 = arith.subi %sign3A_783, %sign3A_786 : i32
    %ne3A_788 = arith.cmpi ne, %sign3A_780, %sign3A_787 : i32
    %rem3A_789 = arith.remsi %squeeze3A_771, %jit3A_772 : i32
    %ne3A_790 = arith.constant 0 : i32
    %ne3A_791 = arith.cmpi ne, %rem3A_789, %ne3A_790 : i32
    %and3A_792 = arith.andi %ne3A_788, %ne3A_791 : i1
    %sub3A_793 = arith.constant 1 : i32
    %sub3A_794 = arith.subi %div3A_773, %sub3A_793 : i32
    %select_n3A_795 = arith.select %and3A_792, %sub3A_794, %div3A_773 : i32
    %mul3A_796 = arith.constant 16 : i32
    %mul3A_797 = arith.muli %select_n3A_795, %mul3A_796 : i32
    "tpu.region"() ({
      %run_scoped3A = tpu.sem_alloc : memref<!tpu.dma_semaphore, #tpu.memory_space<semaphore_mem>>
      %dma_start3A = tpu.memref_slice %arg2[%add3A_769, %mul3A_797] : memref<1024x100000xf32, #tpu.memory_space<hbm>> -> memref<1x16xf32, #tpu.memory_space<hbm>>
      %dma_start3A_1022 = tpu.memref_squeeze %dma_start3A : memref<1x16xf32, #tpu.memory_space<hbm>> -> memref<16xf32, #tpu.memory_space<hbm>>
      %dma_start3A_1023 = tpu.memref_slice %arg2[%add3A_769, %mul3A_797] : memref<1024x100000xf32, #tpu.memory_space<hbm>> -> memref<1x16xf32, #tpu.memory_space<hbm>>
      %dma_start3A_1024 = tpu.memref_squeeze %dma_start3A_1023 : memref<1x16xf32, #tpu.memory_space<hbm>> -> memref<16xf32, #tpu.memory_space<hbm>>
      tpu.enqueue_dma source(%dma_start3A_1024 : memref<16xf32, #tpu.memory_space<hbm>>) target(%arg6 : memref<16xf32, #tpu.memory_space<vmem>>) target_semaphore(%run_scoped3A : memref<!tpu.dma_semaphore, #tpu.memory_space<semaphore_mem>>)
      %dma_wait3A = tpu.memref_slice %arg2[%add3A_769, %mul3A_797] : memref<1024x100000xf32, #tpu.memory_space<hbm>> -> memref<1x16xf32, #tpu.memory_space<hbm>>
      %dma_wait3A_1025 = tpu.memref_squeeze %dma_wait3A : memref<1x16xf32, #tpu.memory_space<hbm>> -> memref<16xf32, #tpu.memory_space<hbm>>
      %dma_wait3A_1026 = tpu.memref_slice %arg2[%add3A_769, %mul3A_797] : memref<1024x100000xf32, #tpu.memory_space<hbm>> -> memref<1x16xf32, #tpu.memory_space<hbm>>
      %dma_wait3A_1027 = tpu.memref_squeeze %dma_wait3A_1026 : memref<1x16xf32, #tpu.memory_space<hbm>> -> memref<16xf32, #tpu.memory_space<hbm>>
      tpu.wait_dma2 semaphore(%run_scoped3A : memref<!tpu.dma_semaphore, #tpu.memory_space<semaphore_mem>>) src(%dma_wait3A_1027 : memref<16xf32, #tpu.memory_space<hbm>>) dst(%arg6 : memref<16xf32, #tpu.memory_space<vmem>>)
      tpu.yield
    }) : () -> ()
    "tpu.region"() ({
      %run_scoped3A = tpu.sem_alloc : memref<!tpu.dma_semaphore, #tpu.memory_space<semaphore_mem>>
      %dma_start3A = arith.constant 0 : i32
      %dma_start3A_1022 = tpu.memref_slice %arg4[%add3A_769, %dma_start3A] : memref<1024x16xf32, #tpu.memory_space<hbm>> -> memref<1x16xf32, #tpu.memory_space<hbm>>
      %dma_start3A_1023 = tpu.memref_squeeze %dma_start3A_1022 : memref<1x16xf32, #tpu.memory_space<hbm>> -> memref<16xf32, #tpu.memory_space<hbm>>
      %dma_start3A_1024 = arith.constant 0 : i32
      %dma_start3A_1025 = tpu.memref_slice %arg4[%add3A_769, %dma_start3A_1024] : memref<1024x16xf32, #tpu.memory_space<hbm>> -> memref<1x16xf32, #tpu.memory_space<hbm>>
      %dma_start3A_1026 = tpu.memref_squeeze %dma_start3A_1025 : memref<1x16xf32, #tpu.memory_space<hbm>> -> memref<16xf32, #tpu.memory_space<hbm>>
      tpu.enqueue_dma source(%arg6 : memref<16xf32, #tpu.memory_space<vmem>>) target(%dma_start3A_1026 : memref<16xf32, #tpu.memory_space<hbm>>) target_semaphore(%run_scoped3A : memref<!tpu.dma_semaphore, #tpu.memory_space<semaphore_mem>>)
      %dma_wait3A = arith.constant 0 : i32
      %dma_wait3A_1027 = tpu.memref_slice %arg4[%add3A_769, %dma_wait3A] : memref<1024x16xf32, #tpu.memory_space<hbm>> -> memref<1x16xf32, #tpu.memory_space<hbm>>
      %dma_wait3A_1028 = tpu.memref_squeeze %dma_wait3A_1027 : memref<1x16xf32, #tpu.memory_space<hbm>> -> memref<16xf32, #tpu.memory_space<hbm>>
      %dma_wait3A_1029 = arith.constant 0 : i32
      %dma_wait3A_1030 = tpu.memref_slice %arg4[%add3A_769, %dma_wait3A_1029] : memref<1024x16xf32, #tpu.memory_space<hbm>> -> memref<1x16xf32, #tpu.memory_space<hbm>>
      %dma_wait3A_1031 = tpu.memref_squeeze %dma_wait3A_1030 : memref<1x16xf32, #tpu.memory_space<hbm>> -> memref<16xf32, #tpu.memory_space<hbm>>
      tpu.wait_dma2 semaphore(%run_scoped3A : memref<!tpu.dma_semaphore, #tpu.memory_space<semaphore_mem>>) src(%arg6 : memref<16xf32, #tpu.memory_space<vmem>>) dst(%dma_wait3A_1031 : memref<16xf32, #tpu.memory_space<hbm>>)
      tpu.yield
    }) : () -> ()
    %add3A_798 = arith.constant 16 : i32
    %add3A_799 = arith.addi %mul3A_2, %add3A_798 : i32
    %add3A_800 = arith.constant 9 : i32
    %add3A_801 = arith.addi %add3A_799, %add3A_800 : i32
    %slice3A_802 = vector.extract_strided_slice %get3A_509 {offsets = [9], sizes = [1], strides = [1]} : vector<16xi32> to vector<1xi32>
    %squeeze3A_803 = vector.extract %slice3A_802[0] : i32 from vector<1xi32>
    %jit3A_804 = arith.constant 16 : i32
    %div3A_805 = arith.divsi %squeeze3A_803, %jit3A_804 : i32
    %sign3A_806 = arith.constant 0 : i32
    %sign3A_807 = arith.cmpi sgt, %squeeze3A_803, %sign3A_806 : i32
    %sign3A_808 = arith.extui %sign3A_807 : i1 to i32
    %sign3A_809 = arith.constant 0 : i32
    %sign3A_810 = arith.cmpi slt, %squeeze3A_803, %sign3A_809 : i32
    %sign3A_811 = arith.extui %sign3A_810 : i1 to i32
    %sign3A_812 = arith.subi %sign3A_808, %sign3A_811 : i32
    %sign3A_813 = arith.constant 0 : i32
    %sign3A_814 = arith.cmpi sgt, %jit3A_804, %sign3A_813 : i32
    %sign3A_815 = arith.extui %sign3A_814 : i1 to i32
    %sign3A_816 = arith.constant 0 : i32
    %sign3A_817 = arith.cmpi slt, %jit3A_804, %sign3A_816 : i32
    %sign3A_818 = arith.extui %sign3A_817 : i1 to i32
    %sign3A_819 = arith.subi %sign3A_815, %sign3A_818 : i32
    %ne3A_820 = arith.cmpi ne, %sign3A_812, %sign3A_819 : i32
    %rem3A_821 = arith.remsi %squeeze3A_803, %jit3A_804 : i32
    %ne3A_822 = arith.constant 0 : i32
    %ne3A_823 = arith.cmpi ne, %rem3A_821, %ne3A_822 : i32
    %and3A_824 = arith.andi %ne3A_820, %ne3A_823 : i1
    %sub3A_825 = arith.constant 1 : i32
    %sub3A_826 = arith.subi %div3A_805, %sub3A_825 : i32
    %select_n3A_827 = arith.select %and3A_824, %sub3A_826, %div3A_805 : i32
    %mul3A_828 = arith.constant 16 : i32
    %mul3A_829 = arith.muli %select_n3A_827, %mul3A_828 : i32
    "tpu.region"() ({
      %run_scoped3A = tpu.sem_alloc : memref<!tpu.dma_semaphore, #tpu.memory_space<semaphore_mem>>
      %dma_start3A = tpu.memref_slice %arg2[%add3A_801, %mul3A_829] : memref<1024x100000xf32, #tpu.memory_space<hbm>> -> memref<1x16xf32, #tpu.memory_space<hbm>>
      %dma_start3A_1022 = tpu.memref_squeeze %dma_start3A : memref<1x16xf32, #tpu.memory_space<hbm>> -> memref<16xf32, #tpu.memory_space<hbm>>
      %dma_start3A_1023 = tpu.memref_slice %arg2[%add3A_801, %mul3A_829] : memref<1024x100000xf32, #tpu.memory_space<hbm>> -> memref<1x16xf32, #tpu.memory_space<hbm>>
      %dma_start3A_1024 = tpu.memref_squeeze %dma_start3A_1023 : memref<1x16xf32, #tpu.memory_space<hbm>> -> memref<16xf32, #tpu.memory_space<hbm>>
      tpu.enqueue_dma source(%dma_start3A_1024 : memref<16xf32, #tpu.memory_space<hbm>>) target(%arg6 : memref<16xf32, #tpu.memory_space<vmem>>) target_semaphore(%run_scoped3A : memref<!tpu.dma_semaphore, #tpu.memory_space<semaphore_mem>>)
      %dma_wait3A = tpu.memref_slice %arg2[%add3A_801, %mul3A_829] : memref<1024x100000xf32, #tpu.memory_space<hbm>> -> memref<1x16xf32, #tpu.memory_space<hbm>>
      %dma_wait3A_1025 = tpu.memref_squeeze %dma_wait3A : memref<1x16xf32, #tpu.memory_space<hbm>> -> memref<16xf32, #tpu.memory_space<hbm>>
      %dma_wait3A_1026 = tpu.memref_slice %arg2[%add3A_801, %mul3A_829] : memref<1024x100000xf32, #tpu.memory_space<hbm>> -> memref<1x16xf32, #tpu.memory_space<hbm>>
      %dma_wait3A_1027 = tpu.memref_squeeze %dma_wait3A_1026 : memref<1x16xf32, #tpu.memory_space<hbm>> -> memref<16xf32, #tpu.memory_space<hbm>>
      tpu.wait_dma2 semaphore(%run_scoped3A : memref<!tpu.dma_semaphore, #tpu.memory_space<semaphore_mem>>) src(%dma_wait3A_1027 : memref<16xf32, #tpu.memory_space<hbm>>) dst(%arg6 : memref<16xf32, #tpu.memory_space<vmem>>)
      tpu.yield
    }) : () -> ()
    "tpu.region"() ({
      %run_scoped3A = tpu.sem_alloc : memref<!tpu.dma_semaphore, #tpu.memory_space<semaphore_mem>>
      %dma_start3A = arith.constant 0 : i32
      %dma_start3A_1022 = tpu.memref_slice %arg4[%add3A_801, %dma_start3A] : memref<1024x16xf32, #tpu.memory_space<hbm>> -> memref<1x16xf32, #tpu.memory_space<hbm>>
      %dma_start3A_1023 = tpu.memref_squeeze %dma_start3A_1022 : memref<1x16xf32, #tpu.memory_space<hbm>> -> memref<16xf32, #tpu.memory_space<hbm>>
      %dma_start3A_1024 = arith.constant 0 : i32
      %dma_start3A_1025 = tpu.memref_slice %arg4[%add3A_801, %dma_start3A_1024] : memref<1024x16xf32, #tpu.memory_space<hbm>> -> memref<1x16xf32, #tpu.memory_space<hbm>>
      %dma_start3A_1026 = tpu.memref_squeeze %dma_start3A_1025 : memref<1x16xf32, #tpu.memory_space<hbm>> -> memref<16xf32, #tpu.memory_space<hbm>>
      tpu.enqueue_dma source(%arg6 : memref<16xf32, #tpu.memory_space<vmem>>) target(%dma_start3A_1026 : memref<16xf32, #tpu.memory_space<hbm>>) target_semaphore(%run_scoped3A : memref<!tpu.dma_semaphore, #tpu.memory_space<semaphore_mem>>)
      %dma_wait3A = arith.constant 0 : i32
      %dma_wait3A_1027 = tpu.memref_slice %arg4[%add3A_801, %dma_wait3A] : memref<1024x16xf32, #tpu.memory_space<hbm>> -> memref<1x16xf32, #tpu.memory_space<hbm>>
      %dma_wait3A_1028 = tpu.memref_squeeze %dma_wait3A_1027 : memref<1x16xf32, #tpu.memory_space<hbm>> -> memref<16xf32, #tpu.memory_space<hbm>>
      %dma_wait3A_1029 = arith.constant 0 : i32
      %dma_wait3A_1030 = tpu.memref_slice %arg4[%add3A_801, %dma_wait3A_1029] : memref<1024x16xf32, #tpu.memory_space<hbm>> -> memref<1x16xf32, #tpu.memory_space<hbm>>
      %dma_wait3A_1031 = tpu.memref_squeeze %dma_wait3A_1030 : memref<1x16xf32, #tpu.memory_space<hbm>> -> memref<16xf32, #tpu.memory_space<hbm>>
      tpu.wait_dma2 semaphore(%run_scoped3A : memref<!tpu.dma_semaphore, #tpu.memory_space<semaphore_mem>>) src(%arg6 : memref<16xf32, #tpu.memory_space<vmem>>) dst(%dma_wait3A_1031 : memref<16xf32, #tpu.memory_space<hbm>>)
      tpu.yield
    }) : () -> ()
    %add3A_830 = arith.constant 16 : i32
    %add3A_831 = arith.addi %mul3A_2, %add3A_830 : i32
    %add3A_832 = arith.constant 10 : i32
    %add3A_833 = arith.addi %add3A_831, %add3A_832 : i32
    %slice3A_834 = vector.extract_strided_slice %get3A_509 {offsets = [10], sizes = [1], strides = [1]} : vector<16xi32> to vector<1xi32>
    %squeeze3A_835 = vector.extract %slice3A_834[0] : i32 from vector<1xi32>
    %jit3A_836 = arith.constant 16 : i32
    %div3A_837 = arith.divsi %squeeze3A_835, %jit3A_836 : i32
    %sign3A_838 = arith.constant 0 : i32
    %sign3A_839 = arith.cmpi sgt, %squeeze3A_835, %sign3A_838 : i32
    %sign3A_840 = arith.extui %sign3A_839 : i1 to i32
    %sign3A_841 = arith.constant 0 : i32
    %sign3A_842 = arith.cmpi slt, %squeeze3A_835, %sign3A_841 : i32
    %sign3A_843 = arith.extui %sign3A_842 : i1 to i32
    %sign3A_844 = arith.subi %sign3A_840, %sign3A_843 : i32
    %sign3A_845 = arith.constant 0 : i32
    %sign3A_846 = arith.cmpi sgt, %jit3A_836, %sign3A_845 : i32
    %sign3A_847 = arith.extui %sign3A_846 : i1 to i32
    %sign3A_848 = arith.constant 0 : i32
    %sign3A_849 = arith.cmpi slt, %jit3A_836, %sign3A_848 : i32
    %sign3A_850 = arith.extui %sign3A_849 : i1 to i32
    %sign3A_851 = arith.subi %sign3A_847, %sign3A_850 : i32
    %ne3A_852 = arith.cmpi ne, %sign3A_844, %sign3A_851 : i32
    %rem3A_853 = arith.remsi %squeeze3A_835, %jit3A_836 : i32
    %ne3A_854 = arith.constant 0 : i32
    %ne3A_855 = arith.cmpi ne, %rem3A_853, %ne3A_854 : i32
    %and3A_856 = arith.andi %ne3A_852, %ne3A_855 : i1
    %sub3A_857 = arith.constant 1 : i32
    %sub3A_858 = arith.subi %div3A_837, %sub3A_857 : i32
    %select_n3A_859 = arith.select %and3A_856, %sub3A_858, %div3A_837 : i32
    %mul3A_860 = arith.constant 16 : i32
    %mul3A_861 = arith.muli %select_n3A_859, %mul3A_860 : i32
    "tpu.region"() ({
      %run_scoped3A = tpu.sem_alloc : memref<!tpu.dma_semaphore, #tpu.memory_space<semaphore_mem>>
      %dma_start3A = tpu.memref_slice %arg2[%add3A_833, %mul3A_861] : memref<1024x100000xf32, #tpu.memory_space<hbm>> -> memref<1x16xf32, #tpu.memory_space<hbm>>
      %dma_start3A_1022 = tpu.memref_squeeze %dma_start3A : memref<1x16xf32, #tpu.memory_space<hbm>> -> memref<16xf32, #tpu.memory_space<hbm>>
      %dma_start3A_1023 = tpu.memref_slice %arg2[%add3A_833, %mul3A_861] : memref<1024x100000xf32, #tpu.memory_space<hbm>> -> memref<1x16xf32, #tpu.memory_space<hbm>>
      %dma_start3A_1024 = tpu.memref_squeeze %dma_start3A_1023 : memref<1x16xf32, #tpu.memory_space<hbm>> -> memref<16xf32, #tpu.memory_space<hbm>>
      tpu.enqueue_dma source(%dma_start3A_1024 : memref<16xf32, #tpu.memory_space<hbm>>) target(%arg6 : memref<16xf32, #tpu.memory_space<vmem>>) target_semaphore(%run_scoped3A : memref<!tpu.dma_semaphore, #tpu.memory_space<semaphore_mem>>)
      %dma_wait3A = tpu.memref_slice %arg2[%add3A_833, %mul3A_861] : memref<1024x100000xf32, #tpu.memory_space<hbm>> -> memref<1x16xf32, #tpu.memory_space<hbm>>
      %dma_wait3A_1025 = tpu.memref_squeeze %dma_wait3A : memref<1x16xf32, #tpu.memory_space<hbm>> -> memref<16xf32, #tpu.memory_space<hbm>>
      %dma_wait3A_1026 = tpu.memref_slice %arg2[%add3A_833, %mul3A_861] : memref<1024x100000xf32, #tpu.memory_space<hbm>> -> memref<1x16xf32, #tpu.memory_space<hbm>>
      %dma_wait3A_1027 = tpu.memref_squeeze %dma_wait3A_1026 : memref<1x16xf32, #tpu.memory_space<hbm>> -> memref<16xf32, #tpu.memory_space<hbm>>
      tpu.wait_dma2 semaphore(%run_scoped3A : memref<!tpu.dma_semaphore, #tpu.memory_space<semaphore_mem>>) src(%dma_wait3A_1027 : memref<16xf32, #tpu.memory_space<hbm>>) dst(%arg6 : memref<16xf32, #tpu.memory_space<vmem>>)
      tpu.yield
    }) : () -> ()
    "tpu.region"() ({
      %run_scoped3A = tpu.sem_alloc : memref<!tpu.dma_semaphore, #tpu.memory_space<semaphore_mem>>
      %dma_start3A = arith.constant 0 : i32
      %dma_start3A_1022 = tpu.memref_slice %arg4[%add3A_833, %dma_start3A] : memref<1024x16xf32, #tpu.memory_space<hbm>> -> memref<1x16xf32, #tpu.memory_space<hbm>>
      %dma_start3A_1023 = tpu.memref_squeeze %dma_start3A_1022 : memref<1x16xf32, #tpu.memory_space<hbm>> -> memref<16xf32, #tpu.memory_space<hbm>>
      %dma_start3A_1024 = arith.constant 0 : i32
      %dma_start3A_1025 = tpu.memref_slice %arg4[%add3A_833, %dma_start3A_1024] : memref<1024x16xf32, #tpu.memory_space<hbm>> -> memref<1x16xf32, #tpu.memory_space<hbm>>
      %dma_start3A_1026 = tpu.memref_squeeze %dma_start3A_1025 : memref<1x16xf32, #tpu.memory_space<hbm>> -> memref<16xf32, #tpu.memory_space<hbm>>
      tpu.enqueue_dma source(%arg6 : memref<16xf32, #tpu.memory_space<vmem>>) target(%dma_start3A_1026 : memref<16xf32, #tpu.memory_space<hbm>>) target_semaphore(%run_scoped3A : memref<!tpu.dma_semaphore, #tpu.memory_space<semaphore_mem>>)
      %dma_wait3A = arith.constant 0 : i32
      %dma_wait3A_1027 = tpu.memref_slice %arg4[%add3A_833, %dma_wait3A] : memref<1024x16xf32, #tpu.memory_space<hbm>> -> memref<1x16xf32, #tpu.memory_space<hbm>>
      %dma_wait3A_1028 = tpu.memref_squeeze %dma_wait3A_1027 : memref<1x16xf32, #tpu.memory_space<hbm>> -> memref<16xf32, #tpu.memory_space<hbm>>
      %dma_wait3A_1029 = arith.constant 0 : i32
      %dma_wait3A_1030 = tpu.memref_slice %arg4[%add3A_833, %dma_wait3A_1029] : memref<1024x16xf32, #tpu.memory_space<hbm>> -> memref<1x16xf32, #tpu.memory_space<hbm>>
      %dma_wait3A_1031 = tpu.memref_squeeze %dma_wait3A_1030 : memref<1x16xf32, #tpu.memory_space<hbm>> -> memref<16xf32, #tpu.memory_space<hbm>>
      tpu.wait_dma2 semaphore(%run_scoped3A : memref<!tpu.dma_semaphore, #tpu.memory_space<semaphore_mem>>) src(%arg6 : memref<16xf32, #tpu.memory_space<vmem>>) dst(%dma_wait3A_1031 : memref<16xf32, #tpu.memory_space<hbm>>)
      tpu.yield
    }) : () -> ()
    %add3A_862 = arith.constant 16 : i32
    %add3A_863 = arith.addi %mul3A_2, %add3A_862 : i32
    %add3A_864 = arith.constant 11 : i32
    %add3A_865 = arith.addi %add3A_863, %add3A_864 : i32
    %slice3A_866 = vector.extract_strided_slice %get3A_509 {offsets = [11], sizes = [1], strides = [1]} : vector<16xi32> to vector<1xi32>
    %squeeze3A_867 = vector.extract %slice3A_866[0] : i32 from vector<1xi32>
    %jit3A_868 = arith.constant 16 : i32
    %div3A_869 = arith.divsi %squeeze3A_867, %jit3A_868 : i32
    %sign3A_870 = arith.constant 0 : i32
    %sign3A_871 = arith.cmpi sgt, %squeeze3A_867, %sign3A_870 : i32
    %sign3A_872 = arith.extui %sign3A_871 : i1 to i32
    %sign3A_873 = arith.constant 0 : i32
    %sign3A_874 = arith.cmpi slt, %squeeze3A_867, %sign3A_873 : i32
    %sign3A_875 = arith.extui %sign3A_874 : i1 to i32
    %sign3A_876 = arith.subi %sign3A_872, %sign3A_875 : i32
    %sign3A_877 = arith.constant 0 : i32
    %sign3A_878 = arith.cmpi sgt, %jit3A_868, %sign3A_877 : i32
    %sign3A_879 = arith.extui %sign3A_878 : i1 to i32
    %sign3A_880 = arith.constant 0 : i32
    %sign3A_881 = arith.cmpi slt, %jit3A_868, %sign3A_880 : i32
    %sign3A_882 = arith.extui %sign3A_881 : i1 to i32
    %sign3A_883 = arith.subi %sign3A_879, %sign3A_882 : i32
    %ne3A_884 = arith.cmpi ne, %sign3A_876, %sign3A_883 : i32
    %rem3A_885 = arith.remsi %squeeze3A_867, %jit3A_868 : i32
    %ne3A_886 = arith.constant 0 : i32
    %ne3A_887 = arith.cmpi ne, %rem3A_885, %ne3A_886 : i32
    %and3A_888 = arith.andi %ne3A_884, %ne3A_887 : i1
    %sub3A_889 = arith.constant 1 : i32
    %sub3A_890 = arith.subi %div3A_869, %sub3A_889 : i32
    %select_n3A_891 = arith.select %and3A_888, %sub3A_890, %div3A_869 : i32
    %mul3A_892 = arith.constant 16 : i32
    %mul3A_893 = arith.muli %select_n3A_891, %mul3A_892 : i32
    "tpu.region"() ({
      %run_scoped3A = tpu.sem_alloc : memref<!tpu.dma_semaphore, #tpu.memory_space<semaphore_mem>>
      %dma_start3A = tpu.memref_slice %arg2[%add3A_865, %mul3A_893] : memref<1024x100000xf32, #tpu.memory_space<hbm>> -> memref<1x16xf32, #tpu.memory_space<hbm>>
      %dma_start3A_1022 = tpu.memref_squeeze %dma_start3A : memref<1x16xf32, #tpu.memory_space<hbm>> -> memref<16xf32, #tpu.memory_space<hbm>>
      %dma_start3A_1023 = tpu.memref_slice %arg2[%add3A_865, %mul3A_893] : memref<1024x100000xf32, #tpu.memory_space<hbm>> -> memref<1x16xf32, #tpu.memory_space<hbm>>
      %dma_start3A_1024 = tpu.memref_squeeze %dma_start3A_1023 : memref<1x16xf32, #tpu.memory_space<hbm>> -> memref<16xf32, #tpu.memory_space<hbm>>
      tpu.enqueue_dma source(%dma_start3A_1024 : memref<16xf32, #tpu.memory_space<hbm>>) target(%arg6 : memref<16xf32, #tpu.memory_space<vmem>>) target_semaphore(%run_scoped3A : memref<!tpu.dma_semaphore, #tpu.memory_space<semaphore_mem>>)
      %dma_wait3A = tpu.memref_slice %arg2[%add3A_865, %mul3A_893] : memref<1024x100000xf32, #tpu.memory_space<hbm>> -> memref<1x16xf32, #tpu.memory_space<hbm>>
      %dma_wait3A_1025 = tpu.memref_squeeze %dma_wait3A : memref<1x16xf32, #tpu.memory_space<hbm>> -> memref<16xf32, #tpu.memory_space<hbm>>
      %dma_wait3A_1026 = tpu.memref_slice %arg2[%add3A_865, %mul3A_893] : memref<1024x100000xf32, #tpu.memory_space<hbm>> -> memref<1x16xf32, #tpu.memory_space<hbm>>
      %dma_wait3A_1027 = tpu.memref_squeeze %dma_wait3A_1026 : memref<1x16xf32, #tpu.memory_space<hbm>> -> memref<16xf32, #tpu.memory_space<hbm>>
      tpu.wait_dma2 semaphore(%run_scoped3A : memref<!tpu.dma_semaphore, #tpu.memory_space<semaphore_mem>>) src(%dma_wait3A_1027 : memref<16xf32, #tpu.memory_space<hbm>>) dst(%arg6 : memref<16xf32, #tpu.memory_space<vmem>>)
      tpu.yield
    }) : () -> ()
    "tpu.region"() ({
      %run_scoped3A = tpu.sem_alloc : memref<!tpu.dma_semaphore, #tpu.memory_space<semaphore_mem>>
      %dma_start3A = arith.constant 0 : i32
      %dma_start3A_1022 = tpu.memref_slice %arg4[%add3A_865, %dma_start3A] : memref<1024x16xf32, #tpu.memory_space<hbm>> -> memref<1x16xf32, #tpu.memory_space<hbm>>
      %dma_start3A_1023 = tpu.memref_squeeze %dma_start3A_1022 : memref<1x16xf32, #tpu.memory_space<hbm>> -> memref<16xf32, #tpu.memory_space<hbm>>
      %dma_start3A_1024 = arith.constant 0 : i32
      %dma_start3A_1025 = tpu.memref_slice %arg4[%add3A_865, %dma_start3A_1024] : memref<1024x16xf32, #tpu.memory_space<hbm>> -> memref<1x16xf32, #tpu.memory_space<hbm>>
      %dma_start3A_1026 = tpu.memref_squeeze %dma_start3A_1025 : memref<1x16xf32, #tpu.memory_space<hbm>> -> memref<16xf32, #tpu.memory_space<hbm>>
      tpu.enqueue_dma source(%arg6 : memref<16xf32, #tpu.memory_space<vmem>>) target(%dma_start3A_1026 : memref<16xf32, #tpu.memory_space<hbm>>) target_semaphore(%run_scoped3A : memref<!tpu.dma_semaphore, #tpu.memory_space<semaphore_mem>>)
      %dma_wait3A = arith.constant 0 : i32
      %dma_wait3A_1027 = tpu.memref_slice %arg4[%add3A_865, %dma_wait3A] : memref<1024x16xf32, #tpu.memory_space<hbm>> -> memref<1x16xf32, #tpu.memory_space<hbm>>
      %dma_wait3A_1028 = tpu.memref_squeeze %dma_wait3A_1027 : memref<1x16xf32, #tpu.memory_space<hbm>> -> memref<16xf32, #tpu.memory_space<hbm>>
      %dma_wait3A_1029 = arith.constant 0 : i32
      %dma_wait3A_1030 = tpu.memref_slice %arg4[%add3A_865, %dma_wait3A_1029] : memref<1024x16xf32, #tpu.memory_space<hbm>> -> memref<1x16xf32, #tpu.memory_space<hbm>>
      %dma_wait3A_1031 = tpu.memref_squeeze %dma_wait3A_1030 : memref<1x16xf32, #tpu.memory_space<hbm>> -> memref<16xf32, #tpu.memory_space<hbm>>
      tpu.wait_dma2 semaphore(%run_scoped3A : memref<!tpu.dma_semaphore, #tpu.memory_space<semaphore_mem>>) src(%arg6 : memref<16xf32, #tpu.memory_space<vmem>>) dst(%dma_wait3A_1031 : memref<16xf32, #tpu.memory_space<hbm>>)
      tpu.yield
    }) : () -> ()
    %add3A_894 = arith.constant 16 : i32
    %add3A_895 = arith.addi %mul3A_2, %add3A_894 : i32
    %add3A_896 = arith.constant 12 : i32
    %add3A_897 = arith.addi %add3A_895, %add3A_896 : i32
    %slice3A_898 = vector.extract_strided_slice %get3A_509 {offsets = [12], sizes = [1], strides = [1]} : vector<16xi32> to vector<1xi32>
    %squeeze3A_899 = vector.extract %slice3A_898[0] : i32 from vector<1xi32>
    %jit3A_900 = arith.constant 16 : i32
    %div3A_901 = arith.divsi %squeeze3A_899, %jit3A_900 : i32
    %sign3A_902 = arith.constant 0 : i32
    %sign3A_903 = arith.cmpi sgt, %squeeze3A_899, %sign3A_902 : i32
    %sign3A_904 = arith.extui %sign3A_903 : i1 to i32
    %sign3A_905 = arith.constant 0 : i32
    %sign3A_906 = arith.cmpi slt, %squeeze3A_899, %sign3A_905 : i32
    %sign3A_907 = arith.extui %sign3A_906 : i1 to i32
    %sign3A_908 = arith.subi %sign3A_904, %sign3A_907 : i32
    %sign3A_909 = arith.constant 0 : i32
    %sign3A_910 = arith.cmpi sgt, %jit3A_900, %sign3A_909 : i32
    %sign3A_911 = arith.extui %sign3A_910 : i1 to i32
    %sign3A_912 = arith.constant 0 : i32
    %sign3A_913 = arith.cmpi slt, %jit3A_900, %sign3A_912 : i32
    %sign3A_914 = arith.extui %sign3A_913 : i1 to i32
    %sign3A_915 = arith.subi %sign3A_911, %sign3A_914 : i32
    %ne3A_916 = arith.cmpi ne, %sign3A_908, %sign3A_915 : i32
    %rem3A_917 = arith.remsi %squeeze3A_899, %jit3A_900 : i32
    %ne3A_918 = arith.constant 0 : i32
    %ne3A_919 = arith.cmpi ne, %rem3A_917, %ne3A_918 : i32
    %and3A_920 = arith.andi %ne3A_916, %ne3A_919 : i1
    %sub3A_921 = arith.constant 1 : i32
    %sub3A_922 = arith.subi %div3A_901, %sub3A_921 : i32
    %select_n3A_923 = arith.select %and3A_920, %sub3A_922, %div3A_901 : i32
    %mul3A_924 = arith.constant 16 : i32
    %mul3A_925 = arith.muli %select_n3A_923, %mul3A_924 : i32
    "tpu.region"() ({
      %run_scoped3A = tpu.sem_alloc : memref<!tpu.dma_semaphore, #tpu.memory_space<semaphore_mem>>
      %dma_start3A = tpu.memref_slice %arg2[%add3A_897, %mul3A_925] : memref<1024x100000xf32, #tpu.memory_space<hbm>> -> memref<1x16xf32, #tpu.memory_space<hbm>>
      %dma_start3A_1022 = tpu.memref_squeeze %dma_start3A : memref<1x16xf32, #tpu.memory_space<hbm>> -> memref<16xf32, #tpu.memory_space<hbm>>
      %dma_start3A_1023 = tpu.memref_slice %arg2[%add3A_897, %mul3A_925] : memref<1024x100000xf32, #tpu.memory_space<hbm>> -> memref<1x16xf32, #tpu.memory_space<hbm>>
      %dma_start3A_1024 = tpu.memref_squeeze %dma_start3A_1023 : memref<1x16xf32, #tpu.memory_space<hbm>> -> memref<16xf32, #tpu.memory_space<hbm>>
      tpu.enqueue_dma source(%dma_start3A_1024 : memref<16xf32, #tpu.memory_space<hbm>>) target(%arg6 : memref<16xf32, #tpu.memory_space<vmem>>) target_semaphore(%run_scoped3A : memref<!tpu.dma_semaphore, #tpu.memory_space<semaphore_mem>>)
      %dma_wait3A = tpu.memref_slice %arg2[%add3A_897, %mul3A_925] : memref<1024x100000xf32, #tpu.memory_space<hbm>> -> memref<1x16xf32, #tpu.memory_space<hbm>>
      %dma_wait3A_1025 = tpu.memref_squeeze %dma_wait3A : memref<1x16xf32, #tpu.memory_space<hbm>> -> memref<16xf32, #tpu.memory_space<hbm>>
      %dma_wait3A_1026 = tpu.memref_slice %arg2[%add3A_897, %mul3A_925] : memref<1024x100000xf32, #tpu.memory_space<hbm>> -> memref<1x16xf32, #tpu.memory_space<hbm>>
      %dma_wait3A_1027 = tpu.memref_squeeze %dma_wait3A_1026 : memref<1x16xf32, #tpu.memory_space<hbm>> -> memref<16xf32, #tpu.memory_space<hbm>>
      tpu.wait_dma2 semaphore(%run_scoped3A : memref<!tpu.dma_semaphore, #tpu.memory_space<semaphore_mem>>) src(%dma_wait3A_1027 : memref<16xf32, #tpu.memory_space<hbm>>) dst(%arg6 : memref<16xf32, #tpu.memory_space<vmem>>)
      tpu.yield
    }) : () -> ()
    "tpu.region"() ({
      %run_scoped3A = tpu.sem_alloc : memref<!tpu.dma_semaphore, #tpu.memory_space<semaphore_mem>>
      %dma_start3A = arith.constant 0 : i32
      %dma_start3A_1022 = tpu.memref_slice %arg4[%add3A_897, %dma_start3A] : memref<1024x16xf32, #tpu.memory_space<hbm>> -> memref<1x16xf32, #tpu.memory_space<hbm>>
      %dma_start3A_1023 = tpu.memref_squeeze %dma_start3A_1022 : memref<1x16xf32, #tpu.memory_space<hbm>> -> memref<16xf32, #tpu.memory_space<hbm>>
      %dma_start3A_1024 = arith.constant 0 : i32
      %dma_start3A_1025 = tpu.memref_slice %arg4[%add3A_897, %dma_start3A_1024] : memref<1024x16xf32, #tpu.memory_space<hbm>> -> memref<1x16xf32, #tpu.memory_space<hbm>>
      %dma_start3A_1026 = tpu.memref_squeeze %dma_start3A_1025 : memref<1x16xf32, #tpu.memory_space<hbm>> -> memref<16xf32, #tpu.memory_space<hbm>>
      tpu.enqueue_dma source(%arg6 : memref<16xf32, #tpu.memory_space<vmem>>) target(%dma_start3A_1026 : memref<16xf32, #tpu.memory_space<hbm>>) target_semaphore(%run_scoped3A : memref<!tpu.dma_semaphore, #tpu.memory_space<semaphore_mem>>)
      %dma_wait3A = arith.constant 0 : i32
      %dma_wait3A_1027 = tpu.memref_slice %arg4[%add3A_897, %dma_wait3A] : memref<1024x16xf32, #tpu.memory_space<hbm>> -> memref<1x16xf32, #tpu.memory_space<hbm>>
      %dma_wait3A_1028 = tpu.memref_squeeze %dma_wait3A_1027 : memref<1x16xf32, #tpu.memory_space<hbm>> -> memref<16xf32, #tpu.memory_space<hbm>>
      %dma_wait3A_1029 = arith.constant 0 : i32
      %dma_wait3A_1030 = tpu.memref_slice %arg4[%add3A_897, %dma_wait3A_1029] : memref<1024x16xf32, #tpu.memory_space<hbm>> -> memref<1x16xf32, #tpu.memory_space<hbm>>
      %dma_wait3A_1031 = tpu.memref_squeeze %dma_wait3A_1030 : memref<1x16xf32, #tpu.memory_space<hbm>> -> memref<16xf32, #tpu.memory_space<hbm>>
      tpu.wait_dma2 semaphore(%run_scoped3A : memref<!tpu.dma_semaphore, #tpu.memory_space<semaphore_mem>>) src(%arg6 : memref<16xf32, #tpu.memory_space<vmem>>) dst(%dma_wait3A_1031 : memref<16xf32, #tpu.memory_space<hbm>>)
      tpu.yield
    }) : () -> ()
    %add3A_926 = arith.constant 16 : i32
    %add3A_927 = arith.addi %mul3A_2, %add3A_926 : i32
    %add3A_928 = arith.constant 13 : i32
    %add3A_929 = arith.addi %add3A_927, %add3A_928 : i32
    %slice3A_930 = vector.extract_strided_slice %get3A_509 {offsets = [13], sizes = [1], strides = [1]} : vector<16xi32> to vector<1xi32>
    %squeeze3A_931 = vector.extract %slice3A_930[0] : i32 from vector<1xi32>
    %jit3A_932 = arith.constant 16 : i32
    %div3A_933 = arith.divsi %squeeze3A_931, %jit3A_932 : i32
    %sign3A_934 = arith.constant 0 : i32
    %sign3A_935 = arith.cmpi sgt, %squeeze3A_931, %sign3A_934 : i32
    %sign3A_936 = arith.extui %sign3A_935 : i1 to i32
    %sign3A_937 = arith.constant 0 : i32
    %sign3A_938 = arith.cmpi slt, %squeeze3A_931, %sign3A_937 : i32
    %sign3A_939 = arith.extui %sign3A_938 : i1 to i32
    %sign3A_940 = arith.subi %sign3A_936, %sign3A_939 : i32
    %sign3A_941 = arith.constant 0 : i32
    %sign3A_942 = arith.cmpi sgt, %jit3A_932, %sign3A_941 : i32
    %sign3A_943 = arith.extui %sign3A_942 : i1 to i32
    %sign3A_944 = arith.constant 0 : i32
    %sign3A_945 = arith.cmpi slt, %jit3A_932, %sign3A_944 : i32
    %sign3A_946 = arith.extui %sign3A_945 : i1 to i32
    %sign3A_947 = arith.subi %sign3A_943, %sign3A_946 : i32
    %ne3A_948 = arith.cmpi ne, %sign3A_940, %sign3A_947 : i32
    %rem3A_949 = arith.remsi %squeeze3A_931, %jit3A_932 : i32
    %ne3A_950 = arith.constant 0 : i32
    %ne3A_951 = arith.cmpi ne, %rem3A_949, %ne3A_950 : i32
    %and3A_952 = arith.andi %ne3A_948, %ne3A_951 : i1
    %sub3A_953 = arith.constant 1 : i32
    %sub3A_954 = arith.subi %div3A_933, %sub3A_953 : i32
    %select_n3A_955 = arith.select %and3A_952, %sub3A_954, %div3A_933 : i32
    %mul3A_956 = arith.constant 16 : i32
    %mul3A_957 = arith.muli %select_n3A_955, %mul3A_956 : i32
    "tpu.region"() ({
      %run_scoped3A = tpu.sem_alloc : memref<!tpu.dma_semaphore, #tpu.memory_space<semaphore_mem>>
      %dma_start3A = tpu.memref_slice %arg2[%add3A_929, %mul3A_957] : memref<1024x100000xf32, #tpu.memory_space<hbm>> -> memref<1x16xf32, #tpu.memory_space<hbm>>
      %dma_start3A_1022 = tpu.memref_squeeze %dma_start3A : memref<1x16xf32, #tpu.memory_space<hbm>> -> memref<16xf32, #tpu.memory_space<hbm>>
      %dma_start3A_1023 = tpu.memref_slice %arg2[%add3A_929, %mul3A_957] : memref<1024x100000xf32, #tpu.memory_space<hbm>> -> memref<1x16xf32, #tpu.memory_space<hbm>>
      %dma_start3A_1024 = tpu.memref_squeeze %dma_start3A_1023 : memref<1x16xf32, #tpu.memory_space<hbm>> -> memref<16xf32, #tpu.memory_space<hbm>>
      tpu.enqueue_dma source(%dma_start3A_1024 : memref<16xf32, #tpu.memory_space<hbm>>) target(%arg6 : memref<16xf32, #tpu.memory_space<vmem>>) target_semaphore(%run_scoped3A : memref<!tpu.dma_semaphore, #tpu.memory_space<semaphore_mem>>)
      %dma_wait3A = tpu.memref_slice %arg2[%add3A_929, %mul3A_957] : memref<1024x100000xf32, #tpu.memory_space<hbm>> -> memref<1x16xf32, #tpu.memory_space<hbm>>
      %dma_wait3A_1025 = tpu.memref_squeeze %dma_wait3A : memref<1x16xf32, #tpu.memory_space<hbm>> -> memref<16xf32, #tpu.memory_space<hbm>>
      %dma_wait3A_1026 = tpu.memref_slice %arg2[%add3A_929, %mul3A_957] : memref<1024x100000xf32, #tpu.memory_space<hbm>> -> memref<1x16xf32, #tpu.memory_space<hbm>>
      %dma_wait3A_1027 = tpu.memref_squeeze %dma_wait3A_1026 : memref<1x16xf32, #tpu.memory_space<hbm>> -> memref<16xf32, #tpu.memory_space<hbm>>
      tpu.wait_dma2 semaphore(%run_scoped3A : memref<!tpu.dma_semaphore, #tpu.memory_space<semaphore_mem>>) src(%dma_wait3A_1027 : memref<16xf32, #tpu.memory_space<hbm>>) dst(%arg6 : memref<16xf32, #tpu.memory_space<vmem>>)
      tpu.yield
    }) : () -> ()
    "tpu.region"() ({
      %run_scoped3A = tpu.sem_alloc : memref<!tpu.dma_semaphore, #tpu.memory_space<semaphore_mem>>
      %dma_start3A = arith.constant 0 : i32
      %dma_start3A_1022 = tpu.memref_slice %arg4[%add3A_929, %dma_start3A] : memref<1024x16xf32, #tpu.memory_space<hbm>> -> memref<1x16xf32, #tpu.memory_space<hbm>>
      %dma_start3A_1023 = tpu.memref_squeeze %dma_start3A_1022 : memref<1x16xf32, #tpu.memory_space<hbm>> -> memref<16xf32, #tpu.memory_space<hbm>>
      %dma_start3A_1024 = arith.constant 0 : i32
      %dma_start3A_1025 = tpu.memref_slice %arg4[%add3A_929, %dma_start3A_1024] : memref<1024x16xf32, #tpu.memory_space<hbm>> -> memref<1x16xf32, #tpu.memory_space<hbm>>
      %dma_start3A_1026 = tpu.memref_squeeze %dma_start3A_1025 : memref<1x16xf32, #tpu.memory_space<hbm>> -> memref<16xf32, #tpu.memory_space<hbm>>
      tpu.enqueue_dma source(%arg6 : memref<16xf32, #tpu.memory_space<vmem>>) target(%dma_start3A_1026 : memref<16xf32, #tpu.memory_space<hbm>>) target_semaphore(%run_scoped3A : memref<!tpu.dma_semaphore, #tpu.memory_space<semaphore_mem>>)
      %dma_wait3A = arith.constant 0 : i32
      %dma_wait3A_1027 = tpu.memref_slice %arg4[%add3A_929, %dma_wait3A] : memref<1024x16xf32, #tpu.memory_space<hbm>> -> memref<1x16xf32, #tpu.memory_space<hbm>>
      %dma_wait3A_1028 = tpu.memref_squeeze %dma_wait3A_1027 : memref<1x16xf32, #tpu.memory_space<hbm>> -> memref<16xf32, #tpu.memory_space<hbm>>
      %dma_wait3A_1029 = arith.constant 0 : i32
      %dma_wait3A_1030 = tpu.memref_slice %arg4[%add3A_929, %dma_wait3A_1029] : memref<1024x16xf32, #tpu.memory_space<hbm>> -> memref<1x16xf32, #tpu.memory_space<hbm>>
      %dma_wait3A_1031 = tpu.memref_squeeze %dma_wait3A_1030 : memref<1x16xf32, #tpu.memory_space<hbm>> -> memref<16xf32, #tpu.memory_space<hbm>>
      tpu.wait_dma2 semaphore(%run_scoped3A : memref<!tpu.dma_semaphore, #tpu.memory_space<semaphore_mem>>) src(%arg6 : memref<16xf32, #tpu.memory_space<vmem>>) dst(%dma_wait3A_1031 : memref<16xf32, #tpu.memory_space<hbm>>)
      tpu.yield
    }) : () -> ()
    %add3A_958 = arith.constant 16 : i32
    %add3A_959 = arith.addi %mul3A_2, %add3A_958 : i32
    %add3A_960 = arith.constant 14 : i32
    %add3A_961 = arith.addi %add3A_959, %add3A_960 : i32
    %slice3A_962 = vector.extract_strided_slice %get3A_509 {offsets = [14], sizes = [1], strides = [1]} : vector<16xi32> to vector<1xi32>
    %squeeze3A_963 = vector.extract %slice3A_962[0] : i32 from vector<1xi32>
    %jit3A_964 = arith.constant 16 : i32
    %div3A_965 = arith.divsi %squeeze3A_963, %jit3A_964 : i32
    %sign3A_966 = arith.constant 0 : i32
    %sign3A_967 = arith.cmpi sgt, %squeeze3A_963, %sign3A_966 : i32
    %sign3A_968 = arith.extui %sign3A_967 : i1 to i32
    %sign3A_969 = arith.constant 0 : i32
    %sign3A_970 = arith.cmpi slt, %squeeze3A_963, %sign3A_969 : i32
    %sign3A_971 = arith.extui %sign3A_970 : i1 to i32
    %sign3A_972 = arith.subi %sign3A_968, %sign3A_971 : i32
    %sign3A_973 = arith.constant 0 : i32
    %sign3A_974 = arith.cmpi sgt, %jit3A_964, %sign3A_973 : i32
    %sign3A_975 = arith.extui %sign3A_974 : i1 to i32
    %sign3A_976 = arith.constant 0 : i32
    %sign3A_977 = arith.cmpi slt, %jit3A_964, %sign3A_976 : i32
    %sign3A_978 = arith.extui %sign3A_977 : i1 to i32
    %sign3A_979 = arith.subi %sign3A_975, %sign3A_978 : i32
    %ne3A_980 = arith.cmpi ne, %sign3A_972, %sign3A_979 : i32
    %rem3A_981 = arith.remsi %squeeze3A_963, %jit3A_964 : i32
    %ne3A_982 = arith.constant 0 : i32
    %ne3A_983 = arith.cmpi ne, %rem3A_981, %ne3A_982 : i32
    %and3A_984 = arith.andi %ne3A_980, %ne3A_983 : i1
    %sub3A_985 = arith.constant 1 : i32
    %sub3A_986 = arith.subi %div3A_965, %sub3A_985 : i32
    %select_n3A_987 = arith.select %and3A_984, %sub3A_986, %div3A_965 : i32
    %mul3A_988 = arith.constant 16 : i32
    %mul3A_989 = arith.muli %select_n3A_987, %mul3A_988 : i32
    "tpu.region"() ({
      %run_scoped3A = tpu.sem_alloc : memref<!tpu.dma_semaphore, #tpu.memory_space<semaphore_mem>>
      %dma_start3A = tpu.memref_slice %arg2[%add3A_961, %mul3A_989] : memref<1024x100000xf32, #tpu.memory_space<hbm>> -> memref<1x16xf32, #tpu.memory_space<hbm>>
      %dma_start3A_1022 = tpu.memref_squeeze %dma_start3A : memref<1x16xf32, #tpu.memory_space<hbm>> -> memref<16xf32, #tpu.memory_space<hbm>>
      %dma_start3A_1023 = tpu.memref_slice %arg2[%add3A_961, %mul3A_989] : memref<1024x100000xf32, #tpu.memory_space<hbm>> -> memref<1x16xf32, #tpu.memory_space<hbm>>
      %dma_start3A_1024 = tpu.memref_squeeze %dma_start3A_1023 : memref<1x16xf32, #tpu.memory_space<hbm>> -> memref<16xf32, #tpu.memory_space<hbm>>
      tpu.enqueue_dma source(%dma_start3A_1024 : memref<16xf32, #tpu.memory_space<hbm>>) target(%arg6 : memref<16xf32, #tpu.memory_space<vmem>>) target_semaphore(%run_scoped3A : memref<!tpu.dma_semaphore, #tpu.memory_space<semaphore_mem>>)
      %dma_wait3A = tpu.memref_slice %arg2[%add3A_961, %mul3A_989] : memref<1024x100000xf32, #tpu.memory_space<hbm>> -> memref<1x16xf32, #tpu.memory_space<hbm>>
      %dma_wait3A_1025 = tpu.memref_squeeze %dma_wait3A : memref<1x16xf32, #tpu.memory_space<hbm>> -> memref<16xf32, #tpu.memory_space<hbm>>
      %dma_wait3A_1026 = tpu.memref_slice %arg2[%add3A_961, %mul3A_989] : memref<1024x100000xf32, #tpu.memory_space<hbm>> -> memref<1x16xf32, #tpu.memory_space<hbm>>
      %dma_wait3A_1027 = tpu.memref_squeeze %dma_wait3A_1026 : memref<1x16xf32, #tpu.memory_space<hbm>> -> memref<16xf32, #tpu.memory_space<hbm>>
      tpu.wait_dma2 semaphore(%run_scoped3A : memref<!tpu.dma_semaphore, #tpu.memory_space<semaphore_mem>>) src(%dma_wait3A_1027 : memref<16xf32, #tpu.memory_space<hbm>>) dst(%arg6 : memref<16xf32, #tpu.memory_space<vmem>>)
      tpu.yield
    }) : () -> ()
    "tpu.region"() ({
      %run_scoped3A = tpu.sem_alloc : memref<!tpu.dma_semaphore, #tpu.memory_space<semaphore_mem>>
      %dma_start3A = arith.constant 0 : i32
      %dma_start3A_1022 = tpu.memref_slice %arg4[%add3A_961, %dma_start3A] : memref<1024x16xf32, #tpu.memory_space<hbm>> -> memref<1x16xf32, #tpu.memory_space<hbm>>
      %dma_start3A_1023 = tpu.memref_squeeze %dma_start3A_1022 : memref<1x16xf32, #tpu.memory_space<hbm>> -> memref<16xf32, #tpu.memory_space<hbm>>
      %dma_start3A_1024 = arith.constant 0 : i32
      %dma_start3A_1025 = tpu.memref_slice %arg4[%add3A_961, %dma_start3A_1024] : memref<1024x16xf32, #tpu.memory_space<hbm>> -> memref<1x16xf32, #tpu.memory_space<hbm>>
      %dma_start3A_1026 = tpu.memref_squeeze %dma_start3A_1025 : memref<1x16xf32, #tpu.memory_space<hbm>> -> memref<16xf32, #tpu.memory_space<hbm>>
      tpu.enqueue_dma source(%arg6 : memref<16xf32, #tpu.memory_space<vmem>>) target(%dma_start3A_1026 : memref<16xf32, #tpu.memory_space<hbm>>) target_semaphore(%run_scoped3A : memref<!tpu.dma_semaphore, #tpu.memory_space<semaphore_mem>>)
      %dma_wait3A = arith.constant 0 : i32
      %dma_wait3A_1027 = tpu.memref_slice %arg4[%add3A_961, %dma_wait3A] : memref<1024x16xf32, #tpu.memory_space<hbm>> -> memref<1x16xf32, #tpu.memory_space<hbm>>
      %dma_wait3A_1028 = tpu.memref_squeeze %dma_wait3A_1027 : memref<1x16xf32, #tpu.memory_space<hbm>> -> memref<16xf32, #tpu.memory_space<hbm>>
      %dma_wait3A_1029 = arith.constant 0 : i32
      %dma_wait3A_1030 = tpu.memref_slice %arg4[%add3A_961, %dma_wait3A_1029] : memref<1024x16xf32, #tpu.memory_space<hbm>> -> memref<1x16xf32, #tpu.memory_space<hbm>>
      %dma_wait3A_1031 = tpu.memref_squeeze %dma_wait3A_1030 : memref<1x16xf32, #tpu.memory_space<hbm>> -> memref<16xf32, #tpu.memory_space<hbm>>
      tpu.wait_dma2 semaphore(%run_scoped3A : memref<!tpu.dma_semaphore, #tpu.memory_space<semaphore_mem>>) src(%arg6 : memref<16xf32, #tpu.memory_space<vmem>>) dst(%dma_wait3A_1031 : memref<16xf32, #tpu.memory_space<hbm>>)
      tpu.yield
    }) : () -> ()
    %add3A_990 = arith.constant 16 : i32
    %add3A_991 = arith.addi %mul3A_2, %add3A_990 : i32
    %add3A_992 = arith.constant 15 : i32
    %add3A_993 = arith.addi %add3A_991, %add3A_992 : i32
    %slice3A_994 = vector.extract_strided_slice %get3A_509 {offsets = [15], sizes = [1], strides = [1]} : vector<16xi32> to vector<1xi32>
    %squeeze3A_995 = vector.extract %slice3A_994[0] : i32 from vector<1xi32>
    %jit3A_996 = arith.constant 16 : i32
    %div3A_997 = arith.divsi %squeeze3A_995, %jit3A_996 : i32
    %sign3A_998 = arith.constant 0 : i32
    %sign3A_999 = arith.cmpi sgt, %squeeze3A_995, %sign3A_998 : i32
    %sign3A_1000 = arith.extui %sign3A_999 : i1 to i32
    %sign3A_1001 = arith.constant 0 : i32
    %sign3A_1002 = arith.cmpi slt, %squeeze3A_995, %sign3A_1001 : i32
    %sign3A_1003 = arith.extui %sign3A_1002 : i1 to i32
    %sign3A_1004 = arith.subi %sign3A_1000, %sign3A_1003 : i32
    %sign3A_1005 = arith.constant 0 : i32
    %sign3A_1006 = arith.cmpi sgt, %jit3A_996, %sign3A_1005 : i32
    %sign3A_1007 = arith.extui %sign3A_1006 : i1 to i32
    %sign3A_1008 = arith.constant 0 : i32
    %sign3A_1009 = arith.cmpi slt, %jit3A_996, %sign3A_1008 : i32
    %sign3A_1010 = arith.extui %sign3A_1009 : i1 to i32
    %sign3A_1011 = arith.subi %sign3A_1007, %sign3A_1010 : i32
    %ne3A_1012 = arith.cmpi ne, %sign3A_1004, %sign3A_1011 : i32
    %rem3A_1013 = arith.remsi %squeeze3A_995, %jit3A_996 : i32
    %ne3A_1014 = arith.constant 0 : i32
    %ne3A_1015 = arith.cmpi ne, %rem3A_1013, %ne3A_1014 : i32
    %and3A_1016 = arith.andi %ne3A_1012, %ne3A_1015 : i1
    %sub3A_1017 = arith.constant 1 : i32
    %sub3A_1018 = arith.subi %div3A_997, %sub3A_1017 : i32
    %select_n3A_1019 = arith.select %and3A_1016, %sub3A_1018, %div3A_997 : i32
    %mul3A_1020 = arith.constant 16 : i32
    %mul3A_1021 = arith.muli %select_n3A_1019, %mul3A_1020 : i32
    "tpu.region"() ({
      %run_scoped3A = tpu.sem_alloc : memref<!tpu.dma_semaphore, #tpu.memory_space<semaphore_mem>>
      %dma_start3A = tpu.memref_slice %arg2[%add3A_993, %mul3A_1021] : memref<1024x100000xf32, #tpu.memory_space<hbm>> -> memref<1x16xf32, #tpu.memory_space<hbm>>
      %dma_start3A_1022 = tpu.memref_squeeze %dma_start3A : memref<1x16xf32, #tpu.memory_space<hbm>> -> memref<16xf32, #tpu.memory_space<hbm>>
      %dma_start3A_1023 = tpu.memref_slice %arg2[%add3A_993, %mul3A_1021] : memref<1024x100000xf32, #tpu.memory_space<hbm>> -> memref<1x16xf32, #tpu.memory_space<hbm>>
      %dma_start3A_1024 = tpu.memref_squeeze %dma_start3A_1023 : memref<1x16xf32, #tpu.memory_space<hbm>> -> memref<16xf32, #tpu.memory_space<hbm>>
      tpu.enqueue_dma source(%dma_start3A_1024 : memref<16xf32, #tpu.memory_space<hbm>>) target(%arg6 : memref<16xf32, #tpu.memory_space<vmem>>) target_semaphore(%run_scoped3A : memref<!tpu.dma_semaphore, #tpu.memory_space<semaphore_mem>>)
      %dma_wait3A = tpu.memref_slice %arg2[%add3A_993, %mul3A_1021] : memref<1024x100000xf32, #tpu.memory_space<hbm>> -> memref<1x16xf32, #tpu.memory_space<hbm>>
      %dma_wait3A_1025 = tpu.memref_squeeze %dma_wait3A : memref<1x16xf32, #tpu.memory_space<hbm>> -> memref<16xf32, #tpu.memory_space<hbm>>
      %dma_wait3A_1026 = tpu.memref_slice %arg2[%add3A_993, %mul3A_1021] : memref<1024x100000xf32, #tpu.memory_space<hbm>> -> memref<1x16xf32, #tpu.memory_space<hbm>>
      %dma_wait3A_1027 = tpu.memref_squeeze %dma_wait3A_1026 : memref<1x16xf32, #tpu.memory_space<hbm>> -> memref<16xf32, #tpu.memory_space<hbm>>
      tpu.wait_dma2 semaphore(%run_scoped3A : memref<!tpu.dma_semaphore, #tpu.memory_space<semaphore_mem>>) src(%dma_wait3A_1027 : memref<16xf32, #tpu.memory_space<hbm>>) dst(%arg6 : memref<16xf32, #tpu.memory_space<vmem>>)
      tpu.yield
    }) : () -> ()
    "tpu.region"() ({
      %run_scoped3A = tpu.sem_alloc : memref<!tpu.dma_semaphore, #tpu.memory_space<semaphore_mem>>
      %dma_start3A = arith.constant 0 : i32
      %dma_start3A_1022 = tpu.memref_slice %arg4[%add3A_993, %dma_start3A] : memref<1024x16xf32, #tpu.memory_space<hbm>> -> memref<1x16xf32, #tpu.memory_space<hbm>>
      %dma_start3A_1023 = tpu.memref_squeeze %dma_start3A_1022 : memref<1x16xf32, #tpu.memory_space<hbm>> -> memref<16xf32, #tpu.memory_space<hbm>>
      %dma_start3A_1024 = arith.constant 0 : i32
      %dma_start3A_1025 = tpu.memref_slice %arg4[%add3A_993, %dma_start3A_1024] : memref<1024x16xf32, #tpu.memory_space<hbm>> -> memref<1x16xf32, #tpu.memory_space<hbm>>
      %dma_start3A_1026 = tpu.memref_squeeze %dma_start3A_1025 : memref<1x16xf32, #tpu.memory_space<hbm>> -> memref<16xf32, #tpu.memory_space<hbm>>
      tpu.enqueue_dma source(%arg6 : memref<16xf32, #tpu.memory_space<vmem>>) target(%dma_start3A_1026 : memref<16xf32, #tpu.memory_space<hbm>>) target_semaphore(%run_scoped3A : memref<!tpu.dma_semaphore, #tpu.memory_space<semaphore_mem>>)
      %dma_wait3A = arith.constant 0 : i32
      %dma_wait3A_1027 = tpu.memref_slice %arg4[%add3A_993, %dma_wait3A] : memref<1024x16xf32, #tpu.memory_space<hbm>> -> memref<1x16xf32, #tpu.memory_space<hbm>>
      %dma_wait3A_1028 = tpu.memref_squeeze %dma_wait3A_1027 : memref<1x16xf32, #tpu.memory_space<hbm>> -> memref<16xf32, #tpu.memory_space<hbm>>
      %dma_wait3A_1029 = arith.constant 0 : i32
      %dma_wait3A_1030 = tpu.memref_slice %arg4[%add3A_993, %dma_wait3A_1029] : memref<1024x16xf32, #tpu.memory_space<hbm>> -> memref<1x16xf32, #tpu.memory_space<hbm>>
      %dma_wait3A_1031 = tpu.memref_squeeze %dma_wait3A_1030 : memref<1x16xf32, #tpu.memory_space<hbm>> -> memref<16xf32, #tpu.memory_space<hbm>>
      tpu.wait_dma2 semaphore(%run_scoped3A : memref<!tpu.dma_semaphore, #tpu.memory_space<semaphore_mem>>) src(%arg6 : memref<16xf32, #tpu.memory_space<vmem>>) dst(%dma_wait3A_1031 : memref<16xf32, #tpu.memory_space<hbm>>)
      tpu.yield
    }) : () -> ()
    return
  }
}

module attributes {stable_mosaic.version = 14 : i64} {
  func.func @_loss_kernel(%arg0: i32, %arg1: memref<1x1x1024xi32, #tpu.memory_space<vmem>>, %arg2: memref<1024x16xf32, #tpu.memory_space<vmem>>, %arg3: memref<1024x2048xf32, #tpu.memory_space<vmem>>, %arg4: memref<1x1xf32, #tpu.memory_space<smem>>, %arg5: memref<1024x1xf32, #tpu.memory_space<vmem>>, %arg6: memref<1024x1xf32, #tpu.memory_space<vmem>>) attributes {dimension_semantics = [#tpu.dimension_semantics<arbitrary>], iteration_bounds = array<i64: 49>, scalar_prefetch = 0 : i64, scratch_operands = 2 : i64, tpu.core_type = #tpu.core_type<tc>, window_params = [{pipeline_mode = #tpu.pipeline_mode<synchronous>, transform_indices = @transform_0, window_bounds = array<i64: 1, 1, 1024>}, {pipeline_mode = #tpu.pipeline_mode<synchronous>, transform_indices = @transform_1, window_bounds = array<i64: 1024, 16>}, {transform_indices = @transform_2, window_bounds = array<i64: 1024, 2048>}, {transform_indices = @transform_3, window_bounds = array<i64: 1, 1>}]} {
    %eq3A = arith.constant 0 : i32
    %eq3A_0 = arith.cmpi eq, %arg0, %eq3A : i32
    %convert_element_type3A = arith.extui %eq3A_0 : i1 to i32
    %cond3A = arith.constant 0 : i32
    %cond3A_1 = arith.cmpi ne, %convert_element_type3A, %cond3A : i32
    scf.if %cond3A_1 {
      %broadcast_in_dim3A = arith.constant 0xFF800000 : f32
      %broadcast_in_dim3A_11 = vector.broadcast %broadcast_in_dim3A : f32 to vector<1024x1xf32>
      %swap3A = arith.constant 0 : index
      %swap3A_12 = arith.constant 0 : index
      %swap3A_13 = vector.load %arg5[%swap3A, %swap3A_12] : memref<1024x1xf32, #tpu.memory_space<vmem>>, vector<1024x1xf32>
      tpu.vector_store %arg5[%swap3A, %swap3A_12], %broadcast_in_dim3A_11 {strides = array<i32>} : memref<1024x1xf32, #tpu.memory_space<vmem>>, vector<1024x1xf32>,
      %broadcast_in_dim3A_14 = arith.constant 0.000000e+00 : f32
      %broadcast_in_dim3A_15 = vector.broadcast %broadcast_in_dim3A_14 : f32 to vector<1024x1xf32>
      %swap3A_16 = arith.constant 0 : index
      %swap3A_17 = arith.constant 0 : index
      %swap3A_18 = vector.load %arg6[%swap3A_16, %swap3A_17] : memref<1024x1xf32, #tpu.memory_space<vmem>>, vector<1024x1xf32>
      tpu.vector_store %arg6[%swap3A_16, %swap3A_17], %broadcast_in_dim3A_15 {strides = array<i32>} : memref<1024x1xf32, #tpu.memory_space<vmem>>, vector<1024x1xf32>,
    } else {
    }
    %lt3A = arith.constant 48 : i32
    %lt3A_2 = arith.cmpi slt, %arg0, %lt3A : i32
    %convert_element_type3A_3 = arith.extui %lt3A_2 : i1 to i32
    %cond3A_4 = arith.constant 0 : i32
    %cond3A_5 = arith.cmpi ne, %convert_element_type3A_3, %cond3A_4 : i32
    scf.if %cond3A_5 {
      %get3A = arith.constant 0 : index
      %get3A_11 = arith.constant 0 : index
      %get3A_12 = vector.load %arg3[%get3A, %get3A_11] : memref<1024x2048xf32, #tpu.memory_space<vmem>>, vector<1024x2048xf32>
      %mul3A = arith.constant 46.1662407 : f32
      %mul3A_13 = vector.broadcast %mul3A : f32 to vector<1024x2048xf32>
      %mul3A_14 = arith.mulf %get3A_12, %mul3A_13 : vector<1024x2048xf32>
      %get3A_15 = arith.constant 0 : index
      %get3A_16 = arith.constant 0 : index
      %get3A_17 = vector.load %arg5[%get3A_15, %get3A_16] : memref<1024x1xf32, #tpu.memory_space<vmem>>, vector<1024x1xf32>
      %reduce_max3A = arith.constant dense<0xFF800000> : vector<1024xf32>
      %reduce_max3A_18 = vector.multi_reduction <maximumf>, %mul3A_14, %reduce_max3A [1] : vector<1024x2048xf32> to vector<1024xf32>
      %broadcast_in_dim3A = vector.shape_cast %reduce_max3A_18 : vector<1024xf32> to vector<1024x1xf32>
      %max3A = arith.maximumf %get3A_17, %broadcast_in_dim3A : vector<1024x1xf32>
      %get3A_19 = arith.constant 0 : index
      %get3A_20 = arith.constant 0 : index
      %get3A_21 = vector.load %arg6[%get3A_19, %get3A_20] : memref<1024x1xf32, #tpu.memory_space<vmem>>, vector<1024x1xf32>
      %sub3A = arith.subf %get3A_17, %max3A : vector<1024x1xf32>
      %exp23A = math.exp2 %sub3A : vector<1024x1xf32>
      %mul3A_22 = arith.mulf %get3A_21, %exp23A : vector<1024x1xf32>
      %sub3A_23 = vector.broadcast %max3A : vector<1024x1xf32> to vector<1024x2048xf32>
      %sub3A_24 = arith.subf %mul3A_14, %sub3A_23 : vector<1024x2048xf32>
      %exp23A_25 = math.exp2 %sub3A_24 : vector<1024x2048xf32>
      %reduce_sum3A = arith.constant dense<0.000000e+00> : vector<1024xf32>
      %reduce_sum3A_26 = vector.multi_reduction <add>, %exp23A_25, %reduce_sum3A [1] : vector<1024x2048xf32> to vector<1024xf32>
      %broadcast_in_dim3A_27 = vector.shape_cast %reduce_sum3A_26 : vector<1024xf32> to vector<1024x1xf32>
      %add3A = arith.addf %mul3A_22, %broadcast_in_dim3A_27 : vector<1024x1xf32>
      %swap3A = arith.constant 0 : index
      %swap3A_28 = arith.constant 0 : index
      %swap3A_29 = vector.load %arg6[%swap3A, %swap3A_28] : memref<1024x1xf32, #tpu.memory_space<vmem>>, vector<1024x1xf32>
      tpu.vector_store %arg6[%swap3A, %swap3A_28], %add3A {strides = array<i32>} : memref<1024x1xf32, #tpu.memory_space<vmem>>, vector<1024x1xf32>,
      %swap3A_30 = arith.constant 0 : index
      %swap3A_31 = arith.constant 0 : index
      %swap3A_32 = vector.load %arg5[%swap3A_30, %swap3A_31] : memref<1024x1xf32, #tpu.memory_space<vmem>>, vector<1024x1xf32>
      tpu.vector_store %arg5[%swap3A_30, %swap3A_31], %max3A {strides = array<i32>} : memref<1024x1xf32, #tpu.memory_space<vmem>>, vector<1024x1xf32>,
    } else {
    }
    %eq3A_6 = arith.constant 48 : i32
    %eq3A_7 = arith.cmpi eq, %arg0, %eq3A_6 : i32
    %convert_element_type3A_8 = arith.extui %eq3A_7 : i1 to i32
    %cond3A_9 = arith.constant 0 : i32
    %cond3A_10 = arith.cmpi ne, %convert_element_type3A_8, %cond3A_9 : i32
    scf.if %cond3A_10 {
      %get3A = arith.constant 0 : index
      %get3A_11 = arith.constant 0 : index
      %get3A_12 = vector.load %arg3[%get3A, %get3A_11] : memref<1024x2048xf32, #tpu.memory_space<vmem>>, vector<1024x2048xf32>
      %mul3A = arith.constant 46.1662407 : f32
      %mul3A_13 = vector.broadcast %mul3A : f32 to vector<1024x2048xf32>
      %mul3A_14 = arith.mulf %get3A_12, %mul3A_13 : vector<1024x2048xf32>
      %mul3A_15 = arith.constant 2048 : i32
      %mul3A_16 = arith.muli %arg0, %mul3A_15 : i32
      %iota3A = tpu.iota {dimensions = array<i32: 1>} : vector<1024x2048xi32>
      %add3A = vector.broadcast %mul3A_16 : i32 to vector<1024x2048xi32>
      %add3A_17 = arith.addi %add3A, %iota3A : vector<1024x2048xi32>
      %lt3A_18 = arith.constant 100000 : i32
      %lt3A_19 = vector.broadcast %lt3A_18 : i32 to vector<1024x2048xi32>
      %lt3A_20 = arith.cmpi slt, %add3A_17, %lt3A_19 : vector<1024x2048xi32>
      %jit3A = arith.constant 0xFF800000 : f32
      %broadcast_in_dim3A = vector.broadcast %jit3A : f32 to vector<1024x2048xf32>
      %select_n3A = arith.select %lt3A_20, %mul3A_14, %broadcast_in_dim3A : vector<1024x2048xi1>, vector<1024x2048xf32>
      %get3A_21 = arith.constant 0 : index
      %get3A_22 = arith.constant 0 : index
      %get3A_23 = vector.load %arg5[%get3A_21, %get3A_22] : memref<1024x1xf32, #tpu.memory_space<vmem>>, vector<1024x1xf32>
      %reduce_max3A = arith.constant dense<0xFF800000> : vector<1024xf32>
      %reduce_max3A_24 = vector.multi_reduction <maximumf>, %select_n3A, %reduce_max3A [1] : vector<1024x2048xf32> to vector<1024xf32>
      %broadcast_in_dim3A_25 = vector.shape_cast %reduce_max3A_24 : vector<1024xf32> to vector<1024x1xf32>
      %max3A = arith.maximumf %get3A_23, %broadcast_in_dim3A_25 : vector<1024x1xf32>
      %get3A_26 = arith.constant 0 : index
      %get3A_27 = arith.constant 0 : index
      %get3A_28 = vector.load %arg6[%get3A_26, %get3A_27] : memref<1024x1xf32, #tpu.memory_space<vmem>>, vector<1024x1xf32>
      %sub3A = arith.subf %get3A_23, %max3A : vector<1024x1xf32>
      %exp23A = math.exp2 %sub3A : vector<1024x1xf32>
      %mul3A_29 = arith.mulf %get3A_28, %exp23A : vector<1024x1xf32>
      %sub3A_30 = vector.broadcast %max3A : vector<1024x1xf32> to vector<1024x2048xf32>
      %sub3A_31 = arith.subf %select_n3A, %sub3A_30 : vector<1024x2048xf32>
      %exp23A_32 = math.exp2 %sub3A_31 : vector<1024x2048xf32>
      %reduce_sum3A = arith.constant dense<0.000000e+00> : vector<1024xf32>
      %reduce_sum3A_33 = vector.multi_reduction <add>, %exp23A_32, %reduce_sum3A [1] : vector<1024x2048xf32> to vector<1024xf32>
      %broadcast_in_dim3A_34 = vector.shape_cast %reduce_sum3A_33 : vector<1024xf32> to vector<1024x1xf32>
      %add3A_35 = arith.addf %mul3A_29, %broadcast_in_dim3A_34 : vector<1024x1xf32>
      %swap3A = arith.constant 0 : index
      %swap3A_36 = arith.constant 0 : index
      %swap3A_37 = vector.load %arg6[%swap3A, %swap3A_36] : memref<1024x1xf32, #tpu.memory_space<vmem>>, vector<1024x1xf32>
      tpu.vector_store %arg6[%swap3A, %swap3A_36], %add3A_35 {strides = array<i32>} : memref<1024x1xf32, #tpu.memory_space<vmem>>, vector<1024x1xf32>,
      %swap3A_38 = arith.constant 0 : index
      %swap3A_39 = arith.constant 0 : index
      %swap3A_40 = vector.load %arg5[%swap3A_38, %swap3A_39] : memref<1024x1xf32, #tpu.memory_space<vmem>>, vector<1024x1xf32>
      tpu.vector_store %arg5[%swap3A_38, %swap3A_39], %max3A {strides = array<i32>} : memref<1024x1xf32, #tpu.memory_space<vmem>>, vector<1024x1xf32>,
      %get3A_41 = arith.constant 0 : index
      %get3A_42 = arith.constant 0 : index
      %get3A_43 = arith.constant 0 : index
      %get3A_44 = vector.load %arg1[%get3A_41, %get3A_42, %get3A_43] : memref<1x1x1024xi32, #tpu.memory_space<vmem>>, vector<1x1x1024xi32>
      %get3A_45 = vector.shape_cast %get3A_44 : vector<1x1x1024xi32> to vector<1024xi32>
      %broadcast_in_dim3A_46 = vector.shape_cast %get3A_45 : vector<1024xi32> to vector<1024x1xi32>
      %jit3A_47 = arith.constant 16 : i32
      %div3A = vector.broadcast %jit3A_47 : i32 to vector<1024x1xi32>
      %div3A_48 = arith.divsi %broadcast_in_dim3A_46, %div3A : vector<1024x1xi32>
      %sign3A = arith.constant 0 : i32
      %sign3A_49 = vector.broadcast %sign3A : i32 to vector<1024x1xi32>
      %sign3A_50 = arith.cmpi sgt, %broadcast_in_dim3A_46, %sign3A_49 : vector<1024x1xi32>
      %sign3A_51 = arith.extui %sign3A_50 : vector<1024x1xi1> to vector<1024x1xi32>
      %sign3A_52 = arith.constant 0 : i32
      %sign3A_53 = vector.broadcast %sign3A_52 : i32 to vector<1024x1xi32>
      %sign3A_54 = arith.cmpi slt, %broadcast_in_dim3A_46, %sign3A_53 : vector<1024x1xi32>
      %sign3A_55 = arith.extui %sign3A_54 : vector<1024x1xi1> to vector<1024x1xi32>
      %sign3A_56 = arith.subi %sign3A_51, %sign3A_55 : vector<1024x1xi32>
      %sign3A_57 = arith.constant 0 : i32
      %sign3A_58 = arith.cmpi sgt, %jit3A_47, %sign3A_57 : i32
      %sign3A_59 = arith.extui %sign3A_58 : i1 to i32
      %sign3A_60 = arith.constant 0 : i32
      %sign3A_61 = arith.cmpi slt, %jit3A_47, %sign3A_60 : i32
      %sign3A_62 = arith.extui %sign3A_61 : i1 to i32
      %sign3A_63 = arith.subi %sign3A_59, %sign3A_62 : i32
      %ne3A = vector.broadcast %sign3A_63 : i32 to vector<1024x1xi32>
      %ne3A_64 = arith.cmpi ne, %sign3A_56, %ne3A : vector<1024x1xi32>
      %rem3A = vector.broadcast %jit3A_47 : i32 to vector<1024x1xi32>
      %rem3A_65 = arith.remsi %broadcast_in_dim3A_46, %rem3A : vector<1024x1xi32>
      %ne3A_66 = arith.constant 0 : i32
      %ne3A_67 = vector.broadcast %ne3A_66 : i32 to vector<1024x1xi32>
      %ne3A_68 = arith.cmpi ne, %rem3A_65, %ne3A_67 : vector<1024x1xi32>
      %and3A = arith.andi %ne3A_64, %ne3A_68 : vector<1024x1xi1>
      %sub3A_69 = arith.constant 1 : i32
      %sub3A_70 = vector.broadcast %sub3A_69 : i32 to vector<1024x1xi32>
      %sub3A_71 = arith.subi %div3A_48, %sub3A_70 : vector<1024x1xi32>
      %select_n3A_72 = arith.select %and3A, %sub3A_71, %div3A_48 : vector<1024x1xi1>, vector<1024x1xi32>
      %mul3A_73 = arith.constant 16 : i32
      %mul3A_74 = vector.broadcast %mul3A_73 : i32 to vector<1024x1xi32>
      %mul3A_75 = arith.muli %select_n3A_72, %mul3A_74 : vector<1024x1xi32>
      %sub3A_76 = arith.subi %broadcast_in_dim3A_46, %mul3A_75 : vector<1024x1xi32>
      %iota3A_77 = tpu.iota {dimensions = array<i32: 1>} : vector<1024x16xi32>
      %eq3A_78 = vector.broadcast %sub3A_76 : vector<1024x1xi32> to vector<1024x16xi32>
      %eq3A_79 = arith.cmpi eq, %iota3A_77, %eq3A_78 : vector<1024x16xi32>
      %get3A_80 = arith.constant 0 : index
      %get3A_81 = arith.constant 0 : index
      %get3A_82 = vector.load %arg2[%get3A_80, %get3A_81] : memref<1024x16xf32, #tpu.memory_space<vmem>>, vector<1024x16xf32>
      %jit3A_83 = arith.constant 0.000000e+00 : f32
      %broadcast_in_dim3A_84 = vector.broadcast %jit3A_83 : f32 to vector<1024x16xf32>
      %select_n3A_85 = arith.select %eq3A_79, %get3A_82, %broadcast_in_dim3A_84 : vector<1024x16xi1>, vector<1024x16xf32>
      %reduce_sum3A_86 = arith.constant dense<0.000000e+00> : vector<1024xf32>
      %reduce_sum3A_87 = vector.multi_reduction <add>, %select_n3A_85, %reduce_sum3A_86 [1] : vector<1024x16xf32> to vector<1024xf32>
      %broadcast_in_dim3A_88 = vector.shape_cast %reduce_sum3A_87 : vector<1024xf32> to vector<1024x1xf32>
      %mul3A_89 = arith.constant 46.1662407 : f32
      %mul3A_90 = vector.broadcast %mul3A_89 : f32 to vector<1024x1xf32>
      %mul3A_91 = arith.mulf %broadcast_in_dim3A_88, %mul3A_90 : vector<1024x1xf32>
      %get3A_92 = arith.constant 0 : index
      %get3A_93 = arith.constant 0 : index
      %get3A_94 = vector.load %arg5[%get3A_92, %get3A_93] : memref<1024x1xf32, #tpu.memory_space<vmem>>, vector<1024x1xf32>
      %get3A_95 = arith.constant 0 : index
      %get3A_96 = arith.constant 0 : index
      %get3A_97 = vector.load %arg6[%get3A_95, %get3A_96] : memref<1024x1xf32, #tpu.memory_space<vmem>>, vector<1024x1xf32>
      %sub3A_98 = arith.subf %mul3A_91, %get3A_94 : vector<1024x1xf32>
      %exp23A_99 = math.exp2 %sub3A_98 : vector<1024x1xf32>
      %sub3A_100 = arith.subf %get3A_97, %exp23A_99 : vector<1024x1xf32>
      %sub3A_101 = arith.constant 23.0831203 : f32
      %sub3A_102 = vector.broadcast %sub3A_101 : f32 to vector<1024x1xf32>
      %sub3A_103 = arith.subf %mul3A_91, %sub3A_102 : vector<1024x1xf32>
      %sub3A_104 = arith.subf %sub3A_103, %get3A_94 : vector<1024x1xf32>
      %exp23A_105 = math.exp2 %sub3A_104 : vector<1024x1xf32>
      %add3A_106 = arith.addf %sub3A_100, %exp23A_105 : vector<1024x1xf32>
      %log3A = math.log %add3A_106 : vector<1024x1xf32>
      %log3A_107 = arith.constant 2.000000e+00 : f32
      %log3A_108 = math.log %log3A_107 : f32
      %div3A_109 = vector.broadcast %log3A_108 : f32 to vector<1024x1xf32>
      %div3A_110 = arith.divf %log3A, %div3A_109 : vector<1024x1xf32>
      %add3A_111 = arith.addf %get3A_94, %div3A_110 : vector<1024x1xf32>
      %sub3A_112 = arith.constant 23.0831203 : f32
      %sub3A_113 = vector.broadcast %sub3A_112 : f32 to vector<1024x1xf32>
      %sub3A_114 = arith.subf %mul3A_91, %sub3A_113 : vector<1024x1xf32>
      %sub3A_115 = arith.subf %add3A_111, %sub3A_114 : vector<1024x1xf32>
      %reduce_sum3A_116 = vector.shape_cast %sub3A_115 : vector<1024x1xf32> to vector<1x1024x1xf32>
      %reduce_sum3A_117 = arith.constant dense<0.000000e+00> : vector<1xf32>
      %reduce_sum3A_118 = vector.multi_reduction <add>, %reduce_sum3A_116, %reduce_sum3A_117 [1, 2] : vector<1x1024x1xf32> to vector<1xf32>
      %reduce_sum3A_119 = vector.shape_cast %reduce_sum3A_118 : vector<1xf32> to vector<1x1x1xf32>
      %reduce_sum3A_120 = vector.extract %reduce_sum3A_119[0, 0, 0] : f32 from vector<1x1x1xf32>
      %mul3A_121 = arith.constant 0.693147182 : f32
      %mul3A_122 = arith.mulf %mul3A_121, %reduce_sum3A_120 : f32
      %div3A_123 = arith.constant 1.024000e+03 : f32
      %div3A_124 = arith.divf %mul3A_122, %div3A_123 : f32
      %swap3A_125 = arith.constant 0 : index
      %swap3A_126 = arith.constant 0 : index
      %swap3A_127 = memref.load %arg4[%swap3A_125, %swap3A_126] : memref<1x1xf32, #tpu.memory_space<smem>>
      memref.store %div3A_124, %arg4[%swap3A_125, %swap3A_126] : memref<1x1xf32, #tpu.memory_space<smem>>
    } else {
    }
    return
  }
  func.func @transform_0(%arg0: i32) -> (i32, i32, i32) {
    %c0_i32 = arith.constant 0 : i32
    %c0_i32_0 = arith.constant 0 : i32
    %c0_i32_1 = arith.constant 0 : i32
    %c0_i32_2 = arith.constant 0 : i32
    return %c0_i32, %c0_i32_0, %c0_i32_1 : i32, i32, i32
  }
  func.func @transform_1(%arg0: i32) -> (i32, i32) {
    %c0_i32 = arith.constant 0 : i32
    %c0_i32_0 = arith.constant 0 : i32
    %c0_i32_1 = arith.constant 0 : i32
    return %c0_i32, %c0_i32_0 : i32, i32
  }
  func.func @transform_2(%arg0: i32) -> (i32, i32) {
    %c0_i32 = arith.constant 0 : i32
    %c0_i32_0 = arith.constant 0 : i32
    return %c0_i32, %arg0 : i32, i32
  }
  func.func @transform_3(%arg0: i32) -> (i32, i32) {
    %c0_i32 = arith.constant 0 : i32
    %c0_i32_0 = arith.constant 0 : i32
    %c0_i32_1 = arith.constant 0 : i32
    return %c0_i32, %c0_i32_0 : i32, i32
  }
}

</mosaic_0001>

<sc_bundles>
// kernel: kernel.4.cloned.1.call-start
scs
__scs_entry_jumppad:
0x0: {  	(pc) =	sbr.rel $0x88, $3  }
0x1: {  	(tag) =	ssettag $0x0;
	lr =	simm.s32 $0x1  }
0x2: {  	[smem:$0x3F9F] =	sst lr;
	_ =	strace $0xD0000000  }
0x3: {  	_ = 	snop  }
0x4: {  	_ = 	snop  }
0x5: {  	_ = 	snop  }
0x6: {  	_ = 	snop  }
0x7: {  	_ = 	snop  }
__scs_overlays_trampoline_lowered:
0x8: {  	[smem:$0x3FAE] =	sst s0  }
0x9: {  	[smem:$0x3FAF] =	sst s1  }
0xa: {  	[smem:$0x3FB0] =	sst s2  }
0xb: {  	[smem:$0x3FB1] =	sst s3  }
0xc: {  	[smem:$0x3FB2] =	sst s4  }
0xd: {  	[smem:$0x3FB3] =	sst s5  }
0xe: {  	[smem:$0x3FB4] =	sst s6  }
0xf: {  	[smem:$0x3FB5] =	sst s7  }
0x10: {  	[smem:$0x3FB6] =	sst s8  }
0x11: {  	[smem:$0x3FB7] =	sst s9;
	s0 =	simm.s32 @!p0 $0x0  }
0x12: {  	s1 =	sld [smem:$0x3F9D];
	s0 =	simm.s32 @p0 $0x1  }
0x13: {  	[smem:$0x3FB8] =	sst s0;
	s0 =	simm.s32 @!p1 $0x0  }
0x14: {  	s2 =	sld [smem:$0x3F9C];
	s0 =	simm.s32 @p1 $0x1  }
0x15: {  	[smem:$0x3FB9] =	sst s0;
	s0 =	simm.s32 @!p2 $0x0  }
0x16: {  	s3 =	sld [smem:$0x3FDB];
	s0 =	simm.s32 @p2 $0x1  }
0x17: {  	s4 =	simm.s32 $0x1BF5;
	[smem:$0x3FBB] =	sst s0  }
0x18: {  	s0 =	sld [smem:$0x3F9E];
	_ =	swait.ge [sflag:s4], $0x0  }
0x19: {  	s7 =	sld [smem:$0x3F9F]  }
0x1a: {  	s8 =	sadd.s32 $0xFFFFE003, lr  }
0x1b: {  	s9 =	sadd.s32 $0xFFFFFEF7, lr;
	s5 =	simm.s32 $0xFFFFFFFF;
	p2 =	slt.u32 s8, $0xFFFFF086  }
0x1c: {  	p1 =	slt.u32 s9, $0xF7A;
	s5 =	simm.s32 @!p2 $0x0  }
0x1d: {  	s5 =	simm.s32 @p1 $0x1;
	p0 =	seq.s32 s7, s2  }
0x1e: {  	s7 =	smul.u32 @!p0 $0xF7A, s2;
	p2 =	seq.s32 @!p0 s5, $0x0  }
0x1f: {  	s9 =	smul.u32 $0xF7A, s1;
	s8 =	simm.s32 @!p0 $0x1BF5;
	p2 =	por !p2, p0  }
0x20: {  	[sflag:s8] =	ssyncset.s32 @!p0 $0xFFFFF086;
	s6 =	sadd.s32 @!p0 s3, s7;
	s7 =	simm.s32 @!p0 $0x108  }
0x21: {  	s3 =	sadd.s32 s3, s9;
	s6 =	sadd.s32 @!p0 $0x88, s6;
	s7 =	simm.s32 @p2 $0x1082  }
0x22: {  	[simem:s7], [sflag:s8] =	dma.local @!p0 [hbm:s6], $0xF7A  }
0x23: {  	s9 =	sor.u32 $0xD0000000, s2;
	s6 =	simm.s32 $0x108;
	_ =	swait.ge @!p0 [sflag:s8], $0x0  }
0x24: {  	s3 =	sadd.s32 $0x88, s3;
	s6 =	simm.s32 @!p1 $0x1082;
	[sflag:s4] =	ssyncset.s32 $0xFFFFF086  }
0x25: {  	[simem:s6], [sflag:s4] =	dma.local [hbm:s3], $0xF7A  }
0x26: {  	[smem:$0x3F9F] =	sst s1;
	(tag) =	ssettag s2;
	_ =	strace s9  }
0x27: {  	s1 =	sld [smem:$0x3FAF]  }
0x28: {  	s2 =	sld [smem:$0x3FB0]  }
0x29: {  	s4 =	sld [smem:$0x3FB2]  }
0x2a: {  	p0 =	seq.s32 s5, $0x0;
	s5 =	sld [smem:$0x3FB3]  }
0x2b: {  	s6 =	sld [smem:$0x3FB4]  }
0x2c: {  	s7 =	sld [smem:$0x3FB5]  }
0x2d: {  	s3 =	simm.s32 $0x108;
	s8 =	sld [smem:$0x3FB6]  }
0x2e: {  	s3 =	simm.s32 @!p0 $0x1082;
	s9 =	sld [smem:$0x3FB7]  }
0x2f: {  	lr =	sadd.s32 s0, s3;
	s0 =	sld [smem:$0x3FAE]  }
0x30: {  	s3 =	sld [smem:$0x3FB1]  }
0x31: {  	[smem:$0x3FBA] =	sst s10  }
0x32: {  	s10 =	sld [smem:$0x3FB8];
	_ =	sdelay $0x3  }
0x33: {  	p0 =	seq.s32 s10, $0x1;
	s10 =	sld [smem:$0x3FBA];
	_ =	sdelay $0x3  }
0x34: {  	[smem:$0x3FBA] =	sst s10  }
0x35: {  	s10 =	sld [smem:$0x3FB9];
	_ =	sdelay $0x3  }
0x36: {  	p1 =	seq.s32 s10, $0x1;
	s10 =	sld [smem:$0x3FBA];
	_ =	sdelay $0x3  }
0x37: {  	[smem:$0x3FBA] =	sst s10  }
0x38: {  	s10 =	sld [smem:$0x3FBB]  }
0x39: {  	_ = 	snop;
	(pc) =	sbr.ind lr, $3  }
0x3a: {  	_ = 	snop  }
0x3b: {  	_ = 	snop  }
0x3c: {  	p2 =	seq.s32 s10, $0x1;
	s10 =	sld [smem:$0x3FBA]  }
0x3d: {  	_ =	shalt  }
0x3e: {  	_ =	shalt  }
0x3f: {  	_ =	shalt  }
0x40: {  	_ =	shalt  }
0x41: {  	_ =	shalt  }
0x42: {  	_ =	shalt  }
0x43: {  	_ =	shalt  }
0x44: {  	_ =	shalt  }
0x45: {  	_ =	shalt  }
0x46: {  	_ =	shalt  }
0x47: {  	_ =	shalt  }
0x48: {  	_ =	shalt  }
0x49: {  	_ =	shalt  }
0x4a: {  	_ =	shalt  }
0x4b: {  	_ =	shalt  }
0x4c: {  	_ =	shalt  }
0x4d: {  	_ =	shalt  }
0x4e: {  	_ =	shalt  }
0x4f: {  	_ =	shalt  }
0x50: {  	_ =	shalt  }
0x51: {  	_ =	shalt  }
0x52: {  	_ =	shalt  }
0x53: {  	_ =	shalt  }
0x54: {  	_ =	shalt  }
0x55: {  	_ =	shalt  }
0x56: {  	_ =	shalt  }
0x57: {  	_ =	shalt  }
0x58: {  	_ =	shalt  }
0x59: {  	_ =	shalt  }
0x5a: {  	_ =	shalt  }
0x5b: {  	_ =	shalt  }
0x5c: {  	_ =	shalt  }
0x5d: {  	_ =	shalt  }
0x5e: {  	_ =	shalt  }
0x5f: {  	_ =	shalt  }
0x60: {  	_ =	shalt  }
0x61: {  	_ =	shalt  }
0x62: {  	_ =	shalt  }
0x63: {  	_ =	shalt  }
0x64: {  	_ =	shalt  }
0x65: {  	_ =	shalt  }
0x66: {  	_ =	shalt  }
0x67: {  	_ =	shalt  }
0x68: {  	_ =	shalt  }
0x69: {  	_ =	shalt  }
0x6a: {  	_ =	shalt  }
0x6b: {  	_ =	shalt  }
0x6c: {  	_ =	shalt  }
0x6d: {  	_ =	shalt  }
0x6e: {  	_ =	shalt  }
0x6f: {  	_ =	shalt  }
0x70: {  	_ =	shalt  }
0x71: {  	_ =	shalt  }
0x72: {  	_ =	shalt  }
0x73: {  	_ =	shalt  }
0x74: {  	_ =	shalt  }
0x75: {  	_ =	shalt  }
0x76: {  	_ =	shalt  }
0x77: {  	_ =	shalt  }
0x78: {  	_ =	shalt  }
0x79: {  	_ =	shalt  }
0x7a: {  	_ =	shalt  }
0x7b: {  	_ =	shalt  }
0x7c: {  	_ =	shalt  }
0x7d: {  	_ =	shalt  }
0x7e: {  	_ =	shalt  }
0x7f: {  	_ =	shalt  }
0x80: {  	_ =	shalt  }
0x81: {  	_ =	shalt  }
0x82: {  	_ =	shalt  }
0x83: {  	_ =	shalt  }
0x84: {  	_ =	shalt  }
0x85: {  	_ =	shalt  }
0x86: {  	_ =	shalt  }
0x87: {  	_ =	shalt  }
.Lfunc_end0:
.L_simem_size_0:
called_computation_lowered:
.L_overlay_start_0:
0x88: {  	s2 =	sld [smem:$0x3FD9]  }
0x89: {  	s3 =	sld [smem:$0x3FFE];
	_ =	sdelay $0x1  }
0x8a: {  	s1 =	srdreg.scid  }
0x8b: {  	s0 =	sand.u32 $0x1, s1  }
0x8c: {  	s17 =	sshll.u32 s0, $0xA;
	s2 =	sadd.s32 s3, s2  }
0x8d: {  	s2 =	sadd.s32 s2, s17  }
0x8e: {  	[smem:$0x3FC6] =	sst s2  }
0x8f: {  	_ = 	snop  }
0x90: {  	s2 =	sld [smem:$0x3FC8];
	(tm) =	ssettm $0x1  }
0x91: {  	s18 =	sld [smem:$0x3FFB];
	_ =	sdelay $0x3  }
0x92: {  	_ =	strace s18  }
0x93: {  	s3 =	sld [smem:$0x3FFC];
	_ =	sdelay $0x3  }
0x94: {  	_ =	strace s3  }
0x95: {  	s3 =	sld [smem:$0x3FFD];
	_ =	sdelay $0x3  }
0x96: {  	_ =	strace s3  }
0x97: {  	_ =	strace $0x8FFFFFFF  }
0x98: {  	s19 =	sld [smem:$0x3FDB];
	_ =	sdelay $0x1  }
0x99: {  	s4 =	simm.s32 $_scs_section_size  }
0x9a: {  	s5 =	simm.s32 $_size__tile_overlayer_lowered;
	s6 =	simm.s32 $_tile_overlayer_lowered  }
0x9b: {  	s22 =	simm.s32 $0x1BFF;
	s21 =	sshll.u32 s6, $0x1;
	s3 =	sadd.s32 s4, s19  }
0x9c: {  	s7 =	simm.s32 $0x0;
	s20 =	sshll.u32 s5, $0x1;
	s5 =	sadd.s32 s21, s3  }
0x9d: {  	[timem:s7], [sflag:s22] =	dma.local [hbm:s5], s20  }
0x9e: {  	_ =	swait.ge [sflag:s22], s20  }
0x9f: {  	s4 =	ssub.s32 $0x0, s20;
	[sflag:s22] =	ssyncset.done $0x0  }
0xa0: {  	[sflag:s22] =	ssyncadd.s32 s4;
	_ =	sdelay $0x1  }
0xa1: {  	s23 =	simm.s32 $0x1B8B  }
0xa2: {  	_ =	swait.ge [sflag:s23], $0x1  }
0xa3: {  	[sflag:s23] =	ssyncset.done $0x0  }
0xa4: {  	s25 =	simm.s32 $0x1B8E;
	s24 =	sld [smem:$0x3FFE];
	[sflag:s23] =	ssyncadd.s32 $0xFFFFFFFF  }
0xa5: {  	s26 =	simm.s32 $execute0_lowered;
	[smem:$0x3FD2] =	sst s25  }
0xa6: {  	s5 =	sshll.u32 s26, $0x1;
	_ =	strace $0x80000046;
	[dreg:$0x1] =	wrdreg $0xFFFFFFFF  }
0xa7: {  	s28 =	simm.s32 $_size_execute0_lowered;
	s3 =	sadd.s32 s3, s5;
	[dreg:$0x0] =	wrdreg $0x0  }
0xa8: {  	s5 =	sshll.u32 s28, $0x1;
	[dreg:$0x2] =	wrdreg s3  }
0xa9: {  	[dreg:$0x3] =	wrdreg s5  }
0xaa: {  	[dreg:$0x4] =	wrdreg $0xC0  }
0xab: {  	_ =	task [dreg:s7], $0x5FFFF  }
0xac: {  	[dreg:$0x1] =	wrdreg $0xFFFFFFFF  }
0xad: {  	[dreg:$0x0] =	wrdreg $0x60  }
0xae: {  	[dreg:$0x2] =	wrdreg s24  }
0xaf: {  	[dreg:$0x3] =	wrdreg s2  }
0xb0: {  	[dreg:$0x4] =	wrdreg $0x9  }
0xb1: {  	_ =	task.clear_ibuf [dreg:s7], $0x5FFFF;
	_ =	strace $0x90000046  }
0xb2: {  	s29 =	simm.s32 $0x9;
	_ =	strace $0x80000048  }
0xb3: {  	_ =	swait.ge [sflag:s29], $0x1  }
0xb4: {  	[sflag:s29] =	ssyncadd.s32 $0xFFFFFFFF  }
0xb5: {  	_ =	strace $0x90000048  }
0xb6: {  	_ =	sfence  }
0xb7: {  	s30 =	sld [smem:$0x0];
	_ =	sdelay $0x2  }
0xb8: {  	s31 =	sshll.u32 s1, $0xD;
	s1 =	sshrl.u32 s1, $0x2  }
0xb9: {  	s3 =	sand.u32 $0x4000, s31;
	s1 =	sadd.s32 s1, s30  }
0xba: {  	s0 =	sor.u32 s3, s0;
	s1 =	sshll.u32 s1, $0x11  }
0xbb: {  	s0 =	sor.u32 s1, s0  }
0xbc: {  	s0 =	sadd.s32 $0x8F2B, s0  }
0xbd: {  	[sflag:s0] =	ssyncadd.remote.s32 $0x1  }
0xbe: {  	_ =	sfence.sel $0xFFFF  }
0xbf: {  	[dreg:$0x0] =	wrdreg $0xFFFFFFFF;
	(pc) =	sbr.abs _section_cstart, $3  }
0xc0: {  	[dreg:$0x1] =	wrdreg $0xFFFFFFFF  }
0xc1: {  	_ =	task.clear_ibuf [dreg:s7], $0x2FFFF;
	_ =	strace $0x9FFFFFFF  }
0xc2: {  	(tm) =	ssettm $0x7FFFFFFF  }
0xc3: {  	_ =	shalt  }
tec
execute0_lowered:
.L_overlay_start_1:
0x0: {  	(tag) =	ssettag $0x1  }
0x1: {  	s13 =	rddreg [dreg:$0x0]  }
0x2: {  	s3 =	rddreg [dreg:$0x1];
	s2 =	srdreg.scid  }
0x3: {  	s0 =	rddreg [dreg:$0x2];
	s1 =	stileid.u32;
	s4 =	sand.u32 $0x1, s2  }
0x4: {  	s2 =	simm.s32 $0x0;
	s5 =	sshll.u32 s1, $0x6;
	s6 =	sshll.u32 s4, $0x5  }
0x5: {  	[smem:$0x7FF] =	sst s2;
	s7 =	sor.u32 s6, s5  }
0x6: {  	s8 =	sadd.s32 $0xC38820, s13;
	_ =	strace $0x80000047;
	s5 =	sshrl.u32 s7, $0x3  }
0x7: {  	s6 =	sadd.s32 $0xC38800, s13;
	s16 =	sshll.u32 s7, $0x4;
	s3 =	sadd.s32 s3, s5  }
0x8: {  	s7 =	sadd.s32 $0xC38810, s13;
	s22 =	sadd.s32 s6, s16;
	[dreg:$0x3] =	wrdreg s3  }
0x9: {  	s9 =	sadd.s32 $0xC38830, s13;
	s23 =	sadd.s32 s16, s7;
	[dreg:$0x4] =	wrdreg s22  }
0xa: {  	s10 =	sadd.s32 $0xC38840, s13;
	s24 =	sadd.s32 s16, s8;
	[dreg:$0x5] =	wrdreg s23  }
0xb: {  	s11 =	sadd.s32 $0xC38850, s13;
	s25 =	sadd.s32 s16, s9;
	[dreg:$0x6] =	wrdreg s24  }
0xc: {  	s12 =	sadd.s32 $0xC38860, s13;
	s26 =	sadd.s32 s16, s10;
	[dreg:$0x7] =	wrdreg s25  }
0xd: {  	s14 =	sadd.s32 $0xC38870, s13;
	s28 =	sadd.s32 s16, s11;
	[dreg:$0x8] =	wrdreg s26  }
0xe: {  	s29 =	sadd.s32 s16, s12;
	s15 =	sor.u32 $0x1, s5;
	[dreg:$0x9] =	wrdreg s28  }
0xf: {  	s30 =	sadd.s32 s16, s14;
	[dreg:$0xa] =	wrdreg s29;
	s31 =	sshll.u32 s15, $0x7  }
0x10: {  	[dreg:$0xb] =	wrdreg s30;
	s18 =	sadd.s32 s6, s31  }
0x11: {  	s19 =	sadd.s32 s31, s7;
	[dreg:$0xc] =	wrdreg s18  }
0x12: {  	s20 =	sadd.s32 s31, s8;
	[dreg:$0xd] =	wrdreg s19  }
0x13: {  	s21 =	sadd.s32 s31, s9;
	[dreg:$0xe] =	wrdreg s20  }
0x14: {  	s22 =	sadd.s32 s31, s10;
	[dreg:$0xf] =	wrdreg s21  }
0x15: {  	s23 =	sadd.s32 s31, s11;
	[dreg:$0x10] =	wrdreg s22  }
0x16: {  	s17 =	sor.u32 $0x2, s5;
	s24 =	sadd.s32 s31, s12;
	[dreg:$0x11] =	wrdreg s23  }
0x17: {  	s26 =	sshll.u32 s17, $0x7;
	s25 =	sadd.s32 s31, s14;
	[dreg:$0x12] =	wrdreg s24  }
0x18: {  	s28 =	sadd.s32 s26, s7;
	[dreg:$0x13] =	wrdreg s25  }
0x19: {  	s4 =	ssub.s32 $0x2, s4;
	s29 =	sadd.s32 s26, s8;
	[dreg:$0x15] =	wrdreg s28  }
0x1a: {  	s3 =	sadd.s32 $0x800, s13;
	s30 =	sadd.s32 s26, s9;
	[dreg:$0x16] =	wrdreg s29  }
0x1b: {  	s31 =	sadd.s32 s26, s10;
	s16 =	sadd.s32 s26, s14;
	[dreg:$0x17] =	wrdreg s30  }
0x1c: {  	s18 =	sadd.s32 s6, s26;
	s19 =	sshrl.u32 s4, $0x1;
	[dreg:$0x18] =	wrdreg s31  }
0x1d: {  	s20 =	sadd.s32 s26, s11;
	s21 =	sadd.s32 s26, s12;
	[dreg:$0x1b] =	wrdreg s16  }
0x1e: {  	s16 =	simm.s32 $0x1;
	[dreg:$0x14] =	wrdreg s18;
	s19 =	ssub.s32 s4, s19  }
0x1f: {  	s4 =	smul.u32 $0xC3800, s5;
	[dreg:$0x19] =	wrdreg s20;
	s20 =	sor.u32 $0x3, s5  }
0x20: {  	[dreg:$0x1a] =	wrdreg s21;
	s5 =	sadd.s32 $0x810, s13;
	s22 =	sshll.u32 s20, $0x7  }
0x21: {  	s23 =	sadd.s32 s6, s22;
	s6 =	sadd.s32 $0x820, s13;
	s24 =	sadd.s32 s22, s7  }
0x22: {  	s7 =	sadd.s32 $0x830, s13;
	s25 =	sadd.s32 s22, s8;
	[dreg:$0x1c] =	wrdreg s23  }
0x23: {  	s8 =	sadd.s32 $0x840, s13;
	s26 =	sadd.s32 s22, s9;
	[dreg:$0x1d] =	wrdreg s24  }
0x24: {  	s9 =	sadd.s32 $0x850, s13;
	s28 =	sadd.s32 s22, s10;
	[dreg:$0x1e] =	wrdreg s25  }
0x25: {  	s10 =	sadd.s32 $0x860, s13;
	s29 =	sadd.s32 s22, s11;
	[dreg:$0x1f] =	wrdreg s26  }
0x26: {  	s11 =	smul.u32 $0xC3800, s15;
	s30 =	sadd.s32 s22, s12;
	[smem:$0x7FA] =	sst s28  }
0x27: {  	s12 =	smul.u32 $0xC3800, s17;
	s31 =	sadd.s32 s22, s14;
	[smem:$0x7FB] =	sst s29  }
0x28: {  	s13 =	sadd.s32 $0x870, s13;
	s14 =	smul.u32 $0xC3800, s20;
	[smem:$0x7FC] =	sst s30  }
0x29: {  	s15 =	smax.u32 s19, $0x1;
	s17 =	simm.s32 $0x80;
	[smem:$0x7FD] =	sst s31  }
.LBB2_1:
0x2a: {  	s18 =	rddreg [dreg:$0x3]  }
0x2b: {  	[tilespmem:s2], [sflag:$0x1] =	stream.linear.gather [hbm4b:s18+s2], $0x20, $0x38;
	[tilespmem:$0x100] =	vst v63  }
0x2c: {  	_ =	swait.ge [sflag:s16], $0x20  }
0x2d: {  	[sflag:s16] =	ssyncset.done $0x0  }
0x2e: {  	[sflag:s16] =	ssyncadd.s32 $0xFFFFFFE0  }
0x2f: {  	v0 =	vld [tilespmem:$0x0];
	_ =	sdelay $0x4  }
0x30: {  	(v2sf) =	vpush v0, $0x0;
	_ =	sdelay $0xe  }
0x31: {  	s21 =	spop (v2sf)  }
0x32: {  	s19 =	sand.u32 $0xF, s21  }
0x33: {  	s22 =	sshra.s32 s21, $0x1F;
	p1 =	slt.s32 s21, $0x1;
	p0 =	sne.s32 s19, $0x0  }
0x34: {  	s19 =	sshrl.u32 s22, $0x1C;
	p0 =	por !p1, !p0  }
0x35: {  	s18 =	sadd.s32 s19, s21;
	s19 =	simm.s32 $0x1;
	p0 =	por !p0, !p0  }
0x36: {  	s18 =	sshra.s32 s18, $0x4;
	s19 =	simm.s32 @!p0 $0x0  }
0x37: {  	s18 =	ssub.s32 s18, s19  }
0x38: {  	s19 =	sshll.u32 s18, $0x7  }
0x39: {  	s18 =	sshll.u32 s18, $0x4;
	s19 =	sand.u32 $0xFFFFFC00, s19  }
0x3a: {  	s18 =	sand.u32 $0x70, s18;
	s19 =	sadd.s32 s4, s19  }
0x3b: {  	s18 =	sor.u32 s18, s19  }
0x3c: {  	s18 =	sshrl.u32 s18, $0x3  }
0x3d: {  	s18 =	sadd.s32 s3, s18  }
0x3e: {  	[tilespmem:s17], [sflag:$0x1] =	stream.linear.gather [hbm4b:s18+s2], $0x10, $0x38;
	[tilespmem:$0x100] =	vst v63  }
0x3f: {  	_ =	swait.ge [sflag:s16], $0x10  }
0x40: {  	[sflag:s16] =	ssyncset.done $0x0  }
0x41: {  	s23 =	rddreg [dreg:$0x4];
	[sflag:s16] =	ssyncadd.s32 $0xFFFFFFF0  }
0x42: {  	[hbm4b:s23+s2] =	stream.linear.scatter [tilespmem:s17], [sflag:$0x1], $0x80, $0x38;
	[tilespmem:$0x100] =	vst v63  }
0x43: {  	_ =	swait.ge [sflag:s16], $0x80  }
0x44: {  	(v2sf) =	vpush v0, $0x1;
	_ =	sdelay $0xe  }
0x45: {  	s24 =	spop (v2sf)  }
0x46: {  	s25 =	sand.u32 $0xF, s24  }
0x47: {  	s26 =	sshra.s32 s24, $0x1F;
	p6 =	slt.s32 s24, $0x1;
	p5 =	sne.s32 s25, $0x0  }
0x48: {  	s19 =	sshrl.u32 s26, $0x1C;
	p0 =	por !p6, !p5  }
0x49: {  	s18 =	sadd.s32 s19, s24;
	s19 =	simm.s32 $0x1;
	p0 =	por !p0, !p0  }
0x4a: {  	s18 =	sshra.s32 s18, $0x4;
	s19 =	simm.s32 @!p0 $0x0  }
0x4b: {  	s18 =	ssub.s32 s18, s19  }
0x4c: {  	s19 =	sshll.u32 s18, $0x7  }
0x4d: {  	s18 =	sshll.u32 s18, $0x4;
	s19 =	sand.u32 $0xFFFFFC00, s19  }
0x4e: {  	s18 =	sand.u32 $0x70, s18;
	s19 =	sadd.s32 s4, s19  }
0x4f: {  	s18 =	sor.u32 s18, s19  }
0x50: {  	[sflag:s16] =	ssyncset.done $0x0;
	s18 =	sshrl.u32 s18, $0x3  }
0x51: {  	[sflag:s16] =	ssyncadd.s32 $0xFFFFFF80;
	s18 =	sadd.s32 s18, s5  }
0x52: {  	[tilespmem:s17], [sflag:$0x1] =	stream.linear.gather [hbm4b:s18+s2], $0x10, $0x38;
	[tilespmem:$0x100] =	vst v63  }
0x53: {  	_ =	swait.ge [sflag:s16], $0x10  }
0x54: {  	[sflag:s16] =	ssyncset.done $0x0  }
0x55: {  	s28 =	rddreg [dreg:$0x5];
	[sflag:s16] =	ssyncadd.s32 $0xFFFFFFF0  }
0x56: {  	[hbm4b:s28+s2] =	stream.linear.scatter [tilespmem:s17], [sflag:$0x1], $0x80, $0x38;
	[tilespmem:$0x100] =	vst v63  }
0x57: {  	_ =	swait.ge [sflag:s16], $0x80  }
0x58: {  	(v2sf) =	vpush v0, $0x2;
	_ =	sdelay $0xe  }
0x59: {  	s29 =	spop (v2sf)  }
0x5a: {  	s30 =	sand.u32 $0xF, s29  }
0x5b: {  	s31 =	sshra.s32 s29, $0x1F;
	p2 =	slt.s32 s29, $0x1;
	p1 =	sne.s32 s30, $0x0  }
0x5c: {  	s19 =	sshrl.u32 s31, $0x1C;
	p0 =	por !p2, !p1  }
0x5d: {  	s18 =	sadd.s32 s19, s29;
	s19 =	simm.s32 $0x1;
	p0 =	por !p0, !p0  }
0x5e: {  	s18 =	sshra.s32 s18, $0x4;
	s19 =	simm.s32 @!p0 $0x0  }
0x5f: {  	s18 =	ssub.s32 s18, s19  }
0x60: {  	s19 =	sshll.u32 s18, $0x7  }
0x61: {  	s18 =	sshll.u32 s18, $0x4;
	s19 =	sand.u32 $0xFFFFFC00, s19  }
0x62: {  	s18 =	sand.u32 $0x70, s18;
	s19 =	sadd.s32 s4, s19  }
0x63: {  	s18 =	sor.u32 s18, s19  }
0x64: {  	[sflag:s16] =	ssyncset.done $0x0;
	s18 =	sshrl.u32 s18, $0x3  }
0x65: {  	[sflag:s16] =	ssyncadd.s32 $0xFFFFFF80;
	s18 =	sadd.s32 s18, s6  }
0x66: {  	[tilespmem:s17], [sflag:$0x1] =	stream.linear.gather [hbm4b:s18+s2], $0x10, $0x38;
	[tilespmem:$0x100] =	vst v63  }
0x67: {  	_ =	swait.ge [sflag:s16], $0x10  }
0x68: {  	[sflag:s16] =	ssyncset.done $0x0  }
0x69: {  	s19 =	rddreg [dreg:$0x6];
	[sflag:s16] =	ssyncadd.s32 $0xFFFFFFF0  }
0x6a: {  	[hbm4b:s19+s2] =	stream.linear.scatter [tilespmem:s17], [sflag:$0x1], $0x80, $0x38;
	[tilespmem:$0x100] =	vst v63  }
0x6b: {  	_ =	swait.ge [sflag:s16], $0x80  }
0x6c: {  	(v2sf) =	vpush v0, $0x3;
	_ =	sdelay $0xe  }
0x6d: {  	s20 =	spop (v2sf)  }
0x6e: {  	s21 =	sand.u32 $0xF, s20  }
0x6f: {  	s22 =	sshra.s32 s20, $0x1F;
	p4 =	slt.s32 s20, $0x1;
	p3 =	sne.s32 s21, $0x0  }
0x70: {  	s19 =	sshrl.u32 s22, $0x1C;
	p0 =	por !p4, !p3  }
0x71: {  	s18 =	sadd.s32 s19, s20;
	s19 =	simm.s32 $0x1;
	p0 =	por !p0, !p0  }
0x72: {  	s18 =	sshra.s32 s18, $0x4;
	s19 =	simm.s32 @!p0 $0x0  }
0x73: {  	s18 =	ssub.s32 s18, s19  }
0x74: {  	s19 =	sshll.u32 s18, $0x7  }
0x75: {  	s18 =	sshll.u32 s18, $0x4;
	s19 =	sand.u32 $0xFFFFFC00, s19  }
0x76: {  	s18 =	sand.u32 $0x70, s18;
	s19 =	sadd.s32 s4, s19  }
0x77: {  	s18 =	sor.u32 s18, s19  }
0x78: {  	[sflag:s16] =	ssyncset.done $0x0;
	s18 =	sshrl.u32 s18, $0x3  }
0x79: {  	[sflag:s16] =	ssyncadd.s32 $0xFFFFFF80;
	s18 =	sadd.s32 s18, s7  }
0x7a: {  	[tilespmem:s17], [sflag:$0x1] =	stream.linear.gather [hbm4b:s18+s2], $0x10, $0x38;
	[tilespmem:$0x100] =	vst v63  }
0x7b: {  	_ =	swait.ge [sflag:s16], $0x10  }
0x7c: {  	[sflag:s16] =	ssyncset.done $0x0  }
0x7d: {  	s23 =	rddreg [dreg:$0x7];
	[sflag:s16] =	ssyncadd.s32 $0xFFFFFFF0  }
0x7e: {  	[hbm4b:s23+s2] =	stream.linear.scatter [tilespmem:s17], [sflag:$0x1], $0x80, $0x38;
	[tilespmem:$0x100] =	vst v63  }
0x7f: {  	_ =	swait.ge [sflag:s16], $0x80  }
0x80: {  	(v2sf) =	vpush v0, $0x4;
	_ =	sdelay $0xe  }
0x81: {  	s24 =	spop (v2sf)  }
0x82: {  	s25 =	sand.u32 $0xF, s24  }
0x83: {  	s26 =	sshra.s32 s24, $0x1F;
	p6 =	slt.s32 s24, $0x1;
	p5 =	sne.s32 s25, $0x0  }
0x84: {  	s19 =	sshrl.u32 s26, $0x1C;
	p0 =	por !p6, !p5  }
0x85: {  	s18 =	sadd.s32 s19, s24;
	s19 =	simm.s32 $0x1;
	p0 =	por !p0, !p0  }
0x86: {  	s18 =	sshra.s32 s18, $0x4;
	s19 =	simm.s32 @!p0 $0x0  }
0x87: {  	s18 =	ssub.s32 s18, s19  }
0x88: {  	s19 =	sshll.u32 s18, $0x7  }
0x89: {  	s18 =	sshll.u32 s18, $0x4;
	s19 =	sand.u32 $0xFFFFFC00, s19  }
0x8a: {  	s18 =	sand.u32 $0x70, s18;
	s19 =	sadd.s32 s4, s19  }
0x8b: {  	s18 =	sor.u32 s18, s19  }
0x8c: {  	[sflag:s16] =	ssyncset.done $0x0;
	s18 =	sshrl.u32 s18, $0x3  }
0x8d: {  	[sflag:s16] =	ssyncadd.s32 $0xFFFFFF80;
	s18 =	sadd.s32 s18, s8  }
0x8e: {  	[tilespmem:s17], [sflag:$0x1] =	stream.linear.gather [hbm4b:s18+s2], $0x10, $0x38;
	[tilespmem:$0x100] =	vst v63  }
0x8f: {  	_ =	swait.ge [sflag:s16], $0x10  }
0x90: {  	[sflag:s16] =	ssyncset.done $0x0  }
0x91: {  	s28 =	rddreg [dreg:$0x8];
	[sflag:s16] =	ssyncadd.s32 $0xFFFFFFF0  }
0x92: {  	[hbm4b:s28+s2] =	stream.linear.scatter [tilespmem:s17], [sflag:$0x1], $0x80, $0x38;
	[tilespmem:$0x100] =	vst v63  }
0x93: {  	_ =	swait.ge [sflag:s16], $0x80  }
0x94: {  	(v2sf) =	vpush v0, $0x5;
	_ =	sdelay $0xe  }
0x95: {  	s29 =	spop (v2sf)  }
0x96: {  	s30 =	sand.u32 $0xF, s29  }
0x97: {  	s31 =	sshra.s32 s29, $0x1F;
	p2 =	slt.s32 s29, $0x1;
	p1 =	sne.s32 s30, $0x0  }
0x98: {  	s19 =	sshrl.u32 s31, $0x1C;
	p0 =	por !p2, !p1  }
0x99: {  	s18 =	sadd.s32 s19, s29;
	s19 =	simm.s32 $0x1;
	p0 =	por !p0, !p0  }
0x9a: {  	s18 =	sshra.s32 s18, $0x4;
	s19 =	simm.s32 @!p0 $0x0  }
0x9b: {  	s18 =	ssub.s32 s18, s19  }
0x9c: {  	s19 =	sshll.u32 s18, $0x7  }
0x9d: {  	s18 =	sshll.u32 s18, $0x4;
	s19 =	sand.u32 $0xFFFFFC00, s19  }
0x9e: {  	s18 =	sand.u32 $0x70, s18;
	s19 =	sadd.s32 s4, s19  }
0x9f: {  	s18 =	sor.u32 s18, s19  }
0xa0: {  	[sflag:s16] =	ssyncset.done $0x0;
	s18 =	sshrl.u32 s18, $0x3  }
0xa1: {  	[sflag:s16] =	ssyncadd.s32 $0xFFFFFF80;
	s18 =	sadd.s32 s18, s9  }
0xa2: {  	[tilespmem:s17], [sflag:$0x1] =	stream.linear.gather [hbm4b:s18+s2], $0x10, $0x38;
	[tilespmem:$0x100] =	vst v63  }
0xa3: {  	_ =	swait.ge [sflag:s16], $0x10  }
0xa4: {  	[sflag:s16] =	ssyncset.done $0x0  }
0xa5: {  	s19 =	rddreg [dreg:$0x9];
	[sflag:s16] =	ssyncadd.s32 $0xFFFFFFF0  }
0xa6: {  	[hbm4b:s19+s2] =	stream.linear.scatter [tilespmem:s17], [sflag:$0x1], $0x80, $0x38;
	[tilespmem:$0x100] =	vst v63  }
0xa7: {  	_ =	swait.ge [sflag:s16], $0x80  }
0xa8: {  	(v2sf) =	vpush v0, $0x6;
	_ =	sdelay $0xe  }
0xa9: {  	s20 =	spop (v2sf)  }
0xaa: {  	s21 =	sand.u32 $0xF, s20  }
0xab: {  	s22 =	sshra.s32 s20, $0x1F;
	p4 =	slt.s32 s20, $0x1;
	p3 =	sne.s32 s21, $0x0  }
0xac: {  	s19 =	sshrl.u32 s22, $0x1C;
	p0 =	por !p4, !p3  }
0xad: {  	s18 =	sadd.s32 s19, s20;
	s19 =	simm.s32 $0x1;
	p0 =	por !p0, !p0  }
0xae: {  	s18 =	sshra.s32 s18, $0x4;
	s19 =	simm.s32 @!p0 $0x0  }
0xaf: {  	s18 =	ssub.s32 s18, s19  }
0xb0: {  	s19 =	sshll.u32 s18, $0x7  }
0xb1: {  	s18 =	sshll.u32 s18, $0x4;
	s19 =	sand.u32 $0xFFFFFC00, s19  }
0xb2: {  	s18 =	sand.u32 $0x70, s18;
	s19 =	sadd.s32 s4, s19  }
0xb3: {  	s18 =	sor.u32 s18, s19  }
0xb4: {  	[sflag:s16] =	ssyncset.done $0x0;
	s18 =	sshrl.u32 s18, $0x3  }
0xb5: {  	[sflag:s16] =	ssyncadd.s32 $0xFFFFFF80;
	s18 =	sadd.s32 s18, s10  }
0xb6: {  	[tilespmem:s17], [sflag:$0x1] =	stream.linear.gather [hbm4b:s18+s2], $0x10, $0x38;
	[tilespmem:$0x100] =	vst v63  }
0xb7: {  	_ =	swait.ge [sflag:s16], $0x10  }
0xb8: {  	[sflag:s16] =	ssyncset.done $0x0  }
0xb9: {  	s23 =	rddreg [dreg:$0xa];
	[sflag:s16] =	ssyncadd.s32 $0xFFFFFFF0  }
0xba: {  	[hbm4b:s23+s2] =	stream.linear.scatter [tilespmem:s17], [sflag:$0x1], $0x80, $0x38;
	[tilespmem:$0x100] =	vst v63  }
0xbb: {  	_ =	swait.ge [sflag:s16], $0x80  }
0xbc: {  	(v2sf) =	vpush v0, $0x7;
	_ =	sdelay $0xe  }
0xbd: {  	s24 =	spop (v2sf)  }
0xbe: {  	s25 =	sand.u32 $0xF, s24  }
0xbf: {  	s26 =	sshra.s32 s24, $0x1F;
	p6 =	slt.s32 s24, $0x1;
	p5 =	sne.s32 s25, $0x0  }
0xc0: {  	s19 =	sshrl.u32 s26, $0x1C;
	p0 =	por !p6, !p5  }
0xc1: {  	s18 =	sadd.s32 s19, s24;
	s19 =	simm.s32 $0x1;
	p0 =	por !p0, !p0  }
0xc2: {  	s18 =	sshra.s32 s18, $0x4;
	s19 =	simm.s32 @!p0 $0x0  }
0xc3: {  	s18 =	ssub.s32 s18, s19  }
0xc4: {  	s19 =	sshll.u32 s18, $0x7  }
0xc5: {  	s18 =	sshll.u32 s18, $0x4;
	s19 =	sand.u32 $0xFFFFFC00, s19  }
0xc6: {  	s18 =	sand.u32 $0x70, s18;
	s19 =	sadd.s32 s4, s19  }
0xc7: {  	s18 =	sor.u32 s18, s19  }
0xc8: {  	[sflag:s16] =	ssyncset.done $0x0;
	s18 =	sshrl.u32 s18, $0x3  }
0xc9: {  	[sflag:s16] =	ssyncadd.s32 $0xFFFFFF80;
	s18 =	sadd.s32 s18, s13  }
0xca: {  	[tilespmem:s17], [sflag:$0x1] =	stream.linear.gather [hbm4b:s18+s2], $0x10, $0x38;
	[tilespmem:$0x100] =	vst v63  }
0xcb: {  	_ =	swait.ge [sflag:s16], $0x10  }
0xcc: {  	[sflag:s16] =	ssyncset.done $0x0  }
0xcd: {  	s28 =	rddreg [dreg:$0xb];
	[sflag:s16] =	ssyncadd.s32 $0xFFFFFFF0  }
0xce: {  	[hbm4b:s28+s2] =	stream.linear.scatter [tilespmem:s17], [sflag:$0x1], $0x80, $0x38;
	[tilespmem:$0x100] =	vst v63  }
0xcf: {  	_ =	swait.ge [sflag:s16], $0x80  }
0xd0: {  	(v2sf) =	vpush v0, $0x8;
	_ =	sdelay $0xe  }
0xd1: {  	s29 =	spop (v2sf)  }
0xd2: {  	s30 =	sand.u32 $0xF, s29  }
0xd3: {  	s31 =	sshra.s32 s29, $0x1F;
	p2 =	slt.s32 s29, $0x1;
	p1 =	sne.s32 s30, $0x0  }
0xd4: {  	s19 =	sshrl.u32 s31, $0x1C;
	p0 =	por !p2, !p1  }
0xd5: {  	s18 =	sadd.s32 s19, s29;
	s19 =	simm.s32 $0x1;
	p0 =	por !p0, !p0  }
0xd6: {  	s18 =	sshra.s32 s18, $0x4;
	s19 =	simm.s32 @!p0 $0x0  }
0xd7: {  	s18 =	ssub.s32 s18, s19  }
0xd8: {  	s19 =	sshll.u32 s18, $0x7  }
0xd9: {  	s18 =	sshll.u32 s18, $0x4;
	s19 =	sand.u32 $0xFFFFFC00, s19  }
0xda: {  	s18 =	sand.u32 $0x70, s18;
	s19 =	sadd.s32 s11, s19  }
0xdb: {  	s18 =	sor.u32 s18, s19  }
0xdc: {  	[sflag:s16] =	ssyncset.done $0x0;
	s18 =	sshrl.u32 s18, $0x3  }
0xdd: {  	[sflag:s16] =	ssyncadd.s32 $0xFFFFFF80;
	s18 =	sadd.s32 s3, s18  }
0xde: {  	[tilespmem:s17], [sflag:$0x1] =	stream.linear.gather [hbm4b:s18+s2], $0x10, $0x38;
	[tilespmem:$0x100] =	vst v63  }
0xdf: {  	_ =	swait.ge [sflag:s16], $0x10  }
0xe0: {  	[sflag:s16] =	ssyncset.done $0x0  }
0xe1: {  	s19 =	rddreg [dreg:$0xc];
	[sflag:s16] =	ssyncadd.s32 $0xFFFFFFF0  }
0xe2: {  	[hbm4b:s19+s2] =	stream.linear.scatter [tilespmem:s17], [sflag:$0x1], $0x80, $0x38;
	[tilespmem:$0x100] =	vst v63  }
0xe3: {  	_ =	swait.ge [sflag:s16], $0x80  }
0xe4: {  	(v2sf) =	vpush v0, $0x9;
	_ =	sdelay $0xe  }
0xe5: {  	s20 =	spop (v2sf)  }
0xe6: {  	s21 =	sand.u32 $0xF, s20  }
0xe7: {  	s22 =	sshra.s32 s20, $0x1F;
	p4 =	slt.s32 s20, $0x1;
	p3 =	sne.s32 s21, $0x0  }
0xe8: {  	s19 =	sshrl.u32 s22, $0x1C;
	p0 =	por !p4, !p3  }
0xe9: {  	s18 =	sadd.s32 s19, s20;
	s19 =	simm.s32 $0x1;
	p0 =	por !p0, !p0  }
0xea: {  	s18 =	sshra.s32 s18, $0x4;
	s19 =	simm.s32 @!p0 $0x0  }
0xeb: {  	s18 =	ssub.s32 s18, s19  }
0xec: {  	s19 =	sshll.u32 s18, $0x7  }
0xed: {  	s18 =	sshll.u32 s18, $0x4;
	s19 =	sand.u32 $0xFFFFFC00, s19  }
0xee: {  	s18 =	sand.u32 $0x70, s18;
	s19 =	sadd.s32 s11, s19  }
0xef: {  	s18 =	sor.u32 s18, s19  }
0xf0: {  	[sflag:s16] =	ssyncset.done $0x0;
	s18 =	sshrl.u32 s18, $0x3  }
0xf1: {  	[sflag:s16] =	ssyncadd.s32 $0xFFFFFF80;
	s18 =	sadd.s32 s18, s5  }
0xf2: {  	[tilespmem:s17], [sflag:$0x1] =	stream.linear.gather [hbm4b:s18+s2], $0x10, $0x38;
	[tilespmem:$0x100] =	vst v63  }
0xf3: {  	_ =	swait.ge [sflag:s16], $0x10  }
0xf4: {  	[sflag:s16] =	ssyncset.done $0x0  }
0xf5: {  	s23 =	rddreg [dreg:$0xd];
	[sflag:s16] =	ssyncadd.s32 $0xFFFFFFF0  }
0xf6: {  	[hbm4b:s23+s2] =	stream.linear.scatter [tilespmem:s17], [sflag:$0x1], $0x80, $0x38;
	[tilespmem:$0x100] =	vst v63  }
0xf7: {  	_ =	swait.ge [sflag:s16], $0x80  }
0xf8: {  	(v2sf) =	vpush v0, $0xA;
	_ =	sdelay $0xe  }
0xf9: {  	s24 =	spop (v2sf)  }
0xfa: {  	s25 =	sand.u32 $0xF, s24  }
0xfb: {  	s26 =	sshra.s32 s24, $0x1F;
	p6 =	slt.s32 s24, $0x1;
	p5 =	sne.s32 s25, $0x0  }
0xfc: {  	s19 =	sshrl.u32 s26, $0x1C;
	p0 =	por !p6, !p5  }
0xfd: {  	s18 =	sadd.s32 s19, s24;
	s19 =	simm.s32 $0x1;
	p0 =	por !p0, !p0  }
0xfe: {  	s18 =	sshra.s32 s18, $0x4;
	s19 =	simm.s32 @!p0 $0x0  }
0xff: {  	s18 =	ssub.s32 s18, s19  }
0x100: {  	s19 =	sshll.u32 s18, $0x7  }
0x101: {  	s18 =	sshll.u32 s18, $0x4;
	s19 =	sand.u32 $0xFFFFFC00, s19  }
0x102: {  	s18 =	sand.u32 $0x70, s18;
	s19 =	sadd.s32 s11, s19  }
0x103: {  	s18 =	sor.u32 s18, s19  }
0x104: {  	[sflag:s16] =	ssyncset.done $0x0;
	s18 =	sshrl.u32 s18, $0x3  }
0x105: {  	[sflag:s16] =	ssyncadd.s32 $0xFFFFFF80;
	s18 =	sadd.s32 s18, s6  }
0x106: {  	[tilespmem:s17], [sflag:$0x1] =	stream.linear.gather [hbm4b:s18+s2], $0x10, $0x38;
	[tilespmem:$0x100] =	vst v63  }
0x107: {  	_ =	swait.ge [sflag:s16], $0x10  }
0x108: {  	[sflag:s16] =	ssyncset.done $0x0  }
0x109: {  	s28 =	rddreg [dreg:$0xe];
	[sflag:s16] =	ssyncadd.s32 $0xFFFFFFF0  }
0x10a: {  	[hbm4b:s28+s2] =	stream.linear.scatter [tilespmem:s17], [sflag:$0x1], $0x80, $0x38;
	[tilespmem:$0x100] =	vst v63  }
0x10b: {  	_ =	swait.ge [sflag:s16], $0x80  }
0x10c: {  	(v2sf) =	vpush v0, $0xB;
	_ =	sdelay $0xe  }
0x10d: {  	s29 =	spop (v2sf)  }
0x10e: {  	s30 =	sand.u32 $0xF, s29  }
0x10f: {  	s31 =	sshra.s32 s29, $0x1F;
	p2 =	slt.s32 s29, $0x1;
	p1 =	sne.s32 s30, $0x0  }
0x110: {  	s19 =	sshrl.u32 s31, $0x1C;
	p0 =	por !p2, !p1  }
0x111: {  	s18 =	sadd.s32 s19, s29;
	s19 =	simm.s32 $0x1;
	p0 =	por !p0, !p0  }
0x112: {  	s18 =	sshra.s32 s18, $0x4;
	s19 =	simm.s32 @!p0 $0x0  }
0x113: {  	s18 =	ssub.s32 s18, s19  }
0x114: {  	s19 =	sshll.u32 s18, $0x7  }
0x115: {  	s18 =	sshll.u32 s18, $0x4;
	s19 =	sand.u32 $0xFFFFFC00, s19  }
0x116: {  	s18 =	sand.u32 $0x70, s18;
	s19 =	sadd.s32 s11, s19  }
0x117: {  	s18 =	sor.u32 s18, s19  }
0x118: {  	[sflag:s16] =	ssyncset.done $0x0;
	s18 =	sshrl.u32 s18, $0x3  }
0x119: {  	[sflag:s16] =	ssyncadd.s32 $0xFFFFFF80;
	s18 =	sadd.s32 s18, s7  }
0x11a: {  	[tilespmem:s17], [sflag:$0x1] =	stream.linear.gather [hbm4b:s18+s2], $0x10, $0x38;
	[tilespmem:$0x100] =	vst v63  }
0x11b: {  	_ =	swait.ge [sflag:s16], $0x10  }
0x11c: {  	[sflag:s16] =	ssyncset.done $0x0  }
0x11d: {  	s19 =	rddreg [dreg:$0xf];
	[sflag:s16] =	ssyncadd.s32 $0xFFFFFFF0  }
0x11e: {  	[hbm4b:s19+s2] =	stream.linear.scatter [tilespmem:s17], [sflag:$0x1], $0x80, $0x38;
	[tilespmem:$0x100] =	vst v63  }
0x11f: {  	_ =	swait.ge [sflag:s16], $0x80  }
0x120: {  	(v2sf) =	vpush v0, $0xC;
	_ =	sdelay $0xe  }
0x121: {  	s20 =	spop (v2sf)  }
0x122: {  	s21 =	sand.u32 $0xF, s20  }
0x123: {  	s22 =	sshra.s32 s20, $0x1F;
	p4 =	slt.s32 s20, $0x1;
	p3 =	sne.s32 s21, $0x0  }
0x124: {  	s19 =	sshrl.u32 s22, $0x1C;
	p0 =	por !p4, !p3  }
0x125: {  	s18 =	sadd.s32 s19, s20;
	s19 =	simm.s32 $0x1;
	p0 =	por !p0, !p0  }
0x126: {  	s18 =	sshra.s32 s18, $0x4;
	s19 =	simm.s32 @!p0 $0x0  }
0x127: {  	s18 =	ssub.s32 s18, s19  }
0x128: {  	s19 =	sshll.u32 s18, $0x7  }
0x129: {  	s18 =	sshll.u32 s18, $0x4;
	s19 =	sand.u32 $0xFFFFFC00, s19  }
0x12a: {  	s18 =	sand.u32 $0x70, s18;
	s19 =	sadd.s32 s11, s19  }
0x12b: {  	s18 =	sor.u32 s18, s19  }
0x12c: {  	[sflag:s16] =	ssyncset.done $0x0;
	s18 =	sshrl.u32 s18, $0x3  }
0x12d: {  	[sflag:s16] =	ssyncadd.s32 $0xFFFFFF80;
	s18 =	sadd.s32 s18, s8  }
0x12e: {  	[tilespmem:s17], [sflag:$0x1] =	stream.linear.gather [hbm4b:s18+s2], $0x10, $0x38;
	[tilespmem:$0x100] =	vst v63  }
0x12f: {  	_ =	swait.ge [sflag:s16], $0x10  }
0x130: {  	[sflag:s16] =	ssyncset.done $0x0  }
0x131: {  	s23 =	rddreg [dreg:$0x10];
	[sflag:s16] =	ssyncadd.s32 $0xFFFFFFF0  }
0x132: {  	[hbm4b:s23+s2] =	stream.linear.scatter [tilespmem:s17], [sflag:$0x1], $0x80, $0x38;
	[tilespmem:$0x100] =	vst v63  }
0x133: {  	_ =	swait.ge [sflag:s16], $0x80  }
0x134: {  	(v2sf) =	vpush v0, $0xD;
	_ =	sdelay $0xe  }
0x135: {  	s24 =	spop (v2sf)  }
0x136: {  	s25 =	sand.u32 $0xF, s24  }
0x137: {  	s26 =	sshra.s32 s24, $0x1F;
	p6 =	slt.s32 s24, $0x1;
	p5 =	sne.s32 s25, $0x0  }
0x138: {  	s19 =	sshrl.u32 s26, $0x1C;
	p0 =	por !p6, !p5  }
0x139: {  	s18 =	sadd.s32 s19, s24;
	s19 =	simm.s32 $0x1;
	p0 =	por !p0, !p0  }
0x13a: {  	s18 =	sshra.s32 s18, $0x4;
	s19 =	simm.s32 @!p0 $0x0  }
0x13b: {  	s18 =	ssub.s32 s18, s19  }
0x13c: {  	s19 =	sshll.u32 s18, $0x7  }
0x13d: {  	s18 =	sshll.u32 s18, $0x4;
	s19 =	sand.u32 $0xFFFFFC00, s19  }
0x13e: {  	s18 =	sand.u32 $0x70, s18;
	s19 =	sadd.s32 s11, s19  }
0x13f: {  	s18 =	sor.u32 s18, s19  }
0x140: {  	[sflag:s16] =	ssyncset.done $0x0;
	s18 =	sshrl.u32 s18, $0x3  }
0x141: {  	[sflag:s16] =	ssyncadd.s32 $0xFFFFFF80;
	s18 =	sadd.s32 s18, s9  }
0x142: {  	[tilespmem:s17], [sflag:$0x1] =	stream.linear.gather [hbm4b:s18+s2], $0x10, $0x38;
	[tilespmem:$0x100] =	vst v63  }
0x143: {  	_ =	swait.ge [sflag:s16], $0x10  }
0x144: {  	[sflag:s16] =	ssyncset.done $0x0  }
0x145: {  	s28 =	rddreg [dreg:$0x11];
	[sflag:s16] =	ssyncadd.s32 $0xFFFFFFF0  }
0x146: {  	[hbm4b:s28+s2] =	stream.linear.scatter [tilespmem:s17], [sflag:$0x1], $0x80, $0x38;
	[tilespmem:$0x100] =	vst v63  }
0x147: {  	_ =	swait.ge [sflag:s16], $0x80  }
0x148: {  	(v2sf) =	vpush v0, $0xE;
	_ =	sdelay $0xe  }
0x149: {  	s29 =	spop (v2sf)  }
0x14a: {  	s30 =	sand.u32 $0xF, s29  }
0x14b: {  	s31 =	sshra.s32 s29, $0x1F;
	p2 =	slt.s32 s29, $0x1;
	p1 =	sne.s32 s30, $0x0  }
0x14c: {  	s19 =	sshrl.u32 s31, $0x1C;
	p0 =	por !p2, !p1  }
0x14d: {  	s18 =	sadd.s32 s19, s29;
	s19 =	simm.s32 $0x1;
	p0 =	por !p0, !p0  }
0x14e: {  	s18 =	sshra.s32 s18, $0x4;
	s19 =	simm.s32 @!p0 $0x0  }
0x14f: {  	s18 =	ssub.s32 s18, s19  }
0x150: {  	s19 =	sshll.u32 s18, $0x7  }
0x151: {  	s18 =	sshll.u32 s18, $0x4;
	s19 =	sand.u32 $0xFFFFFC00, s19  }
0x152: {  	s18 =	sand.u32 $0x70, s18;
	s19 =	sadd.s32 s11, s19  }
0x153: {  	s18 =	sor.u32 s18, s19  }
0x154: {  	[sflag:s16] =	ssyncset.done $0x0;
	s18 =	sshrl.u32 s18, $0x3  }
0x155: {  	[sflag:s16] =	ssyncadd.s32 $0xFFFFFF80;
	s18 =	sadd.s32 s18, s10  }
0x156: {  	[tilespmem:s17], [sflag:$0x1] =	stream.linear.gather [hbm4b:s18+s2], $0x10, $0x38;
	[tilespmem:$0x100] =	vst v63  }
0x157: {  	_ =	swait.ge [sflag:s16], $0x10  }
0x158: {  	[sflag:s16] =	ssyncset.done $0x0  }
0x159: {  	s19 =	rddreg [dreg:$0x12];
	[sflag:s16] =	ssyncadd.s32 $0xFFFFFFF0  }
0x15a: {  	[hbm4b:s19+s2] =	stream.linear.scatter [tilespmem:s17], [sflag:$0x1], $0x80, $0x38;
	[tilespmem:$0x100] =	vst v63  }
0x15b: {  	_ =	swait.ge [sflag:s16], $0x80  }
0x15c: {  	(v2sf) =	vpush v0, $0xF;
	_ =	sdelay $0xe  }
0x15d: {  	s20 =	spop (v2sf)  }
0x15e: {  	s21 =	sand.u32 $0xF, s20  }
0x15f: {  	s22 =	sshra.s32 s20, $0x1F;
	p4 =	slt.s32 s20, $0x1;
	p3 =	sne.s32 s21, $0x0  }
0x160: {  	s19 =	sshrl.u32 s22, $0x1C;
	p0 =	por !p4, !p3  }
0x161: {  	s18 =	sadd.s32 s19, s20;
	s19 =	simm.s32 $0x1;
	p0 =	por !p0, !p0  }
0x162: {  	s18 =	sshra.s32 s18, $0x4;
	s19 =	simm.s32 @!p0 $0x0  }
0x163: {  	s18 =	ssub.s32 s18, s19  }
0x164: {  	s19 =	sshll.u32 s18, $0x7  }
0x165: {  	s18 =	sshll.u32 s18, $0x4;
	s19 =	sand.u32 $0xFFFFFC00, s19  }
0x166: {  	s18 =	sand.u32 $0x70, s18;
	s19 =	sadd.s32 s11, s19  }
0x167: {  	s18 =	sor.u32 s18, s19  }
0x168: {  	[sflag:s16] =	ssyncset.done $0x0;
	s18 =	sshrl.u32 s18, $0x3  }
0x169: {  	[sflag:s16] =	ssyncadd.s32 $0xFFFFFF80;
	s18 =	sadd.s32 s18, s13  }
0x16a: {  	[tilespmem:s17], [sflag:$0x1] =	stream.linear.gather [hbm4b:s18+s2], $0x10, $0x38;
	[tilespmem:$0x100] =	vst v63  }
0x16b: {  	_ =	swait.ge [sflag:s16], $0x10  }
0x16c: {  	[sflag:s16] =	ssyncset.done $0x0  }
0x16d: {  	s23 =	rddreg [dreg:$0x13];
	[sflag:s16] =	ssyncadd.s32 $0xFFFFFFF0  }
0x16e: {  	[hbm4b:s23+s2] =	stream.linear.scatter [tilespmem:s17], [sflag:$0x1], $0x80, $0x38;
	[tilespmem:$0x100] =	vst v63  }
0x16f: {  	_ =	swait.ge [sflag:s16], $0x80  }
0x170: {  	[sflag:s16] =	ssyncset.done $0x0  }
0x171: {  	[sflag:s16] =	ssyncadd.s32 $0xFFFFFF80  }
0x172: {  	v63 =	vld [tilespmem:$0x10];
	_ =	sdelay $0x4  }
0x173: {  	(v2sf) =	vpush v63, $0x0;
	_ =	sdelay $0xe  }
0x174: {  	s24 =	spop (v2sf)  }
0x175: {  	s25 =	sand.u32 $0xF, s24  }
0x176: {  	s26 =	sshra.s32 s24, $0x1F;
	p6 =	slt.s32 s24, $0x1;
	p5 =	sne.s32 s25, $0x0  }
0x177: {  	s19 =	sshrl.u32 s26, $0x1C;
	p0 =	por !p6, !p5  }
0x178: {  	s18 =	sadd.s32 s19, s24;
	s19 =	simm.s32 $0x1;
	p0 =	por !p0, !p0  }
0x179: {  	s18 =	sshra.s32 s18, $0x4;
	s19 =	simm.s32 @!p0 $0x0  }
0x17a: {  	s18 =	ssub.s32 s18, s19  }
0x17b: {  	s19 =	sshll.u32 s18, $0x7  }
0x17c: {  	s18 =	sshll.u32 s18, $0x4;
	s19 =	sand.u32 $0xFFFFFC00, s19  }
0x17d: {  	s18 =	sand.u32 $0x70, s18;
	s19 =	sadd.s32 s12, s19  }
0x17e: {  	s18 =	sor.u32 s18, s19  }
0x17f: {  	s18 =	sshrl.u32 s18, $0x3  }
0x180: {  	s18 =	sadd.s32 s3, s18  }
0x181: {  	[tilespmem:s17], [sflag:$0x1] =	stream.linear.gather [hbm4b:s18+s2], $0x10, $0x38;
	[tilespmem:$0x100] =	vst v63  }
0x182: {  	_ =	swait.ge [sflag:s16], $0x10  }
0x183: {  	[sflag:s16] =	ssyncset.done $0x0  }
0x184: {  	s28 =	rddreg [dreg:$0x14];
	[sflag:s16] =	ssyncadd.s32 $0xFFFFFFF0  }
0x185: {  	[hbm4b:s28+s2] =	stream.linear.scatter [tilespmem:s17], [sflag:$0x1], $0x80, $0x38;
	[tilespmem:$0x100] =	vst v63  }
0x186: {  	_ =	swait.ge [sflag:s16], $0x80  }
0x187: {  	(v2sf) =	vpush v63, $0x1;
	_ =	sdelay $0xe  }
0x188: {  	s29 =	spop (v2sf)  }
0x189: {  	s30 =	sand.u32 $0xF, s29  }
0x18a: {  	s31 =	sshra.s32 s29, $0x1F;
	p2 =	slt.s32 s29, $0x1;
	p1 =	sne.s32 s30, $0x0  }
0x18b: {  	s19 =	sshrl.u32 s31, $0x1C;
	p0 =	por !p2, !p1  }
0x18c: {  	s18 =	sadd.s32 s19, s29;
	s19 =	simm.s32 $0x1;
	p0 =	por !p0, !p0  }
0x18d: {  	s18 =	sshra.s32 s18, $0x4;
	s19 =	simm.s32 @!p0 $0x0  }
0x18e: {  	s18 =	ssub.s32 s18, s19  }
0x18f: {  	s19 =	sshll.u32 s18, $0x7  }
0x190: {  	s18 =	sshll.u32 s18, $0x4;
	s19 =	sand.u32 $0xFFFFFC00, s19  }
0x191: {  	s18 =	sand.u32 $0x70, s18;
	s19 =	sadd.s32 s12, s19  }
0x192: {  	s18 =	sor.u32 s18, s19  }
0x193: {  	[sflag:s16] =	ssyncset.done $0x0;
	s18 =	sshrl.u32 s18, $0x3  }
0x194: {  	[sflag:s16] =	ssyncadd.s32 $0xFFFFFF80;
	s18 =	sadd.s32 s18, s5  }
0x195: {  	[tilespmem:s17], [sflag:$0x1] =	stream.linear.gather [hbm4b:s18+s2], $0x10, $0x38;
	[tilespmem:$0x100] =	vst v63  }
0x196: {  	_ =	swait.ge [sflag:s16], $0x10  }
0x197: {  	[sflag:s16] =	ssyncset.done $0x0  }
0x198: {  	s19 =	rddreg [dreg:$0x15];
	[sflag:s16] =	ssyncadd.s32 $0xFFFFFFF0  }
0x199: {  	[hbm4b:s19+s2] =	stream.linear.scatter [tilespmem:s17], [sflag:$0x1], $0x80, $0x38;
	[tilespmem:$0x100] =	vst v63  }
0x19a: {  	_ =	swait.ge [sflag:s16], $0x80  }
0x19b: {  	(v2sf) =	vpush v63, $0x2;
	_ =	sdelay $0xe  }
0x19c: {  	s20 =	spop (v2sf)  }
0x19d: {  	s21 =	sand.u32 $0xF, s20  }
0x19e: {  	s22 =	sshra.s32 s20, $0x1F;
	p4 =	slt.s32 s20, $0x1;
	p3 =	sne.s32 s21, $0x0  }
0x19f: {  	s19 =	sshrl.u32 s22, $0x1C;
	p0 =	por !p4, !p3  }
0x1a0: {  	s18 =	sadd.s32 s19, s20;
	s19 =	simm.s32 $0x1;
	p0 =	por !p0, !p0  }
0x1a1: {  	s18 =	sshra.s32 s18, $0x4;
	s19 =	simm.s32 @!p0 $0x0  }
0x1a2: {  	s18 =	ssub.s32 s18, s19  }
0x1a3: {  	s19 =	sshll.u32 s18, $0x7  }
0x1a4: {  	s18 =	sshll.u32 s18, $0x4;
	s19 =	sand.u32 $0xFFFFFC00, s19  }
0x1a5: {  	s18 =	sand.u32 $0x70, s18;
	s19 =	sadd.s32 s12, s19  }
0x1a6: {  	s18 =	sor.u32 s18, s19  }
0x1a7: {  	[sflag:s16] =	ssyncset.done $0x0;
	s18 =	sshrl.u32 s18, $0x3  }
0x1a8: {  	[sflag:s16] =	ssyncadd.s32 $0xFFFFFF80;
	s18 =	sadd.s32 s18, s6  }
0x1a9: {  	[tilespmem:s17], [sflag:$0x1] =	stream.linear.gather [hbm4b:s18+s2], $0x10, $0x38;
	[tilespmem:$0x100] =	vst v63  }
0x1aa: {  	_ =	swait.ge [sflag:s16], $0x10  }
0x1ab: {  	[sflag:s16] =	ssyncset.done $0x0  }
0x1ac: {  	s23 =	rddreg [dreg:$0x16];
	[sflag:s16] =	ssyncadd.s32 $0xFFFFFFF0  }
0x1ad: {  	[hbm4b:s23+s2] =	stream.linear.scatter [tilespmem:s17], [sflag:$0x1], $0x80, $0x38;
	[tilespmem:$0x100] =	vst v63  }
0x1ae: {  	_ =	swait.ge [sflag:s16], $0x80  }
0x1af: {  	(v2sf) =	vpush v63, $0x3;
	_ =	sdelay $0xe  }
0x1b0: {  	s24 =	spop (v2sf)  }
0x1b1: {  	s25 =	sand.u32 $0xF, s24  }
0x1b2: {  	s26 =	sshra.s32 s24, $0x1F;
	p6 =	slt.s32 s24, $0x1;
	p5 =	sne.s32 s25, $0x0  }
0x1b3: {  	s19 =	sshrl.u32 s26, $0x1C;
	p0 =	por !p6, !p5  }
0x1b4: {  	s18 =	sadd.s32 s19, s24;
	s19 =	simm.s32 $0x1;
	p0 =	por !p0, !p0  }
0x1b5: {  	s18 =	sshra.s32 s18, $0x4;
	s19 =	simm.s32 @!p0 $0x0  }
0x1b6: {  	s18 =	ssub.s32 s18, s19  }
0x1b7: {  	s19 =	sshll.u32 s18, $0x7  }
0x1b8: {  	s18 =	sshll.u32 s18, $0x4;
	s19 =	sand.u32 $0xFFFFFC00, s19  }
0x1b9: {  	s18 =	sand.u32 $0x70, s18;
	s19 =	sadd.s32 s12, s19  }
0x1ba: {  	s18 =	sor.u32 s18, s19  }
0x1bb: {  	[sflag:s16] =	ssyncset.done $0x0;
	s18 =	sshrl.u32 s18, $0x3  }
0x1bc: {  	[sflag:s16] =	ssyncadd.s32 $0xFFFFFF80;
	s18 =	sadd.s32 s18, s7  }
0x1bd: {  	[tilespmem:s17], [sflag:$0x1] =	stream.linear.gather [hbm4b:s18+s2], $0x10, $0x38;
	[tilespmem:$0x100] =	vst v63  }
0x1be: {  	_ =	swait.ge [sflag:s16], $0x10  }
0x1bf: {  	[sflag:s16] =	ssyncset.done $0x0  }
0x1c0: {  	s28 =	rddreg [dreg:$0x17];
	[sflag:s16] =	ssyncadd.s32 $0xFFFFFFF0  }
0x1c1: {  	[hbm4b:s28+s2] =	stream.linear.scatter [tilespmem:s17], [sflag:$0x1], $0x80, $0x38;
	[tilespmem:$0x100] =	vst v63  }
0x1c2: {  	_ =	swait.ge [sflag:s16], $0x80  }
0x1c3: {  	(v2sf) =	vpush v63, $0x4;
	_ =	sdelay $0xe  }
0x1c4: {  	s29 =	spop (v2sf)  }
0x1c5: {  	s30 =	sand.u32 $0xF, s29  }
0x1c6: {  	s31 =	sshra.s32 s29, $0x1F;
	p2 =	slt.s32 s29, $0x1;
	p1 =	sne.s32 s30, $0x0  }
0x1c7: {  	s19 =	sshrl.u32 s31, $0x1C;
	p0 =	por !p2, !p1  }
0x1c8: {  	s18 =	sadd.s32 s19, s29;
	s19 =	simm.s32 $0x1;
	p0 =	por !p0, !p0  }
0x1c9: {  	s18 =	sshra.s32 s18, $0x4;
	s19 =	simm.s32 @!p0 $0x0  }
0x1ca: {  	s18 =	ssub.s32 s18, s19  }
0x1cb: {  	s19 =	sshll.u32 s18, $0x7  }
0x1cc: {  	s18 =	sshll.u32 s18, $0x4;
	s19 =	sand.u32 $0xFFFFFC00, s19  }
0x1cd: {  	s18 =	sand.u32 $0x70, s18;
	s19 =	sadd.s32 s12, s19  }
0x1ce: {  	s18 =	sor.u32 s18, s19  }
0x1cf: {  	[sflag:s16] =	ssyncset.done $0x0;
	s18 =	sshrl.u32 s18, $0x3  }
0x1d0: {  	[sflag:s16] =	ssyncadd.s32 $0xFFFFFF80;
	s18 =	sadd.s32 s18, s8  }
0x1d1: {  	[tilespmem:s17], [sflag:$0x1] =	stream.linear.gather [hbm4b:s18+s2], $0x10, $0x38;
	[tilespmem:$0x100] =	vst v63  }
0x1d2: {  	_ =	swait.ge [sflag:s16], $0x10  }
0x1d3: {  	[sflag:s16] =	ssyncset.done $0x0  }
0x1d4: {  	s19 =	rddreg [dreg:$0x18];
	[sflag:s16] =	ssyncadd.s32 $0xFFFFFFF0  }
0x1d5: {  	[hbm4b:s19+s2] =	stream.linear.scatter [tilespmem:s17], [sflag:$0x1], $0x80, $0x38;
	[tilespmem:$0x100] =	vst v63  }
0x1d6: {  	_ =	swait.ge [sflag:s16], $0x80  }
0x1d7: {  	(v2sf) =	vpush v63, $0x5;
	_ =	sdelay $0xe  }
0x1d8: {  	s20 =	spop (v2sf)  }
0x1d9: {  	s21 =	sand.u32 $0xF, s20  }
0x1da: {  	s22 =	sshra.s32 s20, $0x1F;
	p4 =	slt.s32 s20, $0x1;
	p3 =	sne.s32 s21, $0x0  }
0x1db: {  	s19 =	sshrl.u32 s22, $0x1C;
	p0 =	por !p4, !p3  }
0x1dc: {  	s18 =	sadd.s32 s19, s20;
	s19 =	simm.s32 $0x1;
	p0 =	por !p0, !p0  }
0x1dd: {  	s18 =	sshra.s32 s18, $0x4;
	s19 =	simm.s32 @!p0 $0x0  }
0x1de: {  	s18 =	ssub.s32 s18, s19  }
0x1df: {  	s19 =	sshll.u32 s18, $0x7  }
0x1e0: {  	s18 =	sshll.u32 s18, $0x4;
	s19 =	sand.u32 $0xFFFFFC00, s19  }
0x1e1: {  	s18 =	sand.u32 $0x70, s18;
	s19 =	sadd.s32 s12, s19  }
0x1e2: {  	s18 =	sor.u32 s18, s19  }
0x1e3: {  	[sflag:s16] =	ssyncset.done $0x0;
	s18 =	sshrl.u32 s18, $0x3  }
0x1e4: {  	[sflag:s16] =	ssyncadd.s32 $0xFFFFFF80;
	s18 =	sadd.s32 s18, s9  }
0x1e5: {  	[tilespmem:s17], [sflag:$0x1] =	stream.linear.gather [hbm4b:s18+s2], $0x10, $0x38;
	[tilespmem:$0x100] =	vst v63  }
0x1e6: {  	_ =	swait.ge [sflag:s16], $0x10  }
0x1e7: {  	[sflag:s16] =	ssyncset.done $0x0  }
0x1e8: {  	s23 =	rddreg [dreg:$0x19];
	[sflag:s16] =	ssyncadd.s32 $0xFFFFFFF0  }
0x1e9: {  	[hbm4b:s23+s2] =	stream.linear.scatter [tilespmem:s17], [sflag:$0x1], $0x80, $0x38;
	[tilespmem:$0x100] =	vst v63  }
0x1ea: {  	_ =	swait.ge [sflag:s16], $0x80  }
0x1eb: {  	(v2sf) =	vpush v63, $0x6;
	_ =	sdelay $0xe  }
0x1ec: {  	s24 =	spop (v2sf)  }
0x1ed: {  	s25 =	sand.u32 $0xF, s24  }
0x1ee: {  	s26 =	sshra.s32 s24, $0x1F;
	p6 =	slt.s32 s24, $0x1;
	p5 =	sne.s32 s25, $0x0  }
0x1ef: {  	s19 =	sshrl.u32 s26, $0x1C;
	p0 =	por !p6, !p5  }
0x1f0: {  	s18 =	sadd.s32 s19, s24;
	s19 =	simm.s32 $0x1;
	p0 =	por !p0, !p0  }
0x1f1: {  	s18 =	sshra.s32 s18, $0x4;
	s19 =	simm.s32 @!p0 $0x0  }
0x1f2: {  	s18 =	ssub.s32 s18, s19  }
0x1f3: {  	s19 =	sshll.u32 s18, $0x7  }
0x1f4: {  	s18 =	sshll.u32 s18, $0x4;
	s19 =	sand.u32 $0xFFFFFC00, s19  }
0x1f5: {  	s18 =	sand.u32 $0x70, s18;
	s19 =	sadd.s32 s12, s19  }
0x1f6: {  	s18 =	sor.u32 s18, s19  }
0x1f7: {  	[sflag:s16] =	ssyncset.done $0x0;
	s18 =	sshrl.u32 s18, $0x3  }
0x1f8: {  	[sflag:s16] =	ssyncadd.s32 $0xFFFFFF80;
	s18 =	sadd.s32 s18, s10  }
0x1f9: {  	[tilespmem:s17], [sflag:$0x1] =	stream.linear.gather [hbm4b:s18+s2], $0x10, $0x38;
	[tilespmem:$0x100] =	vst v63  }
0x1fa: {  	_ =	swait.ge [sflag:s16], $0x10  }
0x1fb: {  	[sflag:s16] =	ssyncset.done $0x0  }
0x1fc: {  	s28 =	rddreg [dreg:$0x1a];
	[sflag:s16] =	ssyncadd.s32 $0xFFFFFFF0  }
0x1fd: {  	[hbm4b:s28+s2] =	stream.linear.scatter [tilespmem:s17], [sflag:$0x1], $0x80, $0x38;
	[tilespmem:$0x100] =	vst v63  }
0x1fe: {  	_ =	swait.ge [sflag:s16], $0x80  }
0x1ff: {  	(v2sf) =	vpush v63, $0x7;
	_ =	sdelay $0xe  }
0x200: {  	s29 =	spop (v2sf)  }
0x201: {  	s30 =	sand.u32 $0xF, s29  }
0x202: {  	s31 =	sshra.s32 s29, $0x1F;
	p2 =	slt.s32 s29, $0x1;
	p1 =	sne.s32 s30, $0x0  }
0x203: {  	s19 =	sshrl.u32 s31, $0x1C;
	p0 =	por !p2, !p1  }
0x204: {  	s18 =	sadd.s32 s19, s29;
	s19 =	simm.s32 $0x1;
	p0 =	por !p0, !p0  }
0x205: {  	s18 =	sshra.s32 s18, $0x4;
	s19 =	simm.s32 @!p0 $0x0  }
0x206: {  	s18 =	ssub.s32 s18, s19  }
0x207: {  	s19 =	sshll.u32 s18, $0x7  }
0x208: {  	s18 =	sshll.u32 s18, $0x4;
	s19 =	sand.u32 $0xFFFFFC00, s19  }
0x209: {  	s18 =	sand.u32 $0x70, s18;
	s19 =	sadd.s32 s12, s19  }
0x20a: {  	s18 =	sor.u32 s18, s19  }
0x20b: {  	[sflag:s16] =	ssyncset.done $0x0;
	s18 =	sshrl.u32 s18, $0x3  }
0x20c: {  	[sflag:s16] =	ssyncadd.s32 $0xFFFFFF80;
	s18 =	sadd.s32 s18, s13  }
0x20d: {  	[tilespmem:s17], [sflag:$0x1] =	stream.linear.gather [hbm4b:s18+s2], $0x10, $0x38;
	[tilespmem:$0x100] =	vst v63  }
0x20e: {  	_ =	swait.ge [sflag:s16], $0x10  }
0x20f: {  	[sflag:s16] =	ssyncset.done $0x0  }
0x210: {  	s20 =	rddreg [dreg:$0x1b];
	[sflag:s16] =	ssyncadd.s32 $0xFFFFFFF0  }
0x211: {  	[hbm4b:s20+s2] =	stream.linear.scatter [tilespmem:s17], [sflag:$0x1], $0x80, $0x38;
	[tilespmem:$0x100] =	vst v63  }
0x212: {  	_ =	swait.ge [sflag:s16], $0x80  }
0x213: {  	(v2sf) =	vpush v63, $0x8;
	_ =	sdelay $0xe  }
0x214: {  	s21 =	spop (v2sf)  }
0x215: {  	s22 =	sand.u32 $0xF, s21  }
0x216: {  	s23 =	sshra.s32 s21, $0x1F;
	p4 =	slt.s32 s21, $0x1;
	p3 =	sne.s32 s22, $0x0  }
0x217: {  	s19 =	sshrl.u32 s23, $0x1C;
	p0 =	por !p4, !p3  }
0x218: {  	s18 =	sadd.s32 s19, s21;
	s19 =	simm.s32 $0x1;
	p0 =	por !p0, !p0  }
0x219: {  	s18 =	sshra.s32 s18, $0x4;
	s19 =	simm.s32 @!p0 $0x0  }
0x21a: {  	s18 =	ssub.s32 s18, s19  }
0x21b: {  	s19 =	sshll.u32 s18, $0x7  }
0x21c: {  	s18 =	sshll.u32 s18, $0x4;
	s19 =	sand.u32 $0xFFFFFC00, s19  }
0x21d: {  	s18 =	sand.u32 $0x70, s18;
	s19 =	sadd.s32 s14, s19  }
0x21e: {  	s18 =	sor.u32 s18, s19  }
0x21f: {  	[sflag:s16] =	ssyncset.done $0x0;
	s18 =	sshrl.u32 s18, $0x3  }
0x220: {  	[sflag:s16] =	ssyncadd.s32 $0xFFFFFF80;
	s18 =	sadd.s32 s3, s18  }
0x221: {  	[tilespmem:s17], [sflag:$0x1] =	stream.linear.gather [hbm4b:s18+s2], $0x10, $0x38;
	[tilespmem:$0x100] =	vst v63  }
0x222: {  	_ =	swait.ge [sflag:s16], $0x10  }
0x223: {  	[sflag:s16] =	ssyncset.done $0x0  }
0x224: {  	s24 =	rddreg [dreg:$0x1c];
	[sflag:s16] =	ssyncadd.s32 $0xFFFFFFF0  }
0x225: {  	[hbm4b:s24+s2] =	stream.linear.scatter [tilespmem:s17], [sflag:$0x1], $0x80, $0x38;
	[tilespmem:$0x100] =	vst v63  }
0x226: {  	_ =	swait.ge [sflag:s16], $0x80  }
0x227: {  	(v2sf) =	vpush v63, $0x9;
	_ =	sdelay $0xe  }
0x228: {  	s25 =	spop (v2sf)  }
0x229: {  	s26 =	sand.u32 $0xF, s25  }
0x22a: {  	s28 =	sshra.s32 s25, $0x1F;
	p6 =	slt.s32 s25, $0x1;
	p5 =	sne.s32 s26, $0x0  }
0x22b: {  	s19 =	sshrl.u32 s28, $0x1C;
	p0 =	por !p6, !p5  }
0x22c: {  	s18 =	sadd.s32 s19, s25;
	s19 =	simm.s32 $0x1;
	p0 =	por !p0, !p0  }
0x22d: {  	s18 =	sshra.s32 s18, $0x4;
	s19 =	simm.s32 @!p0 $0x0  }
0x22e: {  	s18 =	ssub.s32 s18, s19  }
0x22f: {  	s19 =	sshll.u32 s18, $0x7  }
0x230: {  	s18 =	sshll.u32 s18, $0x4;
	s19 =	sand.u32 $0xFFFFFC00, s19  }
0x231: {  	s18 =	sand.u32 $0x70, s18;
	s19 =	sadd.s32 s14, s19  }
0x232: {  	s18 =	sor.u32 s18, s19  }
0x233: {  	[sflag:s16] =	ssyncset.done $0x0;
	s18 =	sshrl.u32 s18, $0x3  }
0x234: {  	[sflag:s16] =	ssyncadd.s32 $0xFFFFFF80;
	s18 =	sadd.s32 s18, s5  }
0x235: {  	[tilespmem:s17], [sflag:$0x1] =	stream.linear.gather [hbm4b:s18+s2], $0x10, $0x38;
	[tilespmem:$0x100] =	vst v63  }
0x236: {  	_ =	swait.ge [sflag:s16], $0x10  }
0x237: {  	[sflag:s16] =	ssyncset.done $0x0  }
0x238: {  	s29 =	rddreg [dreg:$0x1d];
	[sflag:s16] =	ssyncadd.s32 $0xFFFFFFF0  }
0x239: {  	[hbm4b:s29+s2] =	stream.linear.scatter [tilespmem:s17], [sflag:$0x1], $0x80, $0x38;
	[tilespmem:$0x100] =	vst v63  }
0x23a: {  	_ =	swait.ge [sflag:s16], $0x80  }
0x23b: {  	(v2sf) =	vpush v63, $0xA;
	_ =	sdelay $0xe  }
0x23c: {  	s30 =	spop (v2sf)  }
0x23d: {  	s31 =	sand.u32 $0xF, s30  }
0x23e: {  	s20 =	sshra.s32 s30, $0x1F;
	p2 =	slt.s32 s30, $0x1;
	p1 =	sne.s32 s31, $0x0  }
0x23f: {  	s19 =	sshrl.u32 s20, $0x1C;
	p0 =	por !p2, !p1  }
0x240: {  	s18 =	sadd.s32 s19, s30;
	s19 =	simm.s32 $0x1;
	p0 =	por !p0, !p0  }
0x241: {  	s18 =	sshra.s32 s18, $0x4;
	s19 =	simm.s32 @!p0 $0x0  }
0x242: {  	s18 =	ssub.s32 s18, s19  }
0x243: {  	s19 =	sshll.u32 s18, $0x7  }
0x244: {  	s18 =	sshll.u32 s18, $0x4;
	s19 =	sand.u32 $0xFFFFFC00, s19  }
0x245: {  	s18 =	sand.u32 $0x70, s18;
	s19 =	sadd.s32 s14, s19  }
0x246: {  	s18 =	sor.u32 s18, s19  }
0x247: {  	[sflag:s16] =	ssyncset.done $0x0;
	s18 =	sshrl.u32 s18, $0x3  }
0x248: {  	[sflag:s16] =	ssyncadd.s32 $0xFFFFFF80;
	s18 =	sadd.s32 s18, s6  }
0x249: {  	[tilespmem:s17], [sflag:$0x1] =	stream.linear.gather [hbm4b:s18+s2], $0x10, $0x38;
	[tilespmem:$0x100] =	vst v63  }
0x24a: {  	_ =	swait.ge [sflag:s16], $0x10  }
0x24b: {  	[sflag:s16] =	ssyncset.done $0x0  }
0x24c: {  	s21 =	rddreg [dreg:$0x1e];
	[sflag:s16] =	ssyncadd.s32 $0xFFFFFFF0  }
0x24d: {  	[hbm4b:s21+s2] =	stream.linear.scatter [tilespmem:s17], [sflag:$0x1], $0x80, $0x38;
	[tilespmem:$0x100] =	vst v63  }
0x24e: {  	_ =	swait.ge [sflag:s16], $0x80  }
0x24f: {  	(v2sf) =	vpush v63, $0xB;
	_ =	sdelay $0xe  }
0x250: {  	s22 =	spop (v2sf)  }
0x251: {  	s23 =	sand.u32 $0xF, s22  }
0x252: {  	s24 =	sshra.s32 s22, $0x1F;
	p4 =	slt.s32 s22, $0x1;
	p3 =	sne.s32 s23, $0x0  }
0x253: {  	s19 =	sshrl.u32 s24, $0x1C;
	p0 =	por !p4, !p3  }
0x254: {  	s18 =	sadd.s32 s19, s22;
	s19 =	simm.s32 $0x1;
	p0 =	por !p0, !p0  }
0x255: {  	s18 =	sshra.s32 s18, $0x4;
	s19 =	simm.s32 @!p0 $0x0  }
0x256: {  	s18 =	ssub.s32 s18, s19  }
0x257: {  	s19 =	sshll.u32 s18, $0x7  }
0x258: {  	s18 =	sshll.u32 s18, $0x4;
	s19 =	sand.u32 $0xFFFFFC00, s19  }
0x259: {  	s18 =	sand.u32 $0x70, s18;
	s19 =	sadd.s32 s14, s19  }
0x25a: {  	s18 =	sor.u32 s18, s19  }
0x25b: {  	[sflag:s16] =	ssyncset.done $0x0;
	s18 =	sshrl.u32 s18, $0x3  }
0x25c: {  	[sflag:s16] =	ssyncadd.s32 $0xFFFFFF80;
	s18 =	sadd.s32 s18, s7  }
0x25d: {  	[tilespmem:s17], [sflag:$0x1] =	stream.linear.gather [hbm4b:s18+s2], $0x10, $0x38;
	[tilespmem:$0x100] =	vst v63  }
0x25e: {  	_ =	swait.ge [sflag:s16], $0x10  }
0x25f: {  	[sflag:s16] =	ssyncset.done $0x0  }
0x260: {  	s25 =	rddreg [dreg:$0x1f];
	[sflag:s16] =	ssyncadd.s32 $0xFFFFFFF0  }
0x261: {  	[hbm4b:s25+s2] =	stream.linear.scatter [tilespmem:s17], [sflag:$0x1], $0x80, $0x38;
	[tilespmem:$0x100] =	vst v63  }
0x262: {  	_ =	swait.ge [sflag:s16], $0x80  }
0x263: {  	(v2sf) =	vpush v63, $0xC;
	_ =	sdelay $0xe  }
0x264: {  	s26 =	spop (v2sf)  }
0x265: {  	s28 =	sand.u32 $0xF, s26  }
0x266: {  	s29 =	sshra.s32 s26, $0x1F;
	p6 =	slt.s32 s26, $0x1;
	p5 =	sne.s32 s28, $0x0  }
0x267: {  	s19 =	sshrl.u32 s29, $0x1C;
	p0 =	por !p6, !p5  }
0x268: {  	s18 =	sadd.s32 s19, s26;
	s19 =	simm.s32 $0x1;
	p0 =	por !p0, !p0  }
0x269: {  	s18 =	sshra.s32 s18, $0x4;
	s19 =	simm.s32 @!p0 $0x0  }
0x26a: {  	s18 =	ssub.s32 s18, s19  }
0x26b: {  	s19 =	sshll.u32 s18, $0x7  }
0x26c: {  	s18 =	sshll.u32 s18, $0x4;
	s19 =	sand.u32 $0xFFFFFC00, s19  }
0x26d: {  	s18 =	sand.u32 $0x70, s18;
	s19 =	sadd.s32 s14, s19  }
0x26e: {  	s18 =	sor.u32 s18, s19  }
0x26f: {  	[sflag:s16] =	ssyncset.done $0x0;
	s18 =	sshrl.u32 s18, $0x3  }
0x270: {  	[sflag:s16] =	ssyncadd.s32 $0xFFFFFF80;
	s18 =	sadd.s32 s18, s8  }
0x271: {  	[tilespmem:s17], [sflag:$0x1] =	stream.linear.gather [hbm4b:s18+s2], $0x10, $0x38;
	[tilespmem:$0x100] =	vst v63  }
0x272: {  	_ =	swait.ge [sflag:s16], $0x10  }
0x273: {  	s30 =	sld [smem:$0x7FA]  }
0x274: {  	[sflag:s16] =	ssyncset.done $0x0  }
0x275: {  	[sflag:s16] =	ssyncadd.s32 $0xFFFFFFF0  }
0x276: {  	[hbm4b:s30+s2] =	stream.linear.scatter [tilespmem:s17], [sflag:$0x1], $0x80, $0x38;
	[tilespmem:$0x100] =	vst v63  }
0x277: {  	_ =	swait.ge [sflag:s16], $0x80  }
0x278: {  	(v2sf) =	vpush v63, $0xD;
	_ =	sdelay $0xe  }
0x279: {  	s31 =	spop (v2sf)  }
0x27a: {  	s20 =	sand.u32 $0xF, s31  }
0x27b: {  	s21 =	sshra.s32 s31, $0x1F;
	p2 =	slt.s32 s31, $0x1;
	p1 =	sne.s32 s20, $0x0  }
0x27c: {  	s19 =	sshrl.u32 s21, $0x1C;
	p0 =	por !p2, !p1  }
0x27d: {  	s18 =	sadd.s32 s19, s31;
	s19 =	simm.s32 $0x1;
	p0 =	por !p0, !p0  }
0x27e: {  	s18 =	sshra.s32 s18, $0x4;
	s19 =	simm.s32 @!p0 $0x0  }
0x27f: {  	s18 =	ssub.s32 s18, s19  }
0x280: {  	s19 =	sshll.u32 s18, $0x7  }
0x281: {  	s18 =	sshll.u32 s18, $0x4;
	s19 =	sand.u32 $0xFFFFFC00, s19  }
0x282: {  	s18 =	sand.u32 $0x70, s18;
	s19 =	sadd.s32 s14, s19  }
0x283: {  	s18 =	sor.u32 s18, s19  }
0x284: {  	[sflag:s16] =	ssyncset.done $0x0;
	s18 =	sshrl.u32 s18, $0x3  }
0x285: {  	[sflag:s16] =	ssyncadd.s32 $0xFFFFFF80;
	s18 =	sadd.s32 s18, s9  }
0x286: {  	[tilespmem:s17], [sflag:$0x1] =	stream.linear.gather [hbm4b:s18+s2], $0x10, $0x38;
	[tilespmem:$0x100] =	vst v63  }
0x287: {  	_ =	swait.ge [sflag:s16], $0x10  }
0x288: {  	s22 =	sld [smem:$0x7FB]  }
0x289: {  	[sflag:s16] =	ssyncset.done $0x0  }
0x28a: {  	[sflag:s16] =	ssyncadd.s32 $0xFFFFFFF0  }
0x28b: {  	[hbm4b:s22+s2] =	stream.linear.scatter [tilespmem:s17], [sflag:$0x1], $0x80, $0x38;
	[tilespmem:$0x100] =	vst v63  }
0x28c: {  	_ =	swait.ge [sflag:s16], $0x80  }
0x28d: {  	(v2sf) =	vpush v63, $0xE;
	_ =	sdelay $0xe  }
0x28e: {  	s23 =	spop (v2sf)  }
0x28f: {  	s24 =	sand.u32 $0xF, s23  }
0x290: {  	s25 =	sshra.s32 s23, $0x1F;
	p4 =	slt.s32 s23, $0x1;
	p3 =	sne.s32 s24, $0x0  }
0x291: {  	s19 =	sshrl.u32 s25, $0x1C;
	p0 =	por !p4, !p3  }
0x292: {  	s18 =	sadd.s32 s19, s23;
	s19 =	simm.s32 $0x1;
	p0 =	por !p0, !p0  }
0x293: {  	s18 =	sshra.s32 s18, $0x4;
	s19 =	simm.s32 @!p0 $0x0  }
0x294: {  	s18 =	ssub.s32 s18, s19  }
0x295: {  	s19 =	sshll.u32 s18, $0x7  }
0x296: {  	s18 =	sshll.u32 s18, $0x4;
	s19 =	sand.u32 $0xFFFFFC00, s19  }
0x297: {  	s18 =	sand.u32 $0x70, s18;
	s19 =	sadd.s32 s14, s19  }
0x298: {  	s18 =	sor.u32 s18, s19  }
0x299: {  	[sflag:s16] =	ssyncset.done $0x0;
	s18 =	sshrl.u32 s18, $0x3  }
0x29a: {  	[sflag:s16] =	ssyncadd.s32 $0xFFFFFF80;
	s18 =	sadd.s32 s18, s10  }
0x29b: {  	[tilespmem:s17], [sflag:$0x1] =	stream.linear.gather [hbm4b:s18+s2], $0x10, $0x38;
	[tilespmem:$0x100] =	vst v63  }
0x29c: {  	_ =	swait.ge [sflag:s16], $0x10  }
0x29d: {  	s26 =	sld [smem:$0x7FC]  }
0x29e: {  	[sflag:s16] =	ssyncset.done $0x0  }
0x29f: {  	[sflag:s16] =	ssyncadd.s32 $0xFFFFFFF0  }
0x2a0: {  	[hbm4b:s26+s2] =	stream.linear.scatter [tilespmem:s17], [sflag:$0x1], $0x80, $0x38;
	[tilespmem:$0x100] =	vst v63  }
0x2a1: {  	_ =	swait.ge [sflag:s16], $0x80  }
0x2a2: {  	(v2sf) =	vpush v63, $0xF;
	_ =	sdelay $0xe  }
0x2a3: {  	s28 =	spop (v2sf)  }
0x2a4: {  	s29 =	sand.u32 $0xF, s28  }
0x2a5: {  	s30 =	sshra.s32 s28, $0x1F;
	p6 =	slt.s32 s28, $0x1;
	p5 =	sne.s32 s29, $0x0  }
0x2a6: {  	s19 =	sshrl.u32 s30, $0x1C;
	p0 =	por !p6, !p5  }
0x2a7: {  	s18 =	sadd.s32 s19, s28;
	s19 =	simm.s32 $0x1;
	p0 =	por !p0, !p0  }
0x2a8: {  	s18 =	sshra.s32 s18, $0x4;
	s19 =	simm.s32 @!p0 $0x0  }
0x2a9: {  	s18 =	ssub.s32 s18, s19  }
0x2aa: {  	s19 =	sshll.u32 s18, $0x7  }
0x2ab: {  	s18 =	sshll.u32 s18, $0x4;
	s19 =	sand.u32 $0xFFFFFC00, s19  }
0x2ac: {  	s18 =	sand.u32 $0x70, s18;
	s19 =	sadd.s32 s14, s19  }
0x2ad: {  	s18 =	sor.u32 s18, s19  }
0x2ae: {  	[sflag:s16] =	ssyncset.done $0x0;
	s18 =	sshrl.u32 s18, $0x3  }
0x2af: {  	[sflag:s16] =	ssyncadd.s32 $0xFFFFFF80;
	s18 =	sadd.s32 s18, s13  }
0x2b0: {  	[tilespmem:s17], [sflag:$0x1] =	stream.linear.gather [hbm4b:s18+s2], $0x10, $0x38;
	[tilespmem:$0x100] =	vst v63  }
0x2b1: {  	_ =	swait.ge [sflag:s16], $0x10  }
0x2b2: {  	s31 =	sld [smem:$0x7FD]  }
0x2b3: {  	p0 =	sne.s32 s15, $0x1;
	[sflag:s16] =	ssyncset.done $0x0  }
.Ltmp0:
0x2b4: {  	[sflag:s16] =	ssyncadd.s32 $0xFFFFFFF0;
	(pc) =	sbr.rel @p0 .LBB2_1-.Ltmp0, $4  }
0x2b5: {  	[hbm4b:s31+s2] =	stream.linear.scatter [tilespmem:s17], [sflag:$0x1], $0x80, $0x38;
	[tilespmem:$0x100] =	vst v63  }
0x2b6: {  	_ =	swait.ge [sflag:s16], $0x80  }
0x2b7: {  	[sflag:s16] =	ssyncset.done $0x0  }
0x2b8: {  	s15 =	sadd.s32 $0xFFFFFFFF, s15;
	[sflag:s16] =	ssyncadd.s32 $0xFFFFFF80  }
0x2b9: {  	_ =	sfence.sel $0x180000  }
0x2ba: {  	[bflag:$0x0] =	sbarrier.arrive $0xFFFF  }
0x2bb: {  	p0 =	sne.s32 s1, $0x0;
	_ =	strace $0x90000047  }
0x2bc: {  	s0 =	sadd.s32 @!p0 $0x100000, s0;
	[bflag:$0x2] =	sbarrier.arrive $0xFFFF  }
0x2bd: {  	[sflag:s0] =	ssyncadd.tile.s32 @!p0 $0x1;
	_ =	shalt  }
.Lfunc_end2:
_tile_overlayer_lowered:
.L_overlay_start_2:
0x2be: {  	(tag) =	ssettag $0x2  }
0x2bf: {  	s0 =	rddreg [dreg:$0x0];
	s2 =	stileid.u32  }
0x2c0: {  	s1 =	rddreg [dreg:$0x1];
	p0 =	sne.s32 s2, $0x0  }
0x2c1: {  	s3 =	rddreg [dreg:$0x2];
	[bflag:$0x3] =	sbarrier.arrive $0xFFFF;
	s2 =	simm.s32 @!p0 $0x1C01  }
0x2c2: {  	[timem:s3], [sflag:s2] =	dma.local @!p0 [hbm:s0], s1  }
0x2c3: {  	s0 =	simm.s32 @!p0 $0x1  }
0x2c4: {  	_ =	swait.ge @!p0 [sflag:s0], s1  }
0x2c5: {  	s1 =	ssub.s32 @!p0 $0x0, s1;
	[sflag:s0] =	ssyncset.done @!p0 $0x0  }
0x2c6: {  	[sflag:s0] =	ssyncadd.s32 @!p0 s1  }
0x2c7: {  	[bflag:$0x3] =	sbarrier.arrive $0xFFFF  }
0x2c8: {  	_ =	shalt  }

</sc_bundles>
